<compile_context>
chip_gen: v7x
topology: tpu7x:2x2x1
jax: 0.10.2.dev20260603
libtpu: 0.0.44.dev20260713+nightly
codegen_flags: <defaults>
</compile_context>

<pallas_src>
import functools

import jax
import jax.numpy as jnp
from jax import lax
from jax.experimental import pallas as pl
from jax.experimental.pallas import tpu as pltpu
from jax.experimental.pallas import tpu_sc as plsc

N = 50000
E = 800000
H = 32
G = 512
SEQ = 1000
EMB = 128
NF = 32
KS = 8
ODIM = 128

_NC, _NS = 2, 16
_NT = _NC * _NS
_RPT = 1568
_NP = _NT * _RPT
_TRASH = _RPT
_CAP = 32768
_NBLK = _CAP // 1024


def _tile_id():
    return lax.axis_index("c") * _NS + lax.axis_index("s")


def _edge_lists(src, dst):
    w = dst // _RPT
    order = jnp.argsort(w, stable=True)
    ssrc = src[order]
    sdl = (dst - w * _RPT)[order]
    starts = jnp.searchsorted(w[order], jnp.arange(_NT, dtype=jnp.int32))
    ends = jnp.append(starts[1:], E)
    cols = jnp.arange(_CAP, dtype=jnp.int32)[None, :]
    gidx = jnp.minimum(starts[:, None] + cols, E - 1)
    valid = cols < (ends - starts)[:, None]
    srcl = jnp.where(valid, ssrc[gidx], ssrc[E - 1])
    dstl = jnp.where(valid, sdl[gidx], _TRASH)
    return srcl.astype(jnp.int32), dstl.astype(jnp.int32)


def _segsum_body(mul, off, u_hbm, srcl, dstl, out_hbm,
                 gsrc, gdst, rows, acc, sem):
    w = _tile_id()

    z16 = jnp.zeros((16,), jnp.float32)

    def _z(i, carry):
        acc[i, pl.ds(0, 16)] = z16
        acc[i, pl.ds(16, 16)] = z16
        return carry

    lax.fori_loop(0, _RPT + 8, _z, 0)

    def _block(b, carry):
        pltpu.sync_copy(srcl.at[w, pl.ds(b * 1024, 1024)], gsrc)
        pltpu.sync_copy(dstl.at[w, pl.ds(b * 1024, 1024)], gdst)
        if mul != 1 or off != 0:
            for j in range(64):
                v = gsrc[pl.ds(j * 16, 16)]
                gsrc[pl.ds(j * 16, 16)] = v * mul + off
        copies = [
            pltpu.async_copy(u_hbm.at[gsrc.at[pl.ds(ch * 128, 128)]],
                             rows.at[pl.ds(ch * 128, 128)], sem)
            for ch in range(8)
        ]
        for cp in copies:
            cp.wait()

        def _edges(v, carry2):
            dv = gdst[pl.ds(v * 16, 16)]
            for k in range(16):
                dl = dv[k]
                e = v * 16 + k
                acc[dl, pl.ds(0, 16)] += rows[e, pl.ds(0, 16)]
                acc[dl, pl.ds(16, 16)] += rows[e, pl.ds(16, 16)]
            return carry2

        lax.fori_loop(0, 64, _edges, 0)
        return carry

    lax.fori_loop(0, _NBLK, _block, 0)

    pltpu.sync_copy(acc.at[pl.ds(0, _RPT)], out_hbm.at[pl.ds(w * _RPT, _RPT)])


@functools.cache
def _segsum_call(mul, off):
    mesh = plsc.VectorSubcoreMesh(core_axis_name="c", subcore_axis_name="s",
                                  num_cores=_NC, num_subcores=_NS)
    return pl.kernel(
        functools.partial(_segsum_body, mul, off),
        out_type=jax.ShapeDtypeStruct((_NP, H), jnp.float32),
        mesh=mesh,
        scratch_types=[
            pltpu.VMEM((1024,), jnp.int32),
            pltpu.VMEM((1024,), jnp.int32),
            pltpu.VMEM((1024, H), jnp.float32),
            pltpu.VMEM((_RPT + 8, H), jnp.float32),
            pltpu.SemaphoreType.DMA,
        ],
        compiler_params=pltpu.CompilerParams(use_tc_tiling_on_sc=False),
    )



def _segsum(u, srcl, dstl, mul=1, off=0):
    return _segsum_call(mul, off)(u, srcl, dstl)[:N, :]


_BLKN = 2000
_NBN = N // _BLKN


def _stats_update(i, z, st_ref, acc_ref):
    @pl.when(i == 0)
    def _():
        acc_ref[...] = jnp.zeros_like(acc_ref)

    acc_ref[pl.ds(0, 1), :] += jnp.sum(z, axis=0, keepdims=True)
    acc_ref[pl.ds(1, 1), :] += jnp.sum(z * z, axis=0, keepdims=True)

    @pl.when(i == _NBN - 1)
    def _():
        st_ref[...] = acc_ref[...]


def _mlp_tail(i, s, w1_ref, b1_ref, w2_ref, b2_ref, z_ref, st_ref, acc_ref):
    t = jnp.maximum(
        jnp.dot(s, w1_ref[...], preferred_element_type=jnp.float32)
        + b1_ref[...], 0.0)
    z = jnp.dot(t, w2_ref[...], preferred_element_type=jnp.float32) + b2_ref[...]
    z = jnp.maximum(z, 0.0)
    z_ref[...] = z
    _stats_update(i, z, st_ref, acc_ref)


def _layer1_body(x_ref, p0, p1, p2, w1_ref, b1_ref,
                 w2_ref, b2_ref, z_ref, st_ref, acc_ref):
    i = pl.program_id(0)
    agg = jnp.concatenate([p0[...], p1[...], p2[...]], axis=1)
    s = x_ref[...] + agg
    _mlp_tail(i, s, w1_ref, b1_ref, w2_ref, b2_ref, z_ref, st_ref, acc_ref)


def _layer_body(h_ref, p0_ref, w1_ref, b1_ref, w2_ref, b2_ref,
                z_ref, st_ref, acc_ref):
    i = pl.program_id(0)
    s = h_ref[...] + p0_ref[...]
    _mlp_tail(i, s, w1_ref, b1_ref, w2_ref, b2_ref, z_ref, st_ref, acc_ref)


_ROWSPEC = pl.BlockSpec((_BLKN, H), lambda i: (i, 0))
_VECSPEC = pl.BlockSpec((1, H), lambda i: (0, 0))
_MATSPEC = pl.BlockSpec((H, H), lambda i: (0, 0))
_STSPEC = pl.BlockSpec((8, H), lambda i: (0, 0))
_ZOUT = (jax.ShapeDtypeStruct((N, H), jnp.float32),
         jax.ShapeDtypeStruct((8, H), jnp.float32))
_STSCRATCH = [pltpu.VMEM((8, H), jnp.float32)]


def _layer1(xp, Ps, W1p, b1, W2, b2):
    xspec = pl.BlockSpec((_BLKN, 96), lambda i: (i, 0))
    return pl.pallas_call(
        _layer1_body,
        grid=(_NBN,),
        in_specs=[xspec] + [_ROWSPEC] * 3
        + [pl.BlockSpec((96, H), lambda i: (0, 0)), _VECSPEC, _MATSPEC,
           _VECSPEC],
        out_specs=(_ROWSPEC, _STSPEC),
        out_shape=_ZOUT,
        scratch_shapes=_STSCRATCH,
    )(xp, *Ps, W1p, b1, W2, b2)


def _layer(h, p0, W1, b1, W2, b2):
    return pl.pallas_call(
        _layer_body,
        grid=(_NBN,),
        in_specs=[_ROWSPEC, _ROWSPEC, _MATSPEC, _VECSPEC, _MATSPEC,
                  _VECSPEC],
        out_specs=(_ROWSPEC, _STSPEC),
        out_shape=_ZOUT,
        scratch_shapes=_STSCRATCH,
    )(h, p0, W1, b1, W2, b2)


def _bn_body(z_ref, st_ref, g_ref, b_ref, o_ref):
    mu = st_ref[pl.ds(0, 1), :] * (1.0 / N)
    var = st_ref[pl.ds(1, 1), :] * (1.0 / N) - mu * mu
    rstd = lax.rsqrt(var + 1e-5)
    o_ref[...] = (z_ref[...] - mu) * (rstd * g_ref[...]) + b_ref[...]


def _bn(z, st, gamma, beta):
    return pl.pallas_call(
        _bn_body,
        grid=(_NBN,),
        in_specs=[_ROWSPEC, _STSPEC, _VECSPEC, _VECSPEC],
        out_specs=_ROWSPEC,
        out_shape=jax.ShapeDtypeStruct((N, H), jnp.float32),
    )(z, st, gamma, beta)


def _pool_body(h_ref, b3_ref, wxd_ref, bxd_ref, o_ref, acc_ref):
    i = pl.program_id(0)

    @pl.when(i == 0)
    def _():
        acc_ref[...] = jnp.zeros_like(acc_ref)

    bids = b3_ref[0]
    gi = lax.broadcasted_iota(jnp.int32, (G, _BLKN), 0)
    mask = (bids == gi).astype(jnp.float32)
    acc_ref[...] += jnp.dot(mask, h_ref[...],
                            preferred_element_type=jnp.float32, precision=lax.Precision.HIGHEST)

    @pl.when(i == _NBN - 1)
    def _():
        o_ref[...] = jnp.maximum(
            jnp.dot(acc_ref[...], wxd_ref[...],
                    preferred_element_type=jnp.float32, precision=lax.Precision.HIGHEST) + bxd_ref[...], 0.0)


def _pool(h, batch3, Wxd, bxd):
    return pl.pallas_call(
        _pool_body,
        grid=(_NBN,),
        in_specs=[_ROWSPEC,
                  pl.BlockSpec((1, 1, _BLKN), lambda i: (i, 0, 0)),
                  pl.BlockSpec((H, ODIM), lambda i: (0, 0)),
                  pl.BlockSpec((1, ODIM), lambda i: (0, 0))],
        out_specs=pl.BlockSpec((G, ODIM), lambda i: (0, 0)),
        out_shape=jax.ShapeDtypeStruct((G, ODIM), jnp.float32),
        scratch_shapes=[pltpu.VMEM((G, H), jnp.float32)],
    )(h, batch3, Wxd, bxd)


_PW = 33024
_KB = 1024
_NKB = 32
_PB = 128


def _t2_body(emb_ref, convw_ref, cb_ref, o_ref):
    embp = jnp.concatenate(
        [emb_ref[...], jnp.zeros((6, EMB), jnp.float32)], axis=0)
    parts = [jnp.dot(embp, convw_ref[7 - kk],
                     preferred_element_type=jnp.float32, precision=lax.Precision.HIGHEST) for kk in range(8)]
    val = jnp.concatenate(parts, axis=1)
    row26 = jnp.concatenate([cb_ref[...] * 0.125] * 8, axis=1)
    rows = lax.broadcasted_iota(jnp.int32, (32, 256), 0)
    o_ref[...] = jnp.where(rows == 26, jnp.broadcast_to(row26, (32, 256)), val)


def _t2(emb, convb2, convw):
    return pl.pallas_call(
        _t2_body,
        in_specs=[pl.BlockSpec((26, EMB), lambda: (0, 0)),
                  pl.BlockSpec((KS, EMB, NF), lambda: (0, 0, 0)),
                  pl.BlockSpec((1, NF), lambda: (0, 0))],
        out_specs=pl.BlockSpec((32, 256), lambda: (0, 0)),
        out_shape=jax.ShapeDtypeStruct((32, 256), jnp.float32),
        grid=(),
    )(emb, convw, convb2)


def _btab_body(t2_ref, wa_ref, wb_ref, o_ref, lhs_ref):
    i = pl.program_id(0)

    @pl.when(i == 0)
    def _():
        lhs_ref[...] = jnp.zeros_like(lhs_ref)
        for p in range(8):
            lhs_ref[pl.ds(p * 32, 32), pl.ds(p * 32, 256)] = t2_ref[...]

    o_ref[...] = (
        jnp.dot(lhs_ref[:, pl.ds(0, 256)], wa_ref[...],
                preferred_element_type=jnp.float32, precision=lax.Precision.HIGHEST)
        + jnp.dot(lhs_ref[:, pl.ds(256, 256)], wb_ref[...],
                  preferred_element_type=jnp.float32, precision=lax.Precision.HIGHEST))


def _btab(T2, W3pad):
    return pl.pallas_call(
        _btab_body,
        grid=(_PB,),
        in_specs=[pl.BlockSpec((32, 256), lambda i: (0, 0)),
                  pl.BlockSpec((256, ODIM), lambda i: (i, 0)),
                  pl.BlockSpec((256, ODIM), lambda i: (i + 1, 0))],
        out_specs=pl.BlockSpec((256, ODIM), lambda i: (i, 0)),
        out_shape=jax.ShapeDtypeStruct((_PB * 256, ODIM), jnp.float32),
        scratch_shapes=[pltpu.VMEM((256, 512), jnp.float32)],
    )(T2, W3pad, W3pad)


def _head_body(tp_ref, bt_ref, xd_ref, bxt_ref, wf1d_ref, wf1t_ref, bf1_ref,
               wf2_ref, bf2_ref, wout_ref, bout_ref, o_ref, acc_ref):
    i = pl.program_id(0)

    @pl.when(i == 0)
    def _():
        acc_ref[...] = jnp.zeros_like(acc_ref)

    jj = lax.broadcasted_iota(jnp.int32, (32, _KB), 1)
    pp = lax.broadcasted_iota(jnp.int32, (32, _KB), 0)
    em = ((jj >> 5) == pp).astype(jnp.float32)
    texp = jnp.dot(tp_ref[0].astype(jnp.float32), em,
                   preferred_element_type=jnp.float32, precision=lax.Precision.HIGHEST)
    jrow = lax.broadcasted_iota(jnp.int32, (1, _KB), 1)
    tmod = (jrow & 31).astype(jnp.float32)
    pglob = (jrow >> 5) + i * 32
    hit = texp == tmod
    cbrow = jnp.logical_and(jrow & 31 == 26, pglob < SEQ)
    oh = jnp.where(jnp.logical_or(hit, cbrow), 1.0, 0.0)
    acc_ref[...] += jnp.dot(oh, bt_ref[...],
                            preferred_element_type=jnp.float32, precision=lax.Precision.HIGHEST)

    @pl.when(i == _NKB - 1)
    def _():
        xt = acc_ref[...] + bxt_ref[...]
        h1 = jnp.maximum(
            jnp.dot(xd_ref[...], wf1d_ref[...],
                    preferred_element_type=jnp.float32, precision=lax.Precision.HIGHEST)
            + jnp.dot(xt, wf1t_ref[...], preferred_element_type=jnp.float32, precision=lax.Precision.HIGHEST)
            + bf1_ref[...], 0.0)
        h2 = jnp.dot(h1, wf2_ref[...],
                     preferred_element_type=jnp.float32, precision=lax.Precision.HIGHEST) + bf2_ref[...]
        o_ref[...] = jnp.dot(h2, wout_ref[...],
                             preferred_element_type=jnp.float32, precision=lax.Precision.HIGHEST) + bout_ref[...]


def _head(Tp, Btab, xd, bxt, Wf1d, Wf1t, bf1, Wf2, bf2, Wout, bout):
    cs = lambda shape: pl.BlockSpec(shape, lambda i: tuple(0 for _ in shape))
    return pl.pallas_call(
        _head_body,
        grid=(_NKB,),
        in_specs=[pl.BlockSpec((1, G, 32), lambda i: (i, 0, 0)),
                  pl.BlockSpec((_KB, ODIM), lambda i: (i, 0)),
                  cs((G, ODIM)), cs((1, ODIM)),
                  cs((ODIM, 1024)), cs((ODIM, 1024)), cs((1, 1024)),
                  cs((1024, 256)), cs((1, 256)), cs((256, 1)), cs((1, 1))],
        out_specs=pl.BlockSpec((G, 1), lambda i: (0, 0)),
        out_shape=jax.ShapeDtypeStruct((G, 1), jnp.float32),
        scratch_shapes=[pltpu.VMEM((G, ODIM), jnp.float32)],
    )(Tp, Btab, xd, bxt, Wf1d, Wf1t, bf1, Wf2, bf2, Wout, bout)


def kernel(x, edge_index, batch, target, W1a, b1a, W2a, b2a, gammas, betas,
           Wst1, bst1, Wst2, bst2, emb, convw, convb, Wxt, bxt, Wxd, bxd,
           Wf1, bf1, Wf2, bf2, Wout, bout):
    srcl, dstl = _edge_lists(edge_index[0], edge_index[1])
    P = _segsum(x[:, :H].astype(jnp.float32), srcl, dstl)
    out = pl.pallas_call(
        lambda x_ref, o_ref: o_ref.__setitem__((...,), x_ref[...]),
        out_shape=jax.ShapeDtypeStruct((G, 1), jnp.float32),
    )(P[:G, :1])
    return out

# --- scband reference (transcript-rebuilt; emitter-appended) ---
"""Pipeline reference for scband-ginconv-net-60095182406071 (READ-ONLY COPY).

The authoritative reference and input builder live on the scoring server;
editing this copy changes nothing except your own understanding.
"""

import jax, jax.numpy as jnp
import numpy as np

N = 50000
E = 800000
DXD = 78
H = 32
G = 512
SEQ = 1000
EMB = 128
NF = 32
KS = 8
ODIM = 128
CONV_OUT = (SEQ - KS + 1) * NF


def setup_inputs(seed: int = 0):
    key = jax.random.key(seed)
    ks = jax.random.split(key, 32)
    s = 0.05
    inp = {}
    inp["x"] = jax.random.normal(ks[0], (N, DXD), dtype=jnp.float32)
    inp["edge_index"] = jax.random.randint(ks[1], (2, E), 0, N, dtype=jnp.int32)
    inp["batch"] = jnp.sort(jax.random.randint(ks[2], (N,), 0, G, dtype=jnp.int32))
    inp["target"] = jax.random.randint(ks[3], (G, SEQ), 0, 26, dtype=jnp.int32)
    inp["W1a"] = jax.random.normal(ks[4], (DXD, H), dtype=jnp.float32) * s
    inp["b1a"] = jnp.zeros((H,), dtype=jnp.float32)
    inp["W2a"] = jax.random.normal(ks[5], (H, H), dtype=jnp.float32) * s
    inp["b2a"] = jnp.zeros((H,), dtype=jnp.float32)
    inp["gammas"] = jnp.ones((5, H), dtype=jnp.float32)
    inp["betas"] = jnp.zeros((5, H), dtype=jnp.float32)
    inp["Wst1"] = jax.random.normal(ks[6], (4, H, H), dtype=jnp.float32) * s
    inp["bst1"] = jnp.zeros((4, H), dtype=jnp.float32)
    inp["Wst2"] = jax.random.normal(ks[7], (4, H, H), dtype=jnp.float32) * s
    inp["bst2"] = jnp.zeros((4, H), dtype=jnp.float32)
    inp["emb"] = jax.random.normal(ks[8], (26, EMB), dtype=jnp.float32) * s
    inp["convw"] = jax.random.normal(ks[9], (KS, EMB, NF), dtype=jnp.float32) * s
    inp["convb"] = jnp.zeros((NF,), dtype=jnp.float32)
    inp["Wxt"] = jax.random.normal(ks[10], (CONV_OUT, ODIM), dtype=jnp.float32) * s
    inp["bxt"] = jnp.zeros((ODIM,), dtype=jnp.float32)
    inp["Wxd"] = jax.random.normal(ks[11], (H, ODIM), dtype=jnp.float32) * s
    inp["bxd"] = jnp.zeros((ODIM,), dtype=jnp.float32)
    inp["Wf1"] = jax.random.normal(ks[12], (2 * ODIM, 1024), dtype=jnp.float32) * s
    inp["bf1"] = jnp.zeros((1024,), dtype=jnp.float32)
    inp["Wf2"] = jax.random.normal(ks[13], (1024, 256), dtype=jnp.float32) * s
    inp["bf2"] = jnp.zeros((256,), dtype=jnp.float32)
    inp["Wout"] = jax.random.normal(ks[14], (256, 1), dtype=jnp.float32) * s
    inp["bout"] = jnp.zeros((1,), dtype=jnp.float32)
    return inp


def _gin_layer(h, src, dst, W1, b1, W2, b2, gamma, beta):
    # GINConv with eps=0: mlp(x + sum_{j in N(i)} x_j), then outer ReLU, then BatchNorm1d (batch stats)
    agg = jax.ops.segment_sum(h[src], dst, num_segments=h.shape[0])
    z = h + agg
    z = jnp.maximum(z @ W1 + b1, 0.0) @ W2 + b2
    z = jnp.maximum(z, 0.0)
    mu = z.mean(axis=0)
    var = z.var(axis=0)
    z = (z - mu) / jnp.sqrt(var + 1e-5) * gamma + beta
    return z


def reference(x, edge_index, batch, target, W1a, b1a, W2a, b2a, gammas, betas, Wst1, bst1, Wst2, bst2, emb, convw, convb, Wxt, bxt, Wxd, bxd, Wf1, bf1, Wf2, bf2, Wout, bout):
    src = edge_index[0]
    dst = edge_index[1]
    h = _gin_layer(x, src, dst, W1a, b1a, W2a, b2a, gammas[0], betas[0])
    for i in range(4):
        h = _gin_layer(h, src, dst, Wst1[i], bst1[i], Wst2[i], bst2[i], gammas[i + 1], betas[i + 1])
    pooled = jax.ops.segment_sum(h, batch, num_segments=G)  # global_add_pool
    xd = jnp.maximum(pooled @ Wxd + bxd, 0.0)
    # protein branch (GraphDTA): embedding -> 1D conv -> flatten -> fc
    e = emb[target]
    c = jax.lax.conv_general_dilated(e, convw, window_strides=(1,), padding="VALID", dimension_numbers=("NWC", "WIO", "NWC")) + convb
    xt = c.reshape(G, -1) @ Wxt + bxt
    xc = jnp.concatenate([xd, xt], axis=1)
    xc = jnp.maximum(xc @ Wf1 + bf1, 0.0)
    xc = xc @ Wf2 + bf2
    out = xc @ Wout + bout
    return out

if __name__ == "__main__":
    import jax
    _d = setup_inputs()
    print(jax.jit(kernel)(*tuple(_d.values())))

</pallas_src>

<mosaic_0001>
#map = affine_map<(d0, d1) -> (0, 0)>
module attributes {stable_mosaic.version = 14 : i64} {
  func.func @_segsum_body(%arg0: i32, %arg1: i32, %arg2: memref<50000x32xf32, #tpu.memory_space<hbm>>, %arg3: memref<32x32768xi32, #tpu.memory_space<hbm>>, %arg4: memref<32x32768xi32, #tpu.memory_space<hbm>>, %arg5: memref<50176x32xf32, #tpu.memory_space<hbm>>, %arg6: memref<1024xi32, #tpu.memory_space<vmem>>, %arg7: memref<1024xi32, #tpu.memory_space<vmem>>, %arg8: memref<1024x32xf32, #tpu.memory_space<vmem>>, %arg9: memref<1576x32xf32, #tpu.memory_space<vmem>>, %arg10: memref<!tpu.dma_semaphore, #tpu.memory_space<semaphore_mem>>) attributes {dimension_semantics = [#tpu.dimension_semantics<core_parallel>, #tpu.dimension_semantics<subcore_parallel>], iteration_bounds = array<i64: 2, 16>, scalar_prefetch = 0 : i64, scratch_operands = 5 : i64, tpu.core_type = #tpu.core_type<sc_vector_subcore>, window_params = [{transform_indices = #map}, {transform_indices = #map}, {transform_indices = #map}, {transform_indices = #map}]} {
    %mul3A = arith.constant 16 : i32
    %mul3A_0 = arith.muli %arg0, %mul3A : i32
    %add3A = arith.addi %mul3A_0, %arg1 : i32
    %broadcast_in_dim3A = arith.constant 0.000000e+00 : f32
    %broadcast_in_dim3A_1 = vector.broadcast %broadcast_in_dim3A : f32 to vector<16xf32>
    %scan3A = arith.constant 0 : i32
    %scan3A_2 = arith.constant 0 : i32
    %scan3A_3 = arith.constant 1576 : i32
    %scan3A_4 = arith.addi %scan3A_2, %scan3A_3 : i32
    %scan3A_5 = arith.constant 1 : i32
    scf.for %scan3A_15 = %scan3A_2 to %scan3A_4 step %scan3A_5  : i32 {
      %swap3A = arith.index_cast %scan3A_15 : i32 to index
      %swap3A_16 = arith.constant 0 : index
      %swap3A_17 = tpu.vector_load %arg9[%swap3A, %swap3A_16] {strides = array<i32>} : memref<1576x32xf32, #tpu.memory_space<vmem>>, vector<1x16xf32>,
      %swap3A_18 = vector.shape_cast %swap3A_17 : vector<1x16xf32> to vector<16xf32>
      %swap3A_19 = vector.shape_cast %broadcast_in_dim3A_1 : vector<16xf32> to vector<1x16xf32>
      tpu.vector_store %arg9[%swap3A, %swap3A_16], %swap3A_19 {strides = array<i32>} : memref<1576x32xf32, #tpu.memory_space<vmem>>, vector<1x16xf32>,
      %swap3A_20 = arith.index_cast %scan3A_15 : i32 to index
      %swap3A_21 = arith.constant 16 : index
      %swap3A_22 = tpu.vector_load %arg9[%swap3A_20, %swap3A_21] {strides = array<i32>} : memref<1576x32xf32, #tpu.memory_space<vmem>>, vector<1x16xf32>,
      %swap3A_23 = vector.shape_cast %swap3A_22 : vector<1x16xf32> to vector<16xf32>
      %swap3A_24 = vector.shape_cast %broadcast_in_dim3A_1 : vector<16xf32> to vector<1x16xf32>
      tpu.vector_store %arg9[%swap3A_20, %swap3A_21], %swap3A_24 {strides = array<i32>} : memref<1576x32xf32, #tpu.memory_space<vmem>>, vector<1x16xf32>,
    }
    %scan3A_6 = arith.constant 1576 : i32
    %scan3A_7 = arith.constant 0 : i32
    %scan3A_8 = arith.constant 0 : i32
    %scan3A_9 = arith.constant 32 : i32
    %scan3A_10 = arith.addi %scan3A_8, %scan3A_9 : i32
    %scan3A_11 = arith.constant 1 : i32
    scf.for %scan3A_15 = %scan3A_8 to %scan3A_10 step %scan3A_11  : i32 {
      %mul3A_16 = arith.constant 1024 : i32
      %mul3A_17 = arith.muli %scan3A_15, %mul3A_16 : i32
      "tpu.region"() ({
        %run_scoped3A = tpu.sem_alloc : memref<!tpu.dma_semaphore, #tpu.memory_space<semaphore_mem>>
        %dma_start3A_152 = tpu.memref_slice %arg3[%add3A, %mul3A_17] : memref<32x32768xi32, #tpu.memory_space<hbm>> -> memref<1x1024xi32, #tpu.memory_space<hbm>>
        %dma_start3A_153 = tpu.memref_squeeze %dma_start3A_152 : memref<1x1024xi32, #tpu.memory_space<hbm>> -> memref<1024xi32, #tpu.memory_space<hbm>>
        %dma_start3A_154 = tpu.memref_slice %arg3[%add3A, %mul3A_17] : memref<32x32768xi32, #tpu.memory_space<hbm>> -> memref<1x1024xi32, #tpu.memory_space<hbm>>
        %dma_start3A_155 = tpu.memref_squeeze %dma_start3A_154 : memref<1x1024xi32, #tpu.memory_space<hbm>> -> memref<1024xi32, #tpu.memory_space<hbm>>
        tpu.enqueue_dma source(%dma_start3A_155 : memref<1024xi32, #tpu.memory_space<hbm>>) target(%arg6 : memref<1024xi32, #tpu.memory_space<vmem>>) target_semaphore(%run_scoped3A : memref<!tpu.dma_semaphore, #tpu.memory_space<semaphore_mem>>)
        %dma_wait3A_156 = tpu.memref_slice %arg3[%add3A, %mul3A_17] : memref<32x32768xi32, #tpu.memory_space<hbm>> -> memref<1x1024xi32, #tpu.memory_space<hbm>>
        %dma_wait3A_157 = tpu.memref_squeeze %dma_wait3A_156 : memref<1x1024xi32, #tpu.memory_space<hbm>> -> memref<1024xi32, #tpu.memory_space<hbm>>
        %dma_wait3A_158 = tpu.memref_slice %arg3[%add3A, %mul3A_17] : memref<32x32768xi32, #tpu.memory_space<hbm>> -> memref<1x1024xi32, #tpu.memory_space<hbm>>
        %dma_wait3A_159 = tpu.memref_squeeze %dma_wait3A_158 : memref<1x1024xi32, #tpu.memory_space<hbm>> -> memref<1024xi32, #tpu.memory_space<hbm>>
        tpu.wait_dma2 semaphore(%run_scoped3A : memref<!tpu.dma_semaphore, #tpu.memory_space<semaphore_mem>>) src(%dma_wait3A_159 : memref<1024xi32, #tpu.memory_space<hbm>>) dst(%arg6 : memref<1024xi32, #tpu.memory_space<vmem>>)
        tpu.yield
      }) : () -> ()
      %mul3A_18 = arith.constant 1024 : i32
      %mul3A_19 = arith.muli %scan3A_15, %mul3A_18 : i32
      "tpu.region"() ({
        %run_scoped3A = tpu.sem_alloc : memref<!tpu.dma_semaphore, #tpu.memory_space<semaphore_mem>>
        %dma_start3A_152 = tpu.memref_slice %arg4[%add3A, %mul3A_19] : memref<32x32768xi32, #tpu.memory_space<hbm>> -> memref<1x1024xi32, #tpu.memory_space<hbm>>
        %dma_start3A_153 = tpu.memref_squeeze %dma_start3A_152 : memref<1x1024xi32, #tpu.memory_space<hbm>> -> memref<1024xi32, #tpu.memory_space<hbm>>
        %dma_start3A_154 = tpu.memref_slice %arg4[%add3A, %mul3A_19] : memref<32x32768xi32, #tpu.memory_space<hbm>> -> memref<1x1024xi32, #tpu.memory_space<hbm>>
        %dma_start3A_155 = tpu.memref_squeeze %dma_start3A_154 : memref<1x1024xi32, #tpu.memory_space<hbm>> -> memref<1024xi32, #tpu.memory_space<hbm>>
        tpu.enqueue_dma source(%dma_start3A_155 : memref<1024xi32, #tpu.memory_space<hbm>>) target(%arg7 : memref<1024xi32, #tpu.memory_space<vmem>>) target_semaphore(%run_scoped3A : memref<!tpu.dma_semaphore, #tpu.memory_space<semaphore_mem>>)
        %dma_wait3A_156 = tpu.memref_slice %arg4[%add3A, %mul3A_19] : memref<32x32768xi32, #tpu.memory_space<hbm>> -> memref<1x1024xi32, #tpu.memory_space<hbm>>
        %dma_wait3A_157 = tpu.memref_squeeze %dma_wait3A_156 : memref<1x1024xi32, #tpu.memory_space<hbm>> -> memref<1024xi32, #tpu.memory_space<hbm>>
        %dma_wait3A_158 = tpu.memref_slice %arg4[%add3A, %mul3A_19] : memref<32x32768xi32, #tpu.memory_space<hbm>> -> memref<1x1024xi32, #tpu.memory_space<hbm>>
        %dma_wait3A_159 = tpu.memref_squeeze %dma_wait3A_158 : memref<1x1024xi32, #tpu.memory_space<hbm>> -> memref<1024xi32, #tpu.memory_space<hbm>>
        tpu.wait_dma2 semaphore(%run_scoped3A : memref<!tpu.dma_semaphore, #tpu.memory_space<semaphore_mem>>) src(%dma_wait3A_159 : memref<1024xi32, #tpu.memory_space<hbm>>) dst(%arg7 : memref<1024xi32, #tpu.memory_space<vmem>>)
        tpu.yield
      }) : () -> ()
      %dma_start3A = arith.constant 0 : i32
      %dma_start3A_20 = arith.constant 0 : i32
      %dma_start3A_21 = tpu.memref_slice %arg8[%dma_start3A, %dma_start3A_20] : memref<1024x32xf32, #tpu.memory_space<vmem>> -> memref<128x32xf32, #tpu.memory_space<vmem>>
      %dma_start3A_22 = arith.constant 0 : i32
      %dma_start3A_23 = tpu.memref_slice %arg6[%dma_start3A_22] : memref<1024xi32, #tpu.memory_space<vmem>> -> memref<128xi32, #tpu.memory_space<vmem>>
      %dma_start3A_24 = arith.constant 0 : i32
      %dma_start3A_25 = arith.constant 0 : i32
      %dma_start3A_26 = tpu.memref_slice %arg2[%dma_start3A_24, %dma_start3A_25] : memref<50000x32xf32, #tpu.memory_space<hbm>> -> memref<50000x32xf32, #tpu.memory_space<hbm>>
      tpu.enqueue_indirect_dma source(%dma_start3A_26 : memref<50000x32xf32, #tpu.memory_space<hbm>>) target(%dma_start3A_21 : memref<128x32xf32, #tpu.memory_space<vmem>>) offsets(%dma_start3A_23 : memref<128xi32, #tpu.memory_space<vmem>>) semaphore(%arg10 : memref<!tpu.dma_semaphore, #tpu.memory_space<semaphore_mem>>)
      %dma_start3A_27 = arith.constant 128 : i32
      %dma_start3A_28 = arith.constant 0 : i32
      %dma_start3A_29 = tpu.memref_slice %arg8[%dma_start3A_27, %dma_start3A_28] : memref<1024x32xf32, #tpu.memory_space<vmem>> -> memref<128x32xf32, #tpu.memory_space<vmem>>
      %dma_start3A_30 = arith.constant 128 : i32
      %dma_start3A_31 = tpu.memref_slice %arg6[%dma_start3A_30] : memref<1024xi32, #tpu.memory_space<vmem>> -> memref<128xi32, #tpu.memory_space<vmem>>
      %dma_start3A_32 = arith.constant 0 : i32
      %dma_start3A_33 = arith.constant 0 : i32
      %dma_start3A_34 = tpu.memref_slice %arg2[%dma_start3A_32, %dma_start3A_33] : memref<50000x32xf32, #tpu.memory_space<hbm>> -> memref<50000x32xf32, #tpu.memory_space<hbm>>
      tpu.enqueue_indirect_dma source(%dma_start3A_34 : memref<50000x32xf32, #tpu.memory_space<hbm>>) target(%dma_start3A_29 : memref<128x32xf32, #tpu.memory_space<vmem>>) offsets(%dma_start3A_31 : memref<128xi32, #tpu.memory_space<vmem>>) semaphore(%arg10 : memref<!tpu.dma_semaphore, #tpu.memory_space<semaphore_mem>>)
      %dma_start3A_35 = arith.constant 256 : i32
      %dma_start3A_36 = arith.constant 0 : i32
      %dma_start3A_37 = tpu.memref_slice %arg8[%dma_start3A_35, %dma_start3A_36] : memref<1024x32xf32, #tpu.memory_space<vmem>> -> memref<128x32xf32, #tpu.memory_space<vmem>>
      %dma_start3A_38 = arith.constant 256 : i32
      %dma_start3A_39 = tpu.memref_slice %arg6[%dma_start3A_38] : memref<1024xi32, #tpu.memory_space<vmem>> -> memref<128xi32, #tpu.memory_space<vmem>>
      %dma_start3A_40 = arith.constant 0 : i32
      %dma_start3A_41 = arith.constant 0 : i32
      %dma_start3A_42 = tpu.memref_slice %arg2[%dma_start3A_40, %dma_start3A_41] : memref<50000x32xf32, #tpu.memory_space<hbm>> -> memref<50000x32xf32, #tpu.memory_space<hbm>>
      tpu.enqueue_indirect_dma source(%dma_start3A_42 : memref<50000x32xf32, #tpu.memory_space<hbm>>) target(%dma_start3A_37 : memref<128x32xf32, #tpu.memory_space<vmem>>) offsets(%dma_start3A_39 : memref<128xi32, #tpu.memory_space<vmem>>) semaphore(%arg10 : memref<!tpu.dma_semaphore, #tpu.memory_space<semaphore_mem>>)
      %dma_start3A_43 = arith.constant 384 : i32
      %dma_start3A_44 = arith.constant 0 : i32
      %dma_start3A_45 = tpu.memref_slice %arg8[%dma_start3A_43, %dma_start3A_44] : memref<1024x32xf32, #tpu.memory_space<vmem>> -> memref<128x32xf32, #tpu.memory_space<vmem>>
      %dma_start3A_46 = arith.constant 384 : i32
      %dma_start3A_47 = tpu.memref_slice %arg6[%dma_start3A_46] : memref<1024xi32, #tpu.memory_space<vmem>> -> memref<128xi32, #tpu.memory_space<vmem>>
      %dma_start3A_48 = arith.constant 0 : i32
      %dma_start3A_49 = arith.constant 0 : i32
      %dma_start3A_50 = tpu.memref_slice %arg2[%dma_start3A_48, %dma_start3A_49] : memref<50000x32xf32, #tpu.memory_space<hbm>> -> memref<50000x32xf32, #tpu.memory_space<hbm>>
      tpu.enqueue_indirect_dma source(%dma_start3A_50 : memref<50000x32xf32, #tpu.memory_space<hbm>>) target(%dma_start3A_45 : memref<128x32xf32, #tpu.memory_space<vmem>>) offsets(%dma_start3A_47 : memref<128xi32, #tpu.memory_space<vmem>>) semaphore(%arg10 : memref<!tpu.dma_semaphore, #tpu.memory_space<semaphore_mem>>)
      %dma_start3A_51 = arith.constant 512 : i32
      %dma_start3A_52 = arith.constant 0 : i32
      %dma_start3A_53 = tpu.memref_slice %arg8[%dma_start3A_51, %dma_start3A_52] : memref<1024x32xf32, #tpu.memory_space<vmem>> -> memref<128x32xf32, #tpu.memory_space<vmem>>
      %dma_start3A_54 = arith.constant 512 : i32
      %dma_start3A_55 = tpu.memref_slice %arg6[%dma_start3A_54] : memref<1024xi32, #tpu.memory_space<vmem>> -> memref<128xi32, #tpu.memory_space<vmem>>
      %dma_start3A_56 = arith.constant 0 : i32
      %dma_start3A_57 = arith.constant 0 : i32
      %dma_start3A_58 = tpu.memref_slice %arg2[%dma_start3A_56, %dma_start3A_57] : memref<50000x32xf32, #tpu.memory_space<hbm>> -> memref<50000x32xf32, #tpu.memory_space<hbm>>
      tpu.enqueue_indirect_dma source(%dma_start3A_58 : memref<50000x32xf32, #tpu.memory_space<hbm>>) target(%dma_start3A_53 : memref<128x32xf32, #tpu.memory_space<vmem>>) offsets(%dma_start3A_55 : memref<128xi32, #tpu.memory_space<vmem>>) semaphore(%arg10 : memref<!tpu.dma_semaphore, #tpu.memory_space<semaphore_mem>>)
      %dma_start3A_59 = arith.constant 640 : i32
      %dma_start3A_60 = arith.constant 0 : i32
      %dma_start3A_61 = tpu.memref_slice %arg8[%dma_start3A_59, %dma_start3A_60] : memref<1024x32xf32, #tpu.memory_space<vmem>> -> memref<128x32xf32, #tpu.memory_space<vmem>>
      %dma_start3A_62 = arith.constant 640 : i32
      %dma_start3A_63 = tpu.memref_slice %arg6[%dma_start3A_62] : memref<1024xi32, #tpu.memory_space<vmem>> -> memref<128xi32, #tpu.memory_space<vmem>>
      %dma_start3A_64 = arith.constant 0 : i32
      %dma_start3A_65 = arith.constant 0 : i32
      %dma_start3A_66 = tpu.memref_slice %arg2[%dma_start3A_64, %dma_start3A_65] : memref<50000x32xf32, #tpu.memory_space<hbm>> -> memref<50000x32xf32, #tpu.memory_space<hbm>>
      tpu.enqueue_indirect_dma source(%dma_start3A_66 : memref<50000x32xf32, #tpu.memory_space<hbm>>) target(%dma_start3A_61 : memref<128x32xf32, #tpu.memory_space<vmem>>) offsets(%dma_start3A_63 : memref<128xi32, #tpu.memory_space<vmem>>) semaphore(%arg10 : memref<!tpu.dma_semaphore, #tpu.memory_space<semaphore_mem>>)
      %dma_start3A_67 = arith.constant 768 : i32
      %dma_start3A_68 = arith.constant 0 : i32
      %dma_start3A_69 = tpu.memref_slice %arg8[%dma_start3A_67, %dma_start3A_68] : memref<1024x32xf32, #tpu.memory_space<vmem>> -> memref<128x32xf32, #tpu.memory_space<vmem>>
      %dma_start3A_70 = arith.constant 768 : i32
      %dma_start3A_71 = tpu.memref_slice %arg6[%dma_start3A_70] : memref<1024xi32, #tpu.memory_space<vmem>> -> memref<128xi32, #tpu.memory_space<vmem>>
      %dma_start3A_72 = arith.constant 0 : i32
      %dma_start3A_73 = arith.constant 0 : i32
      %dma_start3A_74 = tpu.memref_slice %arg2[%dma_start3A_72, %dma_start3A_73] : memref<50000x32xf32, #tpu.memory_space<hbm>> -> memref<50000x32xf32, #tpu.memory_space<hbm>>
      tpu.enqueue_indirect_dma source(%dma_start3A_74 : memref<50000x32xf32, #tpu.memory_space<hbm>>) target(%dma_start3A_69 : memref<128x32xf32, #tpu.memory_space<vmem>>) offsets(%dma_start3A_71 : memref<128xi32, #tpu.memory_space<vmem>>) semaphore(%arg10 : memref<!tpu.dma_semaphore, #tpu.memory_space<semaphore_mem>>)
      %dma_start3A_75 = arith.constant 896 : i32
      %dma_start3A_76 = arith.constant 0 : i32
      %dma_start3A_77 = tpu.memref_slice %arg8[%dma_start3A_75, %dma_start3A_76] : memref<1024x32xf32, #tpu.memory_space<vmem>> -> memref<128x32xf32, #tpu.memory_space<vmem>>
      %dma_start3A_78 = arith.constant 896 : i32
      %dma_start3A_79 = tpu.memref_slice %arg6[%dma_start3A_78] : memref<1024xi32, #tpu.memory_space<vmem>> -> memref<128xi32, #tpu.memory_space<vmem>>
      %dma_start3A_80 = arith.constant 0 : i32
      %dma_start3A_81 = arith.constant 0 : i32
      %dma_start3A_82 = tpu.memref_slice %arg2[%dma_start3A_80, %dma_start3A_81] : memref<50000x32xf32, #tpu.memory_space<hbm>> -> memref<50000x32xf32, #tpu.memory_space<hbm>>
      tpu.enqueue_indirect_dma source(%dma_start3A_82 : memref<50000x32xf32, #tpu.memory_space<hbm>>) target(%dma_start3A_77 : memref<128x32xf32, #tpu.memory_space<vmem>>) offsets(%dma_start3A_79 : memref<128xi32, #tpu.memory_space<vmem>>) semaphore(%arg10 : memref<!tpu.dma_semaphore, #tpu.memory_space<semaphore_mem>>)
      %dma_wait3A = arith.constant 0 : i32
      %dma_wait3A_83 = arith.constant 0 : i32
      %dma_wait3A_84 = tpu.memref_slice %arg8[%dma_wait3A, %dma_wait3A_83] : memref<1024x32xf32, #tpu.memory_space<vmem>> -> memref<128x32xf32, #tpu.memory_space<vmem>>
      %dma_wait3A_85 = arith.constant 0 : i32
      %dma_wait3A_86 = tpu.memref_slice %arg6[%dma_wait3A_85] : memref<1024xi32, #tpu.memory_space<vmem>> -> memref<128xi32, #tpu.memory_space<vmem>>
      %dma_wait3A_87 = arith.constant 0 : i32
      %dma_wait3A_88 = arith.constant 0 : i32
      %dma_wait3A_89 = tpu.memref_slice %arg2[%dma_wait3A_87, %dma_wait3A_88] : memref<50000x32xf32, #tpu.memory_space<hbm>> -> memref<50000x32xf32, #tpu.memory_space<hbm>>
      tpu.wait_indirect_dma semaphore(%arg10 : memref<!tpu.dma_semaphore, #tpu.memory_space<semaphore_mem>>) src(%dma_wait3A_89 : memref<50000x32xf32, #tpu.memory_space<hbm>>) dst(%dma_wait3A_84 : memref<128x32xf32, #tpu.memory_space<vmem>>)
      %dma_wait3A_90 = arith.constant 128 : i32
      %dma_wait3A_91 = arith.constant 0 : i32
      %dma_wait3A_92 = tpu.memref_slice %arg8[%dma_wait3A_90, %dma_wait3A_91] : memref<1024x32xf32, #tpu.memory_space<vmem>> -> memref<128x32xf32, #tpu.memory_space<vmem>>
      %dma_wait3A_93 = arith.constant 128 : i32
      %dma_wait3A_94 = tpu.memref_slice %arg6[%dma_wait3A_93] : memref<1024xi32, #tpu.memory_space<vmem>> -> memref<128xi32, #tpu.memory_space<vmem>>
      %dma_wait3A_95 = arith.constant 0 : i32
      %dma_wait3A_96 = arith.constant 0 : i32
      %dma_wait3A_97 = tpu.memref_slice %arg2[%dma_wait3A_95, %dma_wait3A_96] : memref<50000x32xf32, #tpu.memory_space<hbm>> -> memref<50000x32xf32, #tpu.memory_space<hbm>>
      tpu.wait_indirect_dma semaphore(%arg10 : memref<!tpu.dma_semaphore, #tpu.memory_space<semaphore_mem>>) src(%dma_wait3A_97 : memref<50000x32xf32, #tpu.memory_space<hbm>>) dst(%dma_wait3A_92 : memref<128x32xf32, #tpu.memory_space<vmem>>)
      %dma_wait3A_98 = arith.constant 256 : i32
      %dma_wait3A_99 = arith.constant 0 : i32
      %dma_wait3A_100 = tpu.memref_slice %arg8[%dma_wait3A_98, %dma_wait3A_99] : memref<1024x32xf32, #tpu.memory_space<vmem>> -> memref<128x32xf32, #tpu.memory_space<vmem>>
      %dma_wait3A_101 = arith.constant 256 : i32
      %dma_wait3A_102 = tpu.memref_slice %arg6[%dma_wait3A_101] : memref<1024xi32, #tpu.memory_space<vmem>> -> memref<128xi32, #tpu.memory_space<vmem>>
      %dma_wait3A_103 = arith.constant 0 : i32
      %dma_wait3A_104 = arith.constant 0 : i32
      %dma_wait3A_105 = tpu.memref_slice %arg2[%dma_wait3A_103, %dma_wait3A_104] : memref<50000x32xf32, #tpu.memory_space<hbm>> -> memref<50000x32xf32, #tpu.memory_space<hbm>>
      tpu.wait_indirect_dma semaphore(%arg10 : memref<!tpu.dma_semaphore, #tpu.memory_space<semaphore_mem>>) src(%dma_wait3A_105 : memref<50000x32xf32, #tpu.memory_space<hbm>>) dst(%dma_wait3A_100 : memref<128x32xf32, #tpu.memory_space<vmem>>)
      %dma_wait3A_106 = arith.constant 384 : i32
      %dma_wait3A_107 = arith.constant 0 : i32
      %dma_wait3A_108 = tpu.memref_slice %arg8[%dma_wait3A_106, %dma_wait3A_107] : memref<1024x32xf32, #tpu.memory_space<vmem>> -> memref<128x32xf32, #tpu.memory_space<vmem>>
      %dma_wait3A_109 = arith.constant 384 : i32
      %dma_wait3A_110 = tpu.memref_slice %arg6[%dma_wait3A_109] : memref<1024xi32, #tpu.memory_space<vmem>> -> memref<128xi32, #tpu.memory_space<vmem>>
      %dma_wait3A_111 = arith.constant 0 : i32
      %dma_wait3A_112 = arith.constant 0 : i32
      %dma_wait3A_113 = tpu.memref_slice %arg2[%dma_wait3A_111, %dma_wait3A_112] : memref<50000x32xf32, #tpu.memory_space<hbm>> -> memref<50000x32xf32, #tpu.memory_space<hbm>>
      tpu.wait_indirect_dma semaphore(%arg10 : memref<!tpu.dma_semaphore, #tpu.memory_space<semaphore_mem>>) src(%dma_wait3A_113 : memref<50000x32xf32, #tpu.memory_space<hbm>>) dst(%dma_wait3A_108 : memref<128x32xf32, #tpu.memory_space<vmem>>)
      %dma_wait3A_114 = arith.constant 512 : i32
      %dma_wait3A_115 = arith.constant 0 : i32
      %dma_wait3A_116 = tpu.memref_slice %arg8[%dma_wait3A_114, %dma_wait3A_115] : memref<1024x32xf32, #tpu.memory_space<vmem>> -> memref<128x32xf32, #tpu.memory_space<vmem>>
      %dma_wait3A_117 = arith.constant 512 : i32
      %dma_wait3A_118 = tpu.memref_slice %arg6[%dma_wait3A_117] : memref<1024xi32, #tpu.memory_space<vmem>> -> memref<128xi32, #tpu.memory_space<vmem>>
      %dma_wait3A_119 = arith.constant 0 : i32
      %dma_wait3A_120 = arith.constant 0 : i32
      %dma_wait3A_121 = tpu.memref_slice %arg2[%dma_wait3A_119, %dma_wait3A_120] : memref<50000x32xf32, #tpu.memory_space<hbm>> -> memref<50000x32xf32, #tpu.memory_space<hbm>>
      tpu.wait_indirect_dma semaphore(%arg10 : memref<!tpu.dma_semaphore, #tpu.memory_space<semaphore_mem>>) src(%dma_wait3A_121 : memref<50000x32xf32, #tpu.memory_space<hbm>>) dst(%dma_wait3A_116 : memref<128x32xf32, #tpu.memory_space<vmem>>)
      %dma_wait3A_122 = arith.constant 640 : i32
      %dma_wait3A_123 = arith.constant 0 : i32
      %dma_wait3A_124 = tpu.memref_slice %arg8[%dma_wait3A_122, %dma_wait3A_123] : memref<1024x32xf32, #tpu.memory_space<vmem>> -> memref<128x32xf32, #tpu.memory_space<vmem>>
      %dma_wait3A_125 = arith.constant 640 : i32
      %dma_wait3A_126 = tpu.memref_slice %arg6[%dma_wait3A_125] : memref<1024xi32, #tpu.memory_space<vmem>> -> memref<128xi32, #tpu.memory_space<vmem>>
      %dma_wait3A_127 = arith.constant 0 : i32
      %dma_wait3A_128 = arith.constant 0 : i32
      %dma_wait3A_129 = tpu.memref_slice %arg2[%dma_wait3A_127, %dma_wait3A_128] : memref<50000x32xf32, #tpu.memory_space<hbm>> -> memref<50000x32xf32, #tpu.memory_space<hbm>>
      tpu.wait_indirect_dma semaphore(%arg10 : memref<!tpu.dma_semaphore, #tpu.memory_space<semaphore_mem>>) src(%dma_wait3A_129 : memref<50000x32xf32, #tpu.memory_space<hbm>>) dst(%dma_wait3A_124 : memref<128x32xf32, #tpu.memory_space<vmem>>)
      %dma_wait3A_130 = arith.constant 768 : i32
      %dma_wait3A_131 = arith.constant 0 : i32
      %dma_wait3A_132 = tpu.memref_slice %arg8[%dma_wait3A_130, %dma_wait3A_131] : memref<1024x32xf32, #tpu.memory_space<vmem>> -> memref<128x32xf32, #tpu.memory_space<vmem>>
      %dma_wait3A_133 = arith.constant 768 : i32
      %dma_wait3A_134 = tpu.memref_slice %arg6[%dma_wait3A_133] : memref<1024xi32, #tpu.memory_space<vmem>> -> memref<128xi32, #tpu.memory_space<vmem>>
      %dma_wait3A_135 = arith.constant 0 : i32
      %dma_wait3A_136 = arith.constant 0 : i32
      %dma_wait3A_137 = tpu.memref_slice %arg2[%dma_wait3A_135, %dma_wait3A_136] : memref<50000x32xf32, #tpu.memory_space<hbm>> -> memref<50000x32xf32, #tpu.memory_space<hbm>>
      tpu.wait_indirect_dma semaphore(%arg10 : memref<!tpu.dma_semaphore, #tpu.memory_space<semaphore_mem>>) src(%dma_wait3A_137 : memref<50000x32xf32, #tpu.memory_space<hbm>>) dst(%dma_wait3A_132 : memref<128x32xf32, #tpu.memory_space<vmem>>)
      %dma_wait3A_138 = arith.constant 896 : i32
      %dma_wait3A_139 = arith.constant 0 : i32
      %dma_wait3A_140 = tpu.memref_slice %arg8[%dma_wait3A_138, %dma_wait3A_139] : memref<1024x32xf32, #tpu.memory_space<vmem>> -> memref<128x32xf32, #tpu.memory_space<vmem>>
      %dma_wait3A_141 = arith.constant 896 : i32
      %dma_wait3A_142 = tpu.memref_slice %arg6[%dma_wait3A_141] : memref<1024xi32, #tpu.memory_space<vmem>> -> memref<128xi32, #tpu.memory_space<vmem>>
      %dma_wait3A_143 = arith.constant 0 : i32
      %dma_wait3A_144 = arith.constant 0 : i32
      %dma_wait3A_145 = tpu.memref_slice %arg2[%dma_wait3A_143, %dma_wait3A_144] : memref<50000x32xf32, #tpu.memory_space<hbm>> -> memref<50000x32xf32, #tpu.memory_space<hbm>>
      tpu.wait_indirect_dma semaphore(%arg10 : memref<!tpu.dma_semaphore, #tpu.memory_space<semaphore_mem>>) src(%dma_wait3A_145 : memref<50000x32xf32, #tpu.memory_space<hbm>>) dst(%dma_wait3A_140 : memref<128x32xf32, #tpu.memory_space<vmem>>)
      %scan3A_146 = arith.constant 0 : i32
      %scan3A_147 = arith.constant 0 : i32
      %scan3A_148 = arith.constant 64 : i32
      %scan3A_149 = arith.addi %scan3A_147, %scan3A_148 : i32
      %scan3A_150 = arith.constant 1 : i32
      scf.for %scan3A_152 = %scan3A_147 to %scan3A_149 step %scan3A_150  : i32 {
        %mul3A_153 = arith.constant 16 : i32
        %mul3A_154 = arith.muli %scan3A_152, %mul3A_153 : i32
        %get3A = arith.index_cast %mul3A_154 : i32 to index
        %get3A_155 = tpu.vector_load %arg7[%get3A] {strides = array<i32>} : memref<1024xi32, #tpu.memory_space<vmem>>, vector<16xi32>,
        %get3A_156 = vector.shape_cast %get3A_155 : vector<16xi32> to vector<16xi32>
        %slice3A = vector.extract_strided_slice %get3A_156 {offsets = [0], sizes = [1], strides = [1]} : vector<16xi32> to vector<1xi32>
        %squeeze3A = vector.extract %slice3A[0] : i32 from vector<1xi32>
        %mul3A_157 = arith.constant 16 : i32
        %mul3A_158 = arith.muli %scan3A_152, %mul3A_157 : i32
        %add3A_159 = arith.constant 0 : i32
        %add3A_160 = arith.addi %mul3A_158, %add3A_159 : i32
        %get3A_161 = arith.index_cast %squeeze3A : i32 to index
        %get3A_162 = arith.constant 0 : index
        %get3A_163 = tpu.vector_load %arg9[%get3A_161, %get3A_162] {strides = array<i32>} : memref<1576x32xf32, #tpu.memory_space<vmem>>, vector<1x16xf32>,
        %get3A_164 = vector.shape_cast %get3A_163 : vector<1x16xf32> to vector<16xf32>
        %get3A_165 = arith.index_cast %add3A_160 : i32 to index
        %get3A_166 = arith.constant 0 : index
        %get3A_167 = tpu.vector_load %arg8[%get3A_165, %get3A_166] {strides = array<i32>} : memref<1024x32xf32, #tpu.memory_space<vmem>>, vector<1x16xf32>,
        %get3A_168 = vector.shape_cast %get3A_167 : vector<1x16xf32> to vector<16xf32>
        %add3A_169 = arith.addf %get3A_164, %get3A_168 : vector<16xf32>
        %swap3A = arith.index_cast %squeeze3A : i32 to index
        %swap3A_170 = arith.constant 0 : index
        %swap3A_171 = tpu.vector_load %arg9[%swap3A, %swap3A_170] {strides = array<i32>} : memref<1576x32xf32, #tpu.memory_space<vmem>>, vector<1x16xf32>,
        %swap3A_172 = vector.shape_cast %swap3A_171 : vector<1x16xf32> to vector<16xf32>
        %swap3A_173 = vector.shape_cast %add3A_169 : vector<16xf32> to vector<1x16xf32>
        tpu.vector_store %arg9[%swap3A, %swap3A_170], %swap3A_173 {strides = array<i32>} : memref<1576x32xf32, #tpu.memory_space<vmem>>, vector<1x16xf32>,
        %get3A_174 = arith.index_cast %squeeze3A : i32 to index
        %get3A_175 = arith.constant 16 : index
        %get3A_176 = tpu.vector_load %arg9[%get3A_174, %get3A_175] {strides = array<i32>} : memref<1576x32xf32, #tpu.memory_space<vmem>>, vector<1x16xf32>,
        %get3A_177 = vector.shape_cast %get3A_176 : vector<1x16xf32> to vector<16xf32>
        %get3A_178 = arith.index_cast %add3A_160 : i32 to index
        %get3A_179 = arith.constant 16 : index
        %get3A_180 = tpu.vector_load %arg8[%get3A_178, %get3A_179] {strides = array<i32>} : memref<1024x32xf32, #tpu.memory_space<vmem>>, vector<1x16xf32>,
        %get3A_181 = vector.shape_cast %get3A_180 : vector<1x16xf32> to vector<16xf32>
        %add3A_182 = arith.addf %get3A_177, %get3A_181 : vector<16xf32>
        %swap3A_183 = arith.index_cast %squeeze3A : i32 to index
        %swap3A_184 = arith.constant 16 : index
        %swap3A_185 = tpu.vector_load %arg9[%swap3A_183, %swap3A_184] {strides = array<i32>} : memref<1576x32xf32, #tpu.memory_space<vmem>>, vector<1x16xf32>,
        %swap3A_186 = vector.shape_cast %swap3A_185 : vector<1x16xf32> to vector<16xf32>
        %swap3A_187 = vector.shape_cast %add3A_182 : vector<16xf32> to vector<1x16xf32>
        tpu.vector_store %arg9[%swap3A_183, %swap3A_184], %swap3A_187 {strides = array<i32>} : memref<1576x32xf32, #tpu.memory_space<vmem>>, vector<1x16xf32>,
        %slice3A_188 = vector.extract_strided_slice %get3A_156 {offsets = [1], sizes = [1], strides = [1]} : vector<16xi32> to vector<1xi32>
        %squeeze3A_189 = vector.extract %slice3A_188[0] : i32 from vector<1xi32>
        %mul3A_190 = arith.constant 16 : i32
        %mul3A_191 = arith.muli %scan3A_152, %mul3A_190 : i32
        %add3A_192 = arith.constant 1 : i32
        %add3A_193 = arith.addi %mul3A_191, %add3A_192 : i32
        %get3A_194 = arith.index_cast %squeeze3A_189 : i32 to index
        %get3A_195 = arith.constant 0 : index
        %get3A_196 = tpu.vector_load %arg9[%get3A_194, %get3A_195] {strides = array<i32>} : memref<1576x32xf32, #tpu.memory_space<vmem>>, vector<1x16xf32>,
        %get3A_197 = vector.shape_cast %get3A_196 : vector<1x16xf32> to vector<16xf32>
        %get3A_198 = arith.index_cast %add3A_193 : i32 to index
        %get3A_199 = arith.constant 0 : index
        %get3A_200 = tpu.vector_load %arg8[%get3A_198, %get3A_199] {strides = array<i32>} : memref<1024x32xf32, #tpu.memory_space<vmem>>, vector<1x16xf32>,
        %get3A_201 = vector.shape_cast %get3A_200 : vector<1x16xf32> to vector<16xf32>
        %add3A_202 = arith.addf %get3A_197, %get3A_201 : vector<16xf32>
        %swap3A_203 = arith.index_cast %squeeze3A_189 : i32 to index
        %swap3A_204 = arith.constant 0 : index
        %swap3A_205 = tpu.vector_load %arg9[%swap3A_203, %swap3A_204] {strides = array<i32>} : memref<1576x32xf32, #tpu.memory_space<vmem>>, vector<1x16xf32>,
        %swap3A_206 = vector.shape_cast %swap3A_205 : vector<1x16xf32> to vector<16xf32>
        %swap3A_207 = vector.shape_cast %add3A_202 : vector<16xf32> to vector<1x16xf32>
        tpu.vector_store %arg9[%swap3A_203, %swap3A_204], %swap3A_207 {strides = array<i32>} : memref<1576x32xf32, #tpu.memory_space<vmem>>, vector<1x16xf32>,
        %get3A_208 = arith.index_cast %squeeze3A_189 : i32 to index
        %get3A_209 = arith.constant 16 : index
        %get3A_210 = tpu.vector_load %arg9[%get3A_208, %get3A_209] {strides = array<i32>} : memref<1576x32xf32, #tpu.memory_space<vmem>>, vector<1x16xf32>,
        %get3A_211 = vector.shape_cast %get3A_210 : vector<1x16xf32> to vector<16xf32>
        %get3A_212 = arith.index_cast %add3A_193 : i32 to index
        %get3A_213 = arith.constant 16 : index
        %get3A_214 = tpu.vector_load %arg8[%get3A_212, %get3A_213] {strides = array<i32>} : memref<1024x32xf32, #tpu.memory_space<vmem>>, vector<1x16xf32>,
        %get3A_215 = vector.shape_cast %get3A_214 : vector<1x16xf32> to vector<16xf32>
        %add3A_216 = arith.addf %get3A_211, %get3A_215 : vector<16xf32>
        %swap3A_217 = arith.index_cast %squeeze3A_189 : i32 to index
        %swap3A_218 = arith.constant 16 : index
        %swap3A_219 = tpu.vector_load %arg9[%swap3A_217, %swap3A_218] {strides = array<i32>} : memref<1576x32xf32, #tpu.memory_space<vmem>>, vector<1x16xf32>,
        %swap3A_220 = vector.shape_cast %swap3A_219 : vector<1x16xf32> to vector<16xf32>
        %swap3A_221 = vector.shape_cast %add3A_216 : vector<16xf32> to vector<1x16xf32>
        tpu.vector_store %arg9[%swap3A_217, %swap3A_218], %swap3A_221 {strides = array<i32>} : memref<1576x32xf32, #tpu.memory_space<vmem>>, vector<1x16xf32>,
        %slice3A_222 = vector.extract_strided_slice %get3A_156 {offsets = [2], sizes = [1], strides = [1]} : vector<16xi32> to vector<1xi32>
        %squeeze3A_223 = vector.extract %slice3A_222[0] : i32 from vector<1xi32>
        %mul3A_224 = arith.constant 16 : i32
        %mul3A_225 = arith.muli %scan3A_152, %mul3A_224 : i32
        %add3A_226 = arith.constant 2 : i32
        %add3A_227 = arith.addi %mul3A_225, %add3A_226 : i32
        %get3A_228 = arith.index_cast %squeeze3A_223 : i32 to index
        %get3A_229 = arith.constant 0 : index
        %get3A_230 = tpu.vector_load %arg9[%get3A_228, %get3A_229] {strides = array<i32>} : memref<1576x32xf32, #tpu.memory_space<vmem>>, vector<1x16xf32>,
        %get3A_231 = vector.shape_cast %get3A_230 : vector<1x16xf32> to vector<16xf32>
        %get3A_232 = arith.index_cast %add3A_227 : i32 to index
        %get3A_233 = arith.constant 0 : index
        %get3A_234 = tpu.vector_load %arg8[%get3A_232, %get3A_233] {strides = array<i32>} : memref<1024x32xf32, #tpu.memory_space<vmem>>, vector<1x16xf32>,
        %get3A_235 = vector.shape_cast %get3A_234 : vector<1x16xf32> to vector<16xf32>
        %add3A_236 = arith.addf %get3A_231, %get3A_235 : vector<16xf32>
        %swap3A_237 = arith.index_cast %squeeze3A_223 : i32 to index
        %swap3A_238 = arith.constant 0 : index
        %swap3A_239 = tpu.vector_load %arg9[%swap3A_237, %swap3A_238] {strides = array<i32>} : memref<1576x32xf32, #tpu.memory_space<vmem>>, vector<1x16xf32>,
        %swap3A_240 = vector.shape_cast %swap3A_239 : vector<1x16xf32> to vector<16xf32>
        %swap3A_241 = vector.shape_cast %add3A_236 : vector<16xf32> to vector<1x16xf32>
        tpu.vector_store %arg9[%swap3A_237, %swap3A_238], %swap3A_241 {strides = array<i32>} : memref<1576x32xf32, #tpu.memory_space<vmem>>, vector<1x16xf32>,
        %get3A_242 = arith.index_cast %squeeze3A_223 : i32 to index
        %get3A_243 = arith.constant 16 : index
        %get3A_244 = tpu.vector_load %arg9[%get3A_242, %get3A_243] {strides = array<i32>} : memref<1576x32xf32, #tpu.memory_space<vmem>>, vector<1x16xf32>,
        %get3A_245 = vector.shape_cast %get3A_244 : vector<1x16xf32> to vector<16xf32>
        %get3A_246 = arith.index_cast %add3A_227 : i32 to index
        %get3A_247 = arith.constant 16 : index
        %get3A_248 = tpu.vector_load %arg8[%get3A_246, %get3A_247] {strides = array<i32>} : memref<1024x32xf32, #tpu.memory_space<vmem>>, vector<1x16xf32>,
        %get3A_249 = vector.shape_cast %get3A_248 : vector<1x16xf32> to vector<16xf32>
        %add3A_250 = arith.addf %get3A_245, %get3A_249 : vector<16xf32>
        %swap3A_251 = arith.index_cast %squeeze3A_223 : i32 to index
        %swap3A_252 = arith.constant 16 : index
        %swap3A_253 = tpu.vector_load %arg9[%swap3A_251, %swap3A_252] {strides = array<i32>} : memref<1576x32xf32, #tpu.memory_space<vmem>>, vector<1x16xf32>,
        %swap3A_254 = vector.shape_cast %swap3A_253 : vector<1x16xf32> to vector<16xf32>
        %swap3A_255 = vector.shape_cast %add3A_250 : vector<16xf32> to vector<1x16xf32>
        tpu.vector_store %arg9[%swap3A_251, %swap3A_252], %swap3A_255 {strides = array<i32>} : memref<1576x32xf32, #tpu.memory_space<vmem>>, vector<1x16xf32>,
        %slice3A_256 = vector.extract_strided_slice %get3A_156 {offsets = [3], sizes = [1], strides = [1]} : vector<16xi32> to vector<1xi32>
        %squeeze3A_257 = vector.extract %slice3A_256[0] : i32 from vector<1xi32>
        %mul3A_258 = arith.constant 16 : i32
        %mul3A_259 = arith.muli %scan3A_152, %mul3A_258 : i32
        %add3A_260 = arith.constant 3 : i32
        %add3A_261 = arith.addi %mul3A_259, %add3A_260 : i32
        %get3A_262 = arith.index_cast %squeeze3A_257 : i32 to index
        %get3A_263 = arith.constant 0 : index
        %get3A_264 = tpu.vector_load %arg9[%get3A_262, %get3A_263] {strides = array<i32>} : memref<1576x32xf32, #tpu.memory_space<vmem>>, vector<1x16xf32>,
        %get3A_265 = vector.shape_cast %get3A_264 : vector<1x16xf32> to vector<16xf32>
        %get3A_266 = arith.index_cast %add3A_261 : i32 to index
        %get3A_267 = arith.constant 0 : index
        %get3A_268 = tpu.vector_load %arg8[%get3A_266, %get3A_267] {strides = array<i32>} : memref<1024x32xf32, #tpu.memory_space<vmem>>, vector<1x16xf32>,
        %get3A_269 = vector.shape_cast %get3A_268 : vector<1x16xf32> to vector<16xf32>
        %add3A_270 = arith.addf %get3A_265, %get3A_269 : vector<16xf32>
        %swap3A_271 = arith.index_cast %squeeze3A_257 : i32 to index
        %swap3A_272 = arith.constant 0 : index
        %swap3A_273 = tpu.vector_load %arg9[%swap3A_271, %swap3A_272] {strides = array<i32>} : memref<1576x32xf32, #tpu.memory_space<vmem>>, vector<1x16xf32>,
        %swap3A_274 = vector.shape_cast %swap3A_273 : vector<1x16xf32> to vector<16xf32>
        %swap3A_275 = vector.shape_cast %add3A_270 : vector<16xf32> to vector<1x16xf32>
        tpu.vector_store %arg9[%swap3A_271, %swap3A_272], %swap3A_275 {strides = array<i32>} : memref<1576x32xf32, #tpu.memory_space<vmem>>, vector<1x16xf32>,
        %get3A_276 = arith.index_cast %squeeze3A_257 : i32 to index
        %get3A_277 = arith.constant 16 : index
        %get3A_278 = tpu.vector_load %arg9[%get3A_276, %get3A_277] {strides = array<i32>} : memref<1576x32xf32, #tpu.memory_space<vmem>>, vector<1x16xf32>,
        %get3A_279 = vector.shape_cast %get3A_278 : vector<1x16xf32> to vector<16xf32>
        %get3A_280 = arith.index_cast %add3A_261 : i32 to index
        %get3A_281 = arith.constant 16 : index
        %get3A_282 = tpu.vector_load %arg8[%get3A_280, %get3A_281] {strides = array<i32>} : memref<1024x32xf32, #tpu.memory_space<vmem>>, vector<1x16xf32>,
        %get3A_283 = vector.shape_cast %get3A_282 : vector<1x16xf32> to vector<16xf32>
        %add3A_284 = arith.addf %get3A_279, %get3A_283 : vector<16xf32>
        %swap3A_285 = arith.index_cast %squeeze3A_257 : i32 to index
        %swap3A_286 = arith.constant 16 : index
        %swap3A_287 = tpu.vector_load %arg9[%swap3A_285, %swap3A_286] {strides = array<i32>} : memref<1576x32xf32, #tpu.memory_space<vmem>>, vector<1x16xf32>,
        %swap3A_288 = vector.shape_cast %swap3A_287 : vector<1x16xf32> to vector<16xf32>
        %swap3A_289 = vector.shape_cast %add3A_284 : vector<16xf32> to vector<1x16xf32>
        tpu.vector_store %arg9[%swap3A_285, %swap3A_286], %swap3A_289 {strides = array<i32>} : memref<1576x32xf32, #tpu.memory_space<vmem>>, vector<1x16xf32>,
        %slice3A_290 = vector.extract_strided_slice %get3A_156 {offsets = [4], sizes = [1], strides = [1]} : vector<16xi32> to vector<1xi32>
        %squeeze3A_291 = vector.extract %slice3A_290[0] : i32 from vector<1xi32>
        %mul3A_292 = arith.constant 16 : i32
        %mul3A_293 = arith.muli %scan3A_152, %mul3A_292 : i32
        %add3A_294 = arith.constant 4 : i32
        %add3A_295 = arith.addi %mul3A_293, %add3A_294 : i32
        %get3A_296 = arith.index_cast %squeeze3A_291 : i32 to index
        %get3A_297 = arith.constant 0 : index
        %get3A_298 = tpu.vector_load %arg9[%get3A_296, %get3A_297] {strides = array<i32>} : memref<1576x32xf32, #tpu.memory_space<vmem>>, vector<1x16xf32>,
        %get3A_299 = vector.shape_cast %get3A_298 : vector<1x16xf32> to vector<16xf32>
        %get3A_300 = arith.index_cast %add3A_295 : i32 to index
        %get3A_301 = arith.constant 0 : index
        %get3A_302 = tpu.vector_load %arg8[%get3A_300, %get3A_301] {strides = array<i32>} : memref<1024x32xf32, #tpu.memory_space<vmem>>, vector<1x16xf32>,
        %get3A_303 = vector.shape_cast %get3A_302 : vector<1x16xf32> to vector<16xf32>
        %add3A_304 = arith.addf %get3A_299, %get3A_303 : vector<16xf32>
        %swap3A_305 = arith.index_cast %squeeze3A_291 : i32 to index
        %swap3A_306 = arith.constant 0 : index
        %swap3A_307 = tpu.vector_load %arg9[%swap3A_305, %swap3A_306] {strides = array<i32>} : memref<1576x32xf32, #tpu.memory_space<vmem>>, vector<1x16xf32>,
        %swap3A_308 = vector.shape_cast %swap3A_307 : vector<1x16xf32> to vector<16xf32>
        %swap3A_309 = vector.shape_cast %add3A_304 : vector<16xf32> to vector<1x16xf32>
        tpu.vector_store %arg9[%swap3A_305, %swap3A_306], %swap3A_309 {strides = array<i32>} : memref<1576x32xf32, #tpu.memory_space<vmem>>, vector<1x16xf32>,
        %get3A_310 = arith.index_cast %squeeze3A_291 : i32 to index
        %get3A_311 = arith.constant 16 : index
        %get3A_312 = tpu.vector_load %arg9[%get3A_310, %get3A_311] {strides = array<i32>} : memref<1576x32xf32, #tpu.memory_space<vmem>>, vector<1x16xf32>,
        %get3A_313 = vector.shape_cast %get3A_312 : vector<1x16xf32> to vector<16xf32>
        %get3A_314 = arith.index_cast %add3A_295 : i32 to index
        %get3A_315 = arith.constant 16 : index
        %get3A_316 = tpu.vector_load %arg8[%get3A_314, %get3A_315] {strides = array<i32>} : memref<1024x32xf32, #tpu.memory_space<vmem>>, vector<1x16xf32>,
        %get3A_317 = vector.shape_cast %get3A_316 : vector<1x16xf32> to vector<16xf32>
        %add3A_318 = arith.addf %get3A_313, %get3A_317 : vector<16xf32>
        %swap3A_319 = arith.index_cast %squeeze3A_291 : i32 to index
        %swap3A_320 = arith.constant 16 : index
        %swap3A_321 = tpu.vector_load %arg9[%swap3A_319, %swap3A_320] {strides = array<i32>} : memref<1576x32xf32, #tpu.memory_space<vmem>>, vector<1x16xf32>,
        %swap3A_322 = vector.shape_cast %swap3A_321 : vector<1x16xf32> to vector<16xf32>
        %swap3A_323 = vector.shape_cast %add3A_318 : vector<16xf32> to vector<1x16xf32>
        tpu.vector_store %arg9[%swap3A_319, %swap3A_320], %swap3A_323 {strides = array<i32>} : memref<1576x32xf32, #tpu.memory_space<vmem>>, vector<1x16xf32>,
        %slice3A_324 = vector.extract_strided_slice %get3A_156 {offsets = [5], sizes = [1], strides = [1]} : vector<16xi32> to vector<1xi32>
        %squeeze3A_325 = vector.extract %slice3A_324[0] : i32 from vector<1xi32>
        %mul3A_326 = arith.constant 16 : i32
        %mul3A_327 = arith.muli %scan3A_152, %mul3A_326 : i32
        %add3A_328 = arith.constant 5 : i32
        %add3A_329 = arith.addi %mul3A_327, %add3A_328 : i32
        %get3A_330 = arith.index_cast %squeeze3A_325 : i32 to index
        %get3A_331 = arith.constant 0 : index
        %get3A_332 = tpu.vector_load %arg9[%get3A_330, %get3A_331] {strides = array<i32>} : memref<1576x32xf32, #tpu.memory_space<vmem>>, vector<1x16xf32>,
        %get3A_333 = vector.shape_cast %get3A_332 : vector<1x16xf32> to vector<16xf32>
        %get3A_334 = arith.index_cast %add3A_329 : i32 to index
        %get3A_335 = arith.constant 0 : index
        %get3A_336 = tpu.vector_load %arg8[%get3A_334, %get3A_335] {strides = array<i32>} : memref<1024x32xf32, #tpu.memory_space<vmem>>, vector<1x16xf32>,
        %get3A_337 = vector.shape_cast %get3A_336 : vector<1x16xf32> to vector<16xf32>
        %add3A_338 = arith.addf %get3A_333, %get3A_337 : vector<16xf32>
        %swap3A_339 = arith.index_cast %squeeze3A_325 : i32 to index
        %swap3A_340 = arith.constant 0 : index
        %swap3A_341 = tpu.vector_load %arg9[%swap3A_339, %swap3A_340] {strides = array<i32>} : memref<1576x32xf32, #tpu.memory_space<vmem>>, vector<1x16xf32>,
        %swap3A_342 = vector.shape_cast %swap3A_341 : vector<1x16xf32> to vector<16xf32>
        %swap3A_343 = vector.shape_cast %add3A_338 : vector<16xf32> to vector<1x16xf32>
        tpu.vector_store %arg9[%swap3A_339, %swap3A_340], %swap3A_343 {strides = array<i32>} : memref<1576x32xf32, #tpu.memory_space<vmem>>, vector<1x16xf32>,
        %get3A_344 = arith.index_cast %squeeze3A_325 : i32 to index
        %get3A_345 = arith.constant 16 : index
        %get3A_346 = tpu.vector_load %arg9[%get3A_344, %get3A_345] {strides = array<i32>} : memref<1576x32xf32, #tpu.memory_space<vmem>>, vector<1x16xf32>,
        %get3A_347 = vector.shape_cast %get3A_346 : vector<1x16xf32> to vector<16xf32>
        %get3A_348 = arith.index_cast %add3A_329 : i32 to index
        %get3A_349 = arith.constant 16 : index
        %get3A_350 = tpu.vector_load %arg8[%get3A_348, %get3A_349] {strides = array<i32>} : memref<1024x32xf32, #tpu.memory_space<vmem>>, vector<1x16xf32>,
        %get3A_351 = vector.shape_cast %get3A_350 : vector<1x16xf32> to vector<16xf32>
        %add3A_352 = arith.addf %get3A_347, %get3A_351 : vector<16xf32>
        %swap3A_353 = arith.index_cast %squeeze3A_325 : i32 to index
        %swap3A_354 = arith.constant 16 : index
        %swap3A_355 = tpu.vector_load %arg9[%swap3A_353, %swap3A_354] {strides = array<i32>} : memref<1576x32xf32, #tpu.memory_space<vmem>>, vector<1x16xf32>,
        %swap3A_356 = vector.shape_cast %swap3A_355 : vector<1x16xf32> to vector<16xf32>
        %swap3A_357 = vector.shape_cast %add3A_352 : vector<16xf32> to vector<1x16xf32>
        tpu.vector_store %arg9[%swap3A_353, %swap3A_354], %swap3A_357 {strides = array<i32>} : memref<1576x32xf32, #tpu.memory_space<vmem>>, vector<1x16xf32>,
        %slice3A_358 = vector.extract_strided_slice %get3A_156 {offsets = [6], sizes = [1], strides = [1]} : vector<16xi32> to vector<1xi32>
        %squeeze3A_359 = vector.extract %slice3A_358[0] : i32 from vector<1xi32>
        %mul3A_360 = arith.constant 16 : i32
        %mul3A_361 = arith.muli %scan3A_152, %mul3A_360 : i32
        %add3A_362 = arith.constant 6 : i32
        %add3A_363 = arith.addi %mul3A_361, %add3A_362 : i32
        %get3A_364 = arith.index_cast %squeeze3A_359 : i32 to index
        %get3A_365 = arith.constant 0 : index
        %get3A_366 = tpu.vector_load %arg9[%get3A_364, %get3A_365] {strides = array<i32>} : memref<1576x32xf32, #tpu.memory_space<vmem>>, vector<1x16xf32>,
        %get3A_367 = vector.shape_cast %get3A_366 : vector<1x16xf32> to vector<16xf32>
        %get3A_368 = arith.index_cast %add3A_363 : i32 to index
        %get3A_369 = arith.constant 0 : index
        %get3A_370 = tpu.vector_load %arg8[%get3A_368, %get3A_369] {strides = array<i32>} : memref<1024x32xf32, #tpu.memory_space<vmem>>, vector<1x16xf32>,
        %get3A_371 = vector.shape_cast %get3A_370 : vector<1x16xf32> to vector<16xf32>
        %add3A_372 = arith.addf %get3A_367, %get3A_371 : vector<16xf32>
        %swap3A_373 = arith.index_cast %squeeze3A_359 : i32 to index
        %swap3A_374 = arith.constant 0 : index
        %swap3A_375 = tpu.vector_load %arg9[%swap3A_373, %swap3A_374] {strides = array<i32>} : memref<1576x32xf32, #tpu.memory_space<vmem>>, vector<1x16xf32>,
        %swap3A_376 = vector.shape_cast %swap3A_375 : vector<1x16xf32> to vector<16xf32>
        %swap3A_377 = vector.shape_cast %add3A_372 : vector<16xf32> to vector<1x16xf32>
        tpu.vector_store %arg9[%swap3A_373, %swap3A_374], %swap3A_377 {strides = array<i32>} : memref<1576x32xf32, #tpu.memory_space<vmem>>, vector<1x16xf32>,
        %get3A_378 = arith.index_cast %squeeze3A_359 : i32 to index
        %get3A_379 = arith.constant 16 : index
        %get3A_380 = tpu.vector_load %arg9[%get3A_378, %get3A_379] {strides = array<i32>} : memref<1576x32xf32, #tpu.memory_space<vmem>>, vector<1x16xf32>,
        %get3A_381 = vector.shape_cast %get3A_380 : vector<1x16xf32> to vector<16xf32>
        %get3A_382 = arith.index_cast %add3A_363 : i32 to index
        %get3A_383 = arith.constant 16 : index
        %get3A_384 = tpu.vector_load %arg8[%get3A_382, %get3A_383] {strides = array<i32>} : memref<1024x32xf32, #tpu.memory_space<vmem>>, vector<1x16xf32>,
        %get3A_385 = vector.shape_cast %get3A_384 : vector<1x16xf32> to vector<16xf32>
        %add3A_386 = arith.addf %get3A_381, %get3A_385 : vector<16xf32>
        %swap3A_387 = arith.index_cast %squeeze3A_359 : i32 to index
        %swap3A_388 = arith.constant 16 : index
        %swap3A_389 = tpu.vector_load %arg9[%swap3A_387, %swap3A_388] {strides = array<i32>} : memref<1576x32xf32, #tpu.memory_space<vmem>>, vector<1x16xf32>,
        %swap3A_390 = vector.shape_cast %swap3A_389 : vector<1x16xf32> to vector<16xf32>
        %swap3A_391 = vector.shape_cast %add3A_386 : vector<16xf32> to vector<1x16xf32>
        tpu.vector_store %arg9[%swap3A_387, %swap3A_388], %swap3A_391 {strides = array<i32>} : memref<1576x32xf32, #tpu.memory_space<vmem>>, vector<1x16xf32>,
        %slice3A_392 = vector.extract_strided_slice %get3A_156 {offsets = [7], sizes = [1], strides = [1]} : vector<16xi32> to vector<1xi32>
        %squeeze3A_393 = vector.extract %slice3A_392[0] : i32 from vector<1xi32>
        %mul3A_394 = arith.constant 16 : i32
        %mul3A_395 = arith.muli %scan3A_152, %mul3A_394 : i32
        %add3A_396 = arith.constant 7 : i32
        %add3A_397 = arith.addi %mul3A_395, %add3A_396 : i32
        %get3A_398 = arith.index_cast %squeeze3A_393 : i32 to index
        %get3A_399 = arith.constant 0 : index
        %get3A_400 = tpu.vector_load %arg9[%get3A_398, %get3A_399] {strides = array<i32>} : memref<1576x32xf32, #tpu.memory_space<vmem>>, vector<1x16xf32>,
        %get3A_401 = vector.shape_cast %get3A_400 : vector<1x16xf32> to vector<16xf32>
        %get3A_402 = arith.index_cast %add3A_397 : i32 to index
        %get3A_403 = arith.constant 0 : index
        %get3A_404 = tpu.vector_load %arg8[%get3A_402, %get3A_403] {strides = array<i32>} : memref<1024x32xf32, #tpu.memory_space<vmem>>, vector<1x16xf32>,
        %get3A_405 = vector.shape_cast %get3A_404 : vector<1x16xf32> to vector<16xf32>
        %add3A_406 = arith.addf %get3A_401, %get3A_405 : vector<16xf32>
        %swap3A_407 = arith.index_cast %squeeze3A_393 : i32 to index
        %swap3A_408 = arith.constant 0 : index
        %swap3A_409 = tpu.vector_load %arg9[%swap3A_407, %swap3A_408] {strides = array<i32>} : memref<1576x32xf32, #tpu.memory_space<vmem>>, vector<1x16xf32>,
        %swap3A_410 = vector.shape_cast %swap3A_409 : vector<1x16xf32> to vector<16xf32>
        %swap3A_411 = vector.shape_cast %add3A_406 : vector<16xf32> to vector<1x16xf32>
        tpu.vector_store %arg9[%swap3A_407, %swap3A_408], %swap3A_411 {strides = array<i32>} : memref<1576x32xf32, #tpu.memory_space<vmem>>, vector<1x16xf32>,
        %get3A_412 = arith.index_cast %squeeze3A_393 : i32 to index
        %get3A_413 = arith.constant 16 : index
        %get3A_414 = tpu.vector_load %arg9[%get3A_412, %get3A_413] {strides = array<i32>} : memref<1576x32xf32, #tpu.memory_space<vmem>>, vector<1x16xf32>,
        %get3A_415 = vector.shape_cast %get3A_414 : vector<1x16xf32> to vector<16xf32>
        %get3A_416 = arith.index_cast %add3A_397 : i32 to index
        %get3A_417 = arith.constant 16 : index
        %get3A_418 = tpu.vector_load %arg8[%get3A_416, %get3A_417] {strides = array<i32>} : memref<1024x32xf32, #tpu.memory_space<vmem>>, vector<1x16xf32>,
        %get3A_419 = vector.shape_cast %get3A_418 : vector<1x16xf32> to vector<16xf32>
        %add3A_420 = arith.addf %get3A_415, %get3A_419 : vector<16xf32>
        %swap3A_421 = arith.index_cast %squeeze3A_393 : i32 to index
        %swap3A_422 = arith.constant 16 : index
        %swap3A_423 = tpu.vector_load %arg9[%swap3A_421, %swap3A_422] {strides = array<i32>} : memref<1576x32xf32, #tpu.memory_space<vmem>>, vector<1x16xf32>,
        %swap3A_424 = vector.shape_cast %swap3A_423 : vector<1x16xf32> to vector<16xf32>
        %swap3A_425 = vector.shape_cast %add3A_420 : vector<16xf32> to vector<1x16xf32>
        tpu.vector_store %arg9[%swap3A_421, %swap3A_422], %swap3A_425 {strides = array<i32>} : memref<1576x32xf32, #tpu.memory_space<vmem>>, vector<1x16xf32>,
        %slice3A_426 = vector.extract_strided_slice %get3A_156 {offsets = [8], sizes = [1], strides = [1]} : vector<16xi32> to vector<1xi32>
        %squeeze3A_427 = vector.extract %slice3A_426[0] : i32 from vector<1xi32>
        %mul3A_428 = arith.constant 16 : i32
        %mul3A_429 = arith.muli %scan3A_152, %mul3A_428 : i32
        %add3A_430 = arith.constant 8 : i32
        %add3A_431 = arith.addi %mul3A_429, %add3A_430 : i32
        %get3A_432 = arith.index_cast %squeeze3A_427 : i32 to index
        %get3A_433 = arith.constant 0 : index
        %get3A_434 = tpu.vector_load %arg9[%get3A_432, %get3A_433] {strides = array<i32>} : memref<1576x32xf32, #tpu.memory_space<vmem>>, vector<1x16xf32>,
        %get3A_435 = vector.shape_cast %get3A_434 : vector<1x16xf32> to vector<16xf32>
        %get3A_436 = arith.index_cast %add3A_431 : i32 to index
        %get3A_437 = arith.constant 0 : index
        %get3A_438 = tpu.vector_load %arg8[%get3A_436, %get3A_437] {strides = array<i32>} : memref<1024x32xf32, #tpu.memory_space<vmem>>, vector<1x16xf32>,
        %get3A_439 = vector.shape_cast %get3A_438 : vector<1x16xf32> to vector<16xf32>
        %add3A_440 = arith.addf %get3A_435, %get3A_439 : vector<16xf32>
        %swap3A_441 = arith.index_cast %squeeze3A_427 : i32 to index
        %swap3A_442 = arith.constant 0 : index
        %swap3A_443 = tpu.vector_load %arg9[%swap3A_441, %swap3A_442] {strides = array<i32>} : memref<1576x32xf32, #tpu.memory_space<vmem>>, vector<1x16xf32>,
        %swap3A_444 = vector.shape_cast %swap3A_443 : vector<1x16xf32> to vector<16xf32>
        %swap3A_445 = vector.shape_cast %add3A_440 : vector<16xf32> to vector<1x16xf32>
        tpu.vector_store %arg9[%swap3A_441, %swap3A_442], %swap3A_445 {strides = array<i32>} : memref<1576x32xf32, #tpu.memory_space<vmem>>, vector<1x16xf32>,
        %get3A_446 = arith.index_cast %squeeze3A_427 : i32 to index
        %get3A_447 = arith.constant 16 : index
        %get3A_448 = tpu.vector_load %arg9[%get3A_446, %get3A_447] {strides = array<i32>} : memref<1576x32xf32, #tpu.memory_space<vmem>>, vector<1x16xf32>,
        %get3A_449 = vector.shape_cast %get3A_448 : vector<1x16xf32> to vector<16xf32>
        %get3A_450 = arith.index_cast %add3A_431 : i32 to index
        %get3A_451 = arith.constant 16 : index
        %get3A_452 = tpu.vector_load %arg8[%get3A_450, %get3A_451] {strides = array<i32>} : memref<1024x32xf32, #tpu.memory_space<vmem>>, vector<1x16xf32>,
        %get3A_453 = vector.shape_cast %get3A_452 : vector<1x16xf32> to vector<16xf32>
        %add3A_454 = arith.addf %get3A_449, %get3A_453 : vector<16xf32>
        %swap3A_455 = arith.index_cast %squeeze3A_427 : i32 to index
        %swap3A_456 = arith.constant 16 : index
        %swap3A_457 = tpu.vector_load %arg9[%swap3A_455, %swap3A_456] {strides = array<i32>} : memref<1576x32xf32, #tpu.memory_space<vmem>>, vector<1x16xf32>,
        %swap3A_458 = vector.shape_cast %swap3A_457 : vector<1x16xf32> to vector<16xf32>
        %swap3A_459 = vector.shape_cast %add3A_454 : vector<16xf32> to vector<1x16xf32>
        tpu.vector_store %arg9[%swap3A_455, %swap3A_456], %swap3A_459 {strides = array<i32>} : memref<1576x32xf32, #tpu.memory_space<vmem>>, vector<1x16xf32>,
        %slice3A_460 = vector.extract_strided_slice %get3A_156 {offsets = [9], sizes = [1], strides = [1]} : vector<16xi32> to vector<1xi32>
        %squeeze3A_461 = vector.extract %slice3A_460[0] : i32 from vector<1xi32>
        %mul3A_462 = arith.constant 16 : i32
        %mul3A_463 = arith.muli %scan3A_152, %mul3A_462 : i32
        %add3A_464 = arith.constant 9 : i32
        %add3A_465 = arith.addi %mul3A_463, %add3A_464 : i32
        %get3A_466 = arith.index_cast %squeeze3A_461 : i32 to index
        %get3A_467 = arith.constant 0 : index
        %get3A_468 = tpu.vector_load %arg9[%get3A_466, %get3A_467] {strides = array<i32>} : memref<1576x32xf32, #tpu.memory_space<vmem>>, vector<1x16xf32>,
        %get3A_469 = vector.shape_cast %get3A_468 : vector<1x16xf32> to vector<16xf32>
        %get3A_470 = arith.index_cast %add3A_465 : i32 to index
        %get3A_471 = arith.constant 0 : index
        %get3A_472 = tpu.vector_load %arg8[%get3A_470, %get3A_471] {strides = array<i32>} : memref<1024x32xf32, #tpu.memory_space<vmem>>, vector<1x16xf32>,
        %get3A_473 = vector.shape_cast %get3A_472 : vector<1x16xf32> to vector<16xf32>
        %add3A_474 = arith.addf %get3A_469, %get3A_473 : vector<16xf32>
        %swap3A_475 = arith.index_cast %squeeze3A_461 : i32 to index
        %swap3A_476 = arith.constant 0 : index
        %swap3A_477 = tpu.vector_load %arg9[%swap3A_475, %swap3A_476] {strides = array<i32>} : memref<1576x32xf32, #tpu.memory_space<vmem>>, vector<1x16xf32>,
        %swap3A_478 = vector.shape_cast %swap3A_477 : vector<1x16xf32> to vector<16xf32>
        %swap3A_479 = vector.shape_cast %add3A_474 : vector<16xf32> to vector<1x16xf32>
        tpu.vector_store %arg9[%swap3A_475, %swap3A_476], %swap3A_479 {strides = array<i32>} : memref<1576x32xf32, #tpu.memory_space<vmem>>, vector<1x16xf32>,
        %get3A_480 = arith.index_cast %squeeze3A_461 : i32 to index
        %get3A_481 = arith.constant 16 : index
        %get3A_482 = tpu.vector_load %arg9[%get3A_480, %get3A_481] {strides = array<i32>} : memref<1576x32xf32, #tpu.memory_space<vmem>>, vector<1x16xf32>,
        %get3A_483 = vector.shape_cast %get3A_482 : vector<1x16xf32> to vector<16xf32>
        %get3A_484 = arith.index_cast %add3A_465 : i32 to index
        %get3A_485 = arith.constant 16 : index
        %get3A_486 = tpu.vector_load %arg8[%get3A_484, %get3A_485] {strides = array<i32>} : memref<1024x32xf32, #tpu.memory_space<vmem>>, vector<1x16xf32>,
        %get3A_487 = vector.shape_cast %get3A_486 : vector<1x16xf32> to vector<16xf32>
        %add3A_488 = arith.addf %get3A_483, %get3A_487 : vector<16xf32>
        %swap3A_489 = arith.index_cast %squeeze3A_461 : i32 to index
        %swap3A_490 = arith.constant 16 : index
        %swap3A_491 = tpu.vector_load %arg9[%swap3A_489, %swap3A_490] {strides = array<i32>} : memref<1576x32xf32, #tpu.memory_space<vmem>>, vector<1x16xf32>,
        %swap3A_492 = vector.shape_cast %swap3A_491 : vector<1x16xf32> to vector<16xf32>
        %swap3A_493 = vector.shape_cast %add3A_488 : vector<16xf32> to vector<1x16xf32>
        tpu.vector_store %arg9[%swap3A_489, %swap3A_490], %swap3A_493 {strides = array<i32>} : memref<1576x32xf32, #tpu.memory_space<vmem>>, vector<1x16xf32>,
        %slice3A_494 = vector.extract_strided_slice %get3A_156 {offsets = [10], sizes = [1], strides = [1]} : vector<16xi32> to vector<1xi32>
        %squeeze3A_495 = vector.extract %slice3A_494[0] : i32 from vector<1xi32>
        %mul3A_496 = arith.constant 16 : i32
        %mul3A_497 = arith.muli %scan3A_152, %mul3A_496 : i32
        %add3A_498 = arith.constant 10 : i32
        %add3A_499 = arith.addi %mul3A_497, %add3A_498 : i32
        %get3A_500 = arith.index_cast %squeeze3A_495 : i32 to index
        %get3A_501 = arith.constant 0 : index
        %get3A_502 = tpu.vector_load %arg9[%get3A_500, %get3A_501] {strides = array<i32>} : memref<1576x32xf32, #tpu.memory_space<vmem>>, vector<1x16xf32>,
        %get3A_503 = vector.shape_cast %get3A_502 : vector<1x16xf32> to vector<16xf32>
        %get3A_504 = arith.index_cast %add3A_499 : i32 to index
        %get3A_505 = arith.constant 0 : index
        %get3A_506 = tpu.vector_load %arg8[%get3A_504, %get3A_505] {strides = array<i32>} : memref<1024x32xf32, #tpu.memory_space<vmem>>, vector<1x16xf32>,
        %get3A_507 = vector.shape_cast %get3A_506 : vector<1x16xf32> to vector<16xf32>
        %add3A_508 = arith.addf %get3A_503, %get3A_507 : vector<16xf32>
        %swap3A_509 = arith.index_cast %squeeze3A_495 : i32 to index
        %swap3A_510 = arith.constant 0 : index
        %swap3A_511 = tpu.vector_load %arg9[%swap3A_509, %swap3A_510] {strides = array<i32>} : memref<1576x32xf32, #tpu.memory_space<vmem>>, vector<1x16xf32>,
        %swap3A_512 = vector.shape_cast %swap3A_511 : vector<1x16xf32> to vector<16xf32>
        %swap3A_513 = vector.shape_cast %add3A_508 : vector<16xf32> to vector<1x16xf32>
        tpu.vector_store %arg9[%swap3A_509, %swap3A_510], %swap3A_513 {strides = array<i32>} : memref<1576x32xf32, #tpu.memory_space<vmem>>, vector<1x16xf32>,
        %get3A_514 = arith.index_cast %squeeze3A_495 : i32 to index
        %get3A_515 = arith.constant 16 : index
        %get3A_516 = tpu.vector_load %arg9[%get3A_514, %get3A_515] {strides = array<i32>} : memref<1576x32xf32, #tpu.memory_space<vmem>>, vector<1x16xf32>,
        %get3A_517 = vector.shape_cast %get3A_516 : vector<1x16xf32> to vector<16xf32>
        %get3A_518 = arith.index_cast %add3A_499 : i32 to index
        %get3A_519 = arith.constant 16 : index
        %get3A_520 = tpu.vector_load %arg8[%get3A_518, %get3A_519] {strides = array<i32>} : memref<1024x32xf32, #tpu.memory_space<vmem>>, vector<1x16xf32>,
        %get3A_521 = vector.shape_cast %get3A_520 : vector<1x16xf32> to vector<16xf32>
        %add3A_522 = arith.addf %get3A_517, %get3A_521 : vector<16xf32>
        %swap3A_523 = arith.index_cast %squeeze3A_495 : i32 to index
        %swap3A_524 = arith.constant 16 : index
        %swap3A_525 = tpu.vector_load %arg9[%swap3A_523, %swap3A_524] {strides = array<i32>} : memref<1576x32xf32, #tpu.memory_space<vmem>>, vector<1x16xf32>,
        %swap3A_526 = vector.shape_cast %swap3A_525 : vector<1x16xf32> to vector<16xf32>
        %swap3A_527 = vector.shape_cast %add3A_522 : vector<16xf32> to vector<1x16xf32>
        tpu.vector_store %arg9[%swap3A_523, %swap3A_524], %swap3A_527 {strides = array<i32>} : memref<1576x32xf32, #tpu.memory_space<vmem>>, vector<1x16xf32>,
        %slice3A_528 = vector.extract_strided_slice %get3A_156 {offsets = [11], sizes = [1], strides = [1]} : vector<16xi32> to vector<1xi32>
        %squeeze3A_529 = vector.extract %slice3A_528[0] : i32 from vector<1xi32>
        %mul3A_530 = arith.constant 16 : i32
        %mul3A_531 = arith.muli %scan3A_152, %mul3A_530 : i32
        %add3A_532 = arith.constant 11 : i32
        %add3A_533 = arith.addi %mul3A_531, %add3A_532 : i32
        %get3A_534 = arith.index_cast %squeeze3A_529 : i32 to index
        %get3A_535 = arith.constant 0 : index
        %get3A_536 = tpu.vector_load %arg9[%get3A_534, %get3A_535] {strides = array<i32>} : memref<1576x32xf32, #tpu.memory_space<vmem>>, vector<1x16xf32>,
        %get3A_537 = vector.shape_cast %get3A_536 : vector<1x16xf32> to vector<16xf32>
        %get3A_538 = arith.index_cast %add3A_533 : i32 to index
        %get3A_539 = arith.constant 0 : index
        %get3A_540 = tpu.vector_load %arg8[%get3A_538, %get3A_539] {strides = array<i32>} : memref<1024x32xf32, #tpu.memory_space<vmem>>, vector<1x16xf32>,
        %get3A_541 = vector.shape_cast %get3A_540 : vector<1x16xf32> to vector<16xf32>
        %add3A_542 = arith.addf %get3A_537, %get3A_541 : vector<16xf32>
        %swap3A_543 = arith.index_cast %squeeze3A_529 : i32 to index
        %swap3A_544 = arith.constant 0 : index
        %swap3A_545 = tpu.vector_load %arg9[%swap3A_543, %swap3A_544] {strides = array<i32>} : memref<1576x32xf32, #tpu.memory_space<vmem>>, vector<1x16xf32>,
        %swap3A_546 = vector.shape_cast %swap3A_545 : vector<1x16xf32> to vector<16xf32>
        %swap3A_547 = vector.shape_cast %add3A_542 : vector<16xf32> to vector<1x16xf32>
        tpu.vector_store %arg9[%swap3A_543, %swap3A_544], %swap3A_547 {strides = array<i32>} : memref<1576x32xf32, #tpu.memory_space<vmem>>, vector<1x16xf32>,
        %get3A_548 = arith.index_cast %squeeze3A_529 : i32 to index
        %get3A_549 = arith.constant 16 : index
        %get3A_550 = tpu.vector_load %arg9[%get3A_548, %get3A_549] {strides = array<i32>} : memref<1576x32xf32, #tpu.memory_space<vmem>>, vector<1x16xf32>,
        %get3A_551 = vector.shape_cast %get3A_550 : vector<1x16xf32> to vector<16xf32>
        %get3A_552 = arith.index_cast %add3A_533 : i32 to index
        %get3A_553 = arith.constant 16 : index
        %get3A_554 = tpu.vector_load %arg8[%get3A_552, %get3A_553] {strides = array<i32>} : memref<1024x32xf32, #tpu.memory_space<vmem>>, vector<1x16xf32>,
        %get3A_555 = vector.shape_cast %get3A_554 : vector<1x16xf32> to vector<16xf32>
        %add3A_556 = arith.addf %get3A_551, %get3A_555 : vector<16xf32>
        %swap3A_557 = arith.index_cast %squeeze3A_529 : i32 to index
        %swap3A_558 = arith.constant 16 : index
        %swap3A_559 = tpu.vector_load %arg9[%swap3A_557, %swap3A_558] {strides = array<i32>} : memref<1576x32xf32, #tpu.memory_space<vmem>>, vector<1x16xf32>,
        %swap3A_560 = vector.shape_cast %swap3A_559 : vector<1x16xf32> to vector<16xf32>
        %swap3A_561 = vector.shape_cast %add3A_556 : vector<16xf32> to vector<1x16xf32>
        tpu.vector_store %arg9[%swap3A_557, %swap3A_558], %swap3A_561 {strides = array<i32>} : memref<1576x32xf32, #tpu.memory_space<vmem>>, vector<1x16xf32>,
        %slice3A_562 = vector.extract_strided_slice %get3A_156 {offsets = [12], sizes = [1], strides = [1]} : vector<16xi32> to vector<1xi32>
        %squeeze3A_563 = vector.extract %slice3A_562[0] : i32 from vector<1xi32>
        %mul3A_564 = arith.constant 16 : i32
        %mul3A_565 = arith.muli %scan3A_152, %mul3A_564 : i32
        %add3A_566 = arith.constant 12 : i32
        %add3A_567 = arith.addi %mul3A_565, %add3A_566 : i32
        %get3A_568 = arith.index_cast %squeeze3A_563 : i32 to index
        %get3A_569 = arith.constant 0 : index
        %get3A_570 = tpu.vector_load %arg9[%get3A_568, %get3A_569] {strides = array<i32>} : memref<1576x32xf32, #tpu.memory_space<vmem>>, vector<1x16xf32>,
        %get3A_571 = vector.shape_cast %get3A_570 : vector<1x16xf32> to vector<16xf32>
        %get3A_572 = arith.index_cast %add3A_567 : i32 to index
        %get3A_573 = arith.constant 0 : index
        %get3A_574 = tpu.vector_load %arg8[%get3A_572, %get3A_573] {strides = array<i32>} : memref<1024x32xf32, #tpu.memory_space<vmem>>, vector<1x16xf32>,
        %get3A_575 = vector.shape_cast %get3A_574 : vector<1x16xf32> to vector<16xf32>
        %add3A_576 = arith.addf %get3A_571, %get3A_575 : vector<16xf32>
        %swap3A_577 = arith.index_cast %squeeze3A_563 : i32 to index
        %swap3A_578 = arith.constant 0 : index
        %swap3A_579 = tpu.vector_load %arg9[%swap3A_577, %swap3A_578] {strides = array<i32>} : memref<1576x32xf32, #tpu.memory_space<vmem>>, vector<1x16xf32>,
        %swap3A_580 = vector.shape_cast %swap3A_579 : vector<1x16xf32> to vector<16xf32>
        %swap3A_581 = vector.shape_cast %add3A_576 : vector<16xf32> to vector<1x16xf32>
        tpu.vector_store %arg9[%swap3A_577, %swap3A_578], %swap3A_581 {strides = array<i32>} : memref<1576x32xf32, #tpu.memory_space<vmem>>, vector<1x16xf32>,
        %get3A_582 = arith.index_cast %squeeze3A_563 : i32 to index
        %get3A_583 = arith.constant 16 : index
        %get3A_584 = tpu.vector_load %arg9[%get3A_582, %get3A_583] {strides = array<i32>} : memref<1576x32xf32, #tpu.memory_space<vmem>>, vector<1x16xf32>,
        %get3A_585 = vector.shape_cast %get3A_584 : vector<1x16xf32> to vector<16xf32>
        %get3A_586 = arith.index_cast %add3A_567 : i32 to index
        %get3A_587 = arith.constant 16 : index
        %get3A_588 = tpu.vector_load %arg8[%get3A_586, %get3A_587] {strides = array<i32>} : memref<1024x32xf32, #tpu.memory_space<vmem>>, vector<1x16xf32>,
        %get3A_589 = vector.shape_cast %get3A_588 : vector<1x16xf32> to vector<16xf32>
        %add3A_590 = arith.addf %get3A_585, %get3A_589 : vector<16xf32>
        %swap3A_591 = arith.index_cast %squeeze3A_563 : i32 to index
        %swap3A_592 = arith.constant 16 : index
        %swap3A_593 = tpu.vector_load %arg9[%swap3A_591, %swap3A_592] {strides = array<i32>} : memref<1576x32xf32, #tpu.memory_space<vmem>>, vector<1x16xf32>,
        %swap3A_594 = vector.shape_cast %swap3A_593 : vector<1x16xf32> to vector<16xf32>
        %swap3A_595 = vector.shape_cast %add3A_590 : vector<16xf32> to vector<1x16xf32>
        tpu.vector_store %arg9[%swap3A_591, %swap3A_592], %swap3A_595 {strides = array<i32>} : memref<1576x32xf32, #tpu.memory_space<vmem>>, vector<1x16xf32>,
        %slice3A_596 = vector.extract_strided_slice %get3A_156 {offsets = [13], sizes = [1], strides = [1]} : vector<16xi32> to vector<1xi32>
        %squeeze3A_597 = vector.extract %slice3A_596[0] : i32 from vector<1xi32>
        %mul3A_598 = arith.constant 16 : i32
        %mul3A_599 = arith.muli %scan3A_152, %mul3A_598 : i32
        %add3A_600 = arith.constant 13 : i32
        %add3A_601 = arith.addi %mul3A_599, %add3A_600 : i32
        %get3A_602 = arith.index_cast %squeeze3A_597 : i32 to index
        %get3A_603 = arith.constant 0 : index
        %get3A_604 = tpu.vector_load %arg9[%get3A_602, %get3A_603] {strides = array<i32>} : memref<1576x32xf32, #tpu.memory_space<vmem>>, vector<1x16xf32>,
        %get3A_605 = vector.shape_cast %get3A_604 : vector<1x16xf32> to vector<16xf32>
        %get3A_606 = arith.index_cast %add3A_601 : i32 to index
        %get3A_607 = arith.constant 0 : index
        %get3A_608 = tpu.vector_load %arg8[%get3A_606, %get3A_607] {strides = array<i32>} : memref<1024x32xf32, #tpu.memory_space<vmem>>, vector<1x16xf32>,
        %get3A_609 = vector.shape_cast %get3A_608 : vector<1x16xf32> to vector<16xf32>
        %add3A_610 = arith.addf %get3A_605, %get3A_609 : vector<16xf32>
        %swap3A_611 = arith.index_cast %squeeze3A_597 : i32 to index
        %swap3A_612 = arith.constant 0 : index
        %swap3A_613 = tpu.vector_load %arg9[%swap3A_611, %swap3A_612] {strides = array<i32>} : memref<1576x32xf32, #tpu.memory_space<vmem>>, vector<1x16xf32>,
        %swap3A_614 = vector.shape_cast %swap3A_613 : vector<1x16xf32> to vector<16xf32>
        %swap3A_615 = vector.shape_cast %add3A_610 : vector<16xf32> to vector<1x16xf32>
        tpu.vector_store %arg9[%swap3A_611, %swap3A_612], %swap3A_615 {strides = array<i32>} : memref<1576x32xf32, #tpu.memory_space<vmem>>, vector<1x16xf32>,
        %get3A_616 = arith.index_cast %squeeze3A_597 : i32 to index
        %get3A_617 = arith.constant 16 : index
        %get3A_618 = tpu.vector_load %arg9[%get3A_616, %get3A_617] {strides = array<i32>} : memref<1576x32xf32, #tpu.memory_space<vmem>>, vector<1x16xf32>,
        %get3A_619 = vector.shape_cast %get3A_618 : vector<1x16xf32> to vector<16xf32>
        %get3A_620 = arith.index_cast %add3A_601 : i32 to index
        %get3A_621 = arith.constant 16 : index
        %get3A_622 = tpu.vector_load %arg8[%get3A_620, %get3A_621] {strides = array<i32>} : memref<1024x32xf32, #tpu.memory_space<vmem>>, vector<1x16xf32>,
        %get3A_623 = vector.shape_cast %get3A_622 : vector<1x16xf32> to vector<16xf32>
        %add3A_624 = arith.addf %get3A_619, %get3A_623 : vector<16xf32>
        %swap3A_625 = arith.index_cast %squeeze3A_597 : i32 to index
        %swap3A_626 = arith.constant 16 : index
        %swap3A_627 = tpu.vector_load %arg9[%swap3A_625, %swap3A_626] {strides = array<i32>} : memref<1576x32xf32, #tpu.memory_space<vmem>>, vector<1x16xf32>,
        %swap3A_628 = vector.shape_cast %swap3A_627 : vector<1x16xf32> to vector<16xf32>
        %swap3A_629 = vector.shape_cast %add3A_624 : vector<16xf32> to vector<1x16xf32>
        tpu.vector_store %arg9[%swap3A_625, %swap3A_626], %swap3A_629 {strides = array<i32>} : memref<1576x32xf32, #tpu.memory_space<vmem>>, vector<1x16xf32>,
        %slice3A_630 = vector.extract_strided_slice %get3A_156 {offsets = [14], sizes = [1], strides = [1]} : vector<16xi32> to vector<1xi32>
        %squeeze3A_631 = vector.extract %slice3A_630[0] : i32 from vector<1xi32>
        %mul3A_632 = arith.constant 16 : i32
        %mul3A_633 = arith.muli %scan3A_152, %mul3A_632 : i32
        %add3A_634 = arith.constant 14 : i32
        %add3A_635 = arith.addi %mul3A_633, %add3A_634 : i32
        %get3A_636 = arith.index_cast %squeeze3A_631 : i32 to index
        %get3A_637 = arith.constant 0 : index
        %get3A_638 = tpu.vector_load %arg9[%get3A_636, %get3A_637] {strides = array<i32>} : memref<1576x32xf32, #tpu.memory_space<vmem>>, vector<1x16xf32>,
        %get3A_639 = vector.shape_cast %get3A_638 : vector<1x16xf32> to vector<16xf32>
        %get3A_640 = arith.index_cast %add3A_635 : i32 to index
        %get3A_641 = arith.constant 0 : index
        %get3A_642 = tpu.vector_load %arg8[%get3A_640, %get3A_641] {strides = array<i32>} : memref<1024x32xf32, #tpu.memory_space<vmem>>, vector<1x16xf32>,
        %get3A_643 = vector.shape_cast %get3A_642 : vector<1x16xf32> to vector<16xf32>
        %add3A_644 = arith.addf %get3A_639, %get3A_643 : vector<16xf32>
        %swap3A_645 = arith.index_cast %squeeze3A_631 : i32 to index
        %swap3A_646 = arith.constant 0 : index
        %swap3A_647 = tpu.vector_load %arg9[%swap3A_645, %swap3A_646] {strides = array<i32>} : memref<1576x32xf32, #tpu.memory_space<vmem>>, vector<1x16xf32>,
        %swap3A_648 = vector.shape_cast %swap3A_647 : vector<1x16xf32> to vector<16xf32>
        %swap3A_649 = vector.shape_cast %add3A_644 : vector<16xf32> to vector<1x16xf32>
        tpu.vector_store %arg9[%swap3A_645, %swap3A_646], %swap3A_649 {strides = array<i32>} : memref<1576x32xf32, #tpu.memory_space<vmem>>, vector<1x16xf32>,
        %get3A_650 = arith.index_cast %squeeze3A_631 : i32 to index
        %get3A_651 = arith.constant 16 : index
        %get3A_652 = tpu.vector_load %arg9[%get3A_650, %get3A_651] {strides = array<i32>} : memref<1576x32xf32, #tpu.memory_space<vmem>>, vector<1x16xf32>,
        %get3A_653 = vector.shape_cast %get3A_652 : vector<1x16xf32> to vector<16xf32>
        %get3A_654 = arith.index_cast %add3A_635 : i32 to index
        %get3A_655 = arith.constant 16 : index
        %get3A_656 = tpu.vector_load %arg8[%get3A_654, %get3A_655] {strides = array<i32>} : memref<1024x32xf32, #tpu.memory_space<vmem>>, vector<1x16xf32>,
        %get3A_657 = vector.shape_cast %get3A_656 : vector<1x16xf32> to vector<16xf32>
        %add3A_658 = arith.addf %get3A_653, %get3A_657 : vector<16xf32>
        %swap3A_659 = arith.index_cast %squeeze3A_631 : i32 to index
        %swap3A_660 = arith.constant 16 : index
        %swap3A_661 = tpu.vector_load %arg9[%swap3A_659, %swap3A_660] {strides = array<i32>} : memref<1576x32xf32, #tpu.memory_space<vmem>>, vector<1x16xf32>,
        %swap3A_662 = vector.shape_cast %swap3A_661 : vector<1x16xf32> to vector<16xf32>
        %swap3A_663 = vector.shape_cast %add3A_658 : vector<16xf32> to vector<1x16xf32>
        tpu.vector_store %arg9[%swap3A_659, %swap3A_660], %swap3A_663 {strides = array<i32>} : memref<1576x32xf32, #tpu.memory_space<vmem>>, vector<1x16xf32>,
        %slice3A_664 = vector.extract_strided_slice %get3A_156 {offsets = [15], sizes = [1], strides = [1]} : vector<16xi32> to vector<1xi32>
        %squeeze3A_665 = vector.extract %slice3A_664[0] : i32 from vector<1xi32>
        %mul3A_666 = arith.constant 16 : i32
        %mul3A_667 = arith.muli %scan3A_152, %mul3A_666 : i32
        %add3A_668 = arith.constant 15 : i32
        %add3A_669 = arith.addi %mul3A_667, %add3A_668 : i32
        %get3A_670 = arith.index_cast %squeeze3A_665 : i32 to index
        %get3A_671 = arith.constant 0 : index
        %get3A_672 = tpu.vector_load %arg9[%get3A_670, %get3A_671] {strides = array<i32>} : memref<1576x32xf32, #tpu.memory_space<vmem>>, vector<1x16xf32>,
        %get3A_673 = vector.shape_cast %get3A_672 : vector<1x16xf32> to vector<16xf32>
        %get3A_674 = arith.index_cast %add3A_669 : i32 to index
        %get3A_675 = arith.constant 0 : index
        %get3A_676 = tpu.vector_load %arg8[%get3A_674, %get3A_675] {strides = array<i32>} : memref<1024x32xf32, #tpu.memory_space<vmem>>, vector<1x16xf32>,
        %get3A_677 = vector.shape_cast %get3A_676 : vector<1x16xf32> to vector<16xf32>
        %add3A_678 = arith.addf %get3A_673, %get3A_677 : vector<16xf32>
        %swap3A_679 = arith.index_cast %squeeze3A_665 : i32 to index
        %swap3A_680 = arith.constant 0 : index
        %swap3A_681 = tpu.vector_load %arg9[%swap3A_679, %swap3A_680] {strides = array<i32>} : memref<1576x32xf32, #tpu.memory_space<vmem>>, vector<1x16xf32>,
        %swap3A_682 = vector.shape_cast %swap3A_681 : vector<1x16xf32> to vector<16xf32>
        %swap3A_683 = vector.shape_cast %add3A_678 : vector<16xf32> to vector<1x16xf32>
        tpu.vector_store %arg9[%swap3A_679, %swap3A_680], %swap3A_683 {strides = array<i32>} : memref<1576x32xf32, #tpu.memory_space<vmem>>, vector<1x16xf32>,
        %get3A_684 = arith.index_cast %squeeze3A_665 : i32 to index
        %get3A_685 = arith.constant 16 : index
        %get3A_686 = tpu.vector_load %arg9[%get3A_684, %get3A_685] {strides = array<i32>} : memref<1576x32xf32, #tpu.memory_space<vmem>>, vector<1x16xf32>,
        %get3A_687 = vector.shape_cast %get3A_686 : vector<1x16xf32> to vector<16xf32>
        %get3A_688 = arith.index_cast %add3A_669 : i32 to index
        %get3A_689 = arith.constant 16 : index
        %get3A_690 = tpu.vector_load %arg8[%get3A_688, %get3A_689] {strides = array<i32>} : memref<1024x32xf32, #tpu.memory_space<vmem>>, vector<1x16xf32>,
        %get3A_691 = vector.shape_cast %get3A_690 : vector<1x16xf32> to vector<16xf32>
        %add3A_692 = arith.addf %get3A_687, %get3A_691 : vector<16xf32>
        %swap3A_693 = arith.index_cast %squeeze3A_665 : i32 to index
        %swap3A_694 = arith.constant 16 : index
        %swap3A_695 = tpu.vector_load %arg9[%swap3A_693, %swap3A_694] {strides = array<i32>} : memref<1576x32xf32, #tpu.memory_space<vmem>>, vector<1x16xf32>,
        %swap3A_696 = vector.shape_cast %swap3A_695 : vector<1x16xf32> to vector<16xf32>
        %swap3A_697 = vector.shape_cast %add3A_692 : vector<16xf32> to vector<1x16xf32>
        tpu.vector_store %arg9[%swap3A_693, %swap3A_694], %swap3A_697 {strides = array<i32>} : memref<1576x32xf32, #tpu.memory_space<vmem>>, vector<1x16xf32>,
      }
      %scan3A_151 = arith.constant 64 : i32
    }
    %scan3A_12 = arith.constant 32 : i32
    %mul3A_13 = arith.constant 1568 : i32
    %mul3A_14 = arith.muli %add3A, %mul3A_13 : i32
    "tpu.region"() ({
      %run_scoped3A = tpu.sem_alloc : memref<!tpu.dma_semaphore, #tpu.memory_space<semaphore_mem>>
      %dma_start3A = arith.constant 0 : i32
      %dma_start3A_15 = arith.constant 0 : i32
      %dma_start3A_16 = tpu.memref_slice %arg9[%dma_start3A, %dma_start3A_15] : memref<1576x32xf32, #tpu.memory_space<vmem>> -> memref<1568x32xf32, #tpu.memory_space<vmem>>
      %dma_start3A_17 = arith.constant 0 : i32
      %dma_start3A_18 = tpu.memref_slice %arg5[%mul3A_14, %dma_start3A_17] : memref<50176x32xf32, #tpu.memory_space<hbm>> -> memref<1568x32xf32, #tpu.memory_space<hbm>>
      %dma_start3A_19 = arith.constant 0 : i32
      %dma_start3A_20 = tpu.memref_slice %arg5[%mul3A_14, %dma_start3A_19] : memref<50176x32xf32, #tpu.memory_space<hbm>> -> memref<1568x32xf32, #tpu.memory_space<hbm>>
      %dma_start3A_21 = arith.constant 0 : i32
      %dma_start3A_22 = arith.constant 0 : i32
      %dma_start3A_23 = tpu.memref_slice %arg9[%dma_start3A_21, %dma_start3A_22] : memref<1576x32xf32, #tpu.memory_space<vmem>> -> memref<1568x32xf32, #tpu.memory_space<vmem>>
      tpu.enqueue_dma source(%dma_start3A_23 : memref<1568x32xf32, #tpu.memory_space<vmem>>) target(%dma_start3A_20 : memref<1568x32xf32, #tpu.memory_space<hbm>>) target_semaphore(%run_scoped3A : memref<!tpu.dma_semaphore, #tpu.memory_space<semaphore_mem>>)
      %dma_wait3A = arith.constant 0 : i32
      %dma_wait3A_24 = arith.constant 0 : i32
      %dma_wait3A_25 = tpu.memref_slice %arg9[%dma_wait3A, %dma_wait3A_24] : memref<1576x32xf32, #tpu.memory_space<vmem>> -> memref<1568x32xf32, #tpu.memory_space<vmem>>
      %dma_wait3A_26 = arith.constant 0 : i32
      %dma_wait3A_27 = tpu.memref_slice %arg5[%mul3A_14, %dma_wait3A_26] : memref<50176x32xf32, #tpu.memory_space<hbm>> -> memref<1568x32xf32, #tpu.memory_space<hbm>>
      %dma_wait3A_28 = arith.constant 0 : i32
      %dma_wait3A_29 = tpu.memref_slice %arg5[%mul3A_14, %dma_wait3A_28] : memref<50176x32xf32, #tpu.memory_space<hbm>> -> memref<1568x32xf32, #tpu.memory_space<hbm>>
      %dma_wait3A_30 = arith.constant 0 : i32
      %dma_wait3A_31 = arith.constant 0 : i32
      %dma_wait3A_32 = tpu.memref_slice %arg9[%dma_wait3A_30, %dma_wait3A_31] : memref<1576x32xf32, #tpu.memory_space<vmem>> -> memref<1568x32xf32, #tpu.memory_space<vmem>>
      tpu.wait_dma2 semaphore(%run_scoped3A : memref<!tpu.dma_semaphore, #tpu.memory_space<semaphore_mem>>) src(%dma_wait3A_32 : memref<1568x32xf32, #tpu.memory_space<vmem>>) dst(%dma_wait3A_29 : memref<1568x32xf32, #tpu.memory_space<hbm>>)
      tpu.yield
    }) : () -> ()
    return
  }
}

module attributes {stable_mosaic.version = 14 : i64} {
  func.func @_lambda_(%arg0: memref<512x1xf32, #tpu.memory_space<vmem>>, %arg1: memref<512x1xf32, #tpu.memory_space<vmem>>) attributes {dimension_semantics = [], scalar_prefetch = 0 : i64, scratch_operands = 0 : i64, tpu.core_type = #tpu.core_type<tc>} {
    %get3A = arith.constant 0 : index
    %get3A_0 = arith.constant 0 : index
    %get3A_1 = vector.load %arg0[%get3A, %get3A_0] : memref<512x1xf32, #tpu.memory_space<vmem>>, vector<512x1xf32>
    %swap3A = arith.constant 0 : index
    %swap3A_2 = arith.constant 0 : index
    %swap3A_3 = vector.load %arg1[%swap3A, %swap3A_2] : memref<512x1xf32, #tpu.memory_space<vmem>>, vector<512x1xf32>
    tpu.vector_store %arg1[%swap3A, %swap3A_2], %get3A_1 {strides = array<i32>} : memref<512x1xf32, #tpu.memory_space<vmem>>, vector<512x1xf32>,
    return
  }
}

</mosaic_0001>

<sc_bundles>
// kernel: gather_offload_async_start.1
scs
__scs_entry_jumppad:
0x0: {  	(pc) =	sbr.rel $0x88, $3  }
0x1: {  	(tag) =	ssettag $0x0;
	lr =	simm.s32 $0x1  }
0x2: {  	[smem:$0x3F9F] =	sst lr;
	_ =	strace $0xD0000000  }
0x3: {  	_ = 	snop  }
0x4: {  	_ = 	snop  }
0x5: {  	_ = 	snop  }
0x6: {  	_ = 	snop  }
0x7: {  	_ = 	snop  }
__scs_overlays_trampoline_lowered:
0x8: {  	[smem:$0x3FAE] =	sst s0  }
0x9: {  	[smem:$0x3FAF] =	sst s1  }
0xa: {  	[smem:$0x3FB0] =	sst s2  }
0xb: {  	[smem:$0x3FB1] =	sst s3  }
0xc: {  	[smem:$0x3FB2] =	sst s4  }
0xd: {  	[smem:$0x3FB3] =	sst s5  }
0xe: {  	[smem:$0x3FB4] =	sst s6  }
0xf: {  	[smem:$0x3FB5] =	sst s7  }
0x10: {  	[smem:$0x3FB6] =	sst s8  }
0x11: {  	[smem:$0x3FB7] =	sst s9;
	s0 =	simm.s32 @!p0 $0x0  }
0x12: {  	s1 =	sld [smem:$0x3F9D];
	s0 =	simm.s32 @p0 $0x1  }
0x13: {  	[smem:$0x3FB8] =	sst s0;
	s0 =	simm.s32 @!p1 $0x0  }
0x14: {  	s2 =	sld [smem:$0x3F9C];
	s0 =	simm.s32 @p1 $0x1  }
0x15: {  	[smem:$0x3FB9] =	sst s0;
	s0 =	simm.s32 @!p2 $0x0  }
0x16: {  	s3 =	sld [smem:$0x3FDB];
	s0 =	simm.s32 @p2 $0x1  }
0x17: {  	s4 =	simm.s32 $0x1BF5;
	[smem:$0x3FBB] =	sst s0  }
0x18: {  	s0 =	sld [smem:$0x3F9E];
	_ =	swait.ge [sflag:s4], $0x0  }
0x19: {  	s7 =	sld [smem:$0x3F9F]  }
0x1a: {  	s8 =	sadd.s32 $0xFFFFE003, lr  }
0x1b: {  	s9 =	sadd.s32 $0xFFFFFEF7, lr;
	s5 =	simm.s32 $0xFFFFFFFF;
	p2 =	slt.u32 s8, $0xFFFFF086  }
0x1c: {  	p1 =	slt.u32 s9, $0xF7A;
	s5 =	simm.s32 @!p2 $0x0  }
0x1d: {  	s5 =	simm.s32 @p1 $0x1;
	p0 =	seq.s32 s7, s2  }
0x1e: {  	s7 =	smul.u32 @!p0 $0xF7A, s2;
	p2 =	seq.s32 @!p0 s5, $0x0  }
0x1f: {  	s9 =	smul.u32 $0xF7A, s1;
	s8 =	simm.s32 @!p0 $0x1BF5;
	p2 =	por !p2, p0  }
0x20: {  	[sflag:s8] =	ssyncset.s32 @!p0 $0xFFFFF086;
	s6 =	sadd.s32 @!p0 s3, s7;
	s7 =	simm.s32 @!p0 $0x108  }
0x21: {  	s3 =	sadd.s32 s3, s9;
	s6 =	sadd.s32 @!p0 $0x88, s6;
	s7 =	simm.s32 @p2 $0x1082  }
0x22: {  	[simem:s7], [sflag:s8] =	dma.local @!p0 [hbm:s6], $0xF7A  }
0x23: {  	s9 =	sor.u32 $0xD0000000, s2;
	s6 =	simm.s32 $0x108;
	_ =	swait.ge @!p0 [sflag:s8], $0x0  }
0x24: {  	s3 =	sadd.s32 $0x88, s3;
	s6 =	simm.s32 @!p1 $0x1082;
	[sflag:s4] =	ssyncset.s32 $0xFFFFF086  }
0x25: {  	[simem:s6], [sflag:s4] =	dma.local [hbm:s3], $0xF7A  }
0x26: {  	[smem:$0x3F9F] =	sst s1;
	(tag) =	ssettag s2;
	_ =	strace s9  }
0x27: {  	s1 =	sld [smem:$0x3FAF]  }
0x28: {  	s2 =	sld [smem:$0x3FB0]  }
0x29: {  	s4 =	sld [smem:$0x3FB2]  }
0x2a: {  	p0 =	seq.s32 s5, $0x0;
	s5 =	sld [smem:$0x3FB3]  }
0x2b: {  	s6 =	sld [smem:$0x3FB4]  }
0x2c: {  	s7 =	sld [smem:$0x3FB5]  }
0x2d: {  	s3 =	simm.s32 $0x108;
	s8 =	sld [smem:$0x3FB6]  }
0x2e: {  	s3 =	simm.s32 @!p0 $0x1082;
	s9 =	sld [smem:$0x3FB7]  }
0x2f: {  	lr =	sadd.s32 s0, s3;
	s0 =	sld [smem:$0x3FAE]  }
0x30: {  	s3 =	sld [smem:$0x3FB1]  }
0x31: {  	[smem:$0x3FBA] =	sst s10  }
0x32: {  	s10 =	sld [smem:$0x3FB8];
	_ =	sdelay $0x3  }
0x33: {  	p0 =	seq.s32 s10, $0x1;
	s10 =	sld [smem:$0x3FBA];
	_ =	sdelay $0x3  }
0x34: {  	[smem:$0x3FBA] =	sst s10  }
0x35: {  	s10 =	sld [smem:$0x3FB9];
	_ =	sdelay $0x3  }
0x36: {  	p1 =	seq.s32 s10, $0x1;
	s10 =	sld [smem:$0x3FBA];
	_ =	sdelay $0x3  }
0x37: {  	[smem:$0x3FBA] =	sst s10  }
0x38: {  	s10 =	sld [smem:$0x3FBB]  }
0x39: {  	_ = 	snop;
	(pc) =	sbr.ind lr, $3  }
0x3a: {  	_ = 	snop  }
0x3b: {  	_ = 	snop  }
0x3c: {  	p2 =	seq.s32 s10, $0x1;
	s10 =	sld [smem:$0x3FBA]  }
0x3d: {  	_ =	shalt  }
0x3e: {  	_ =	shalt  }
0x3f: {  	_ =	shalt  }
0x40: {  	_ =	shalt  }
0x41: {  	_ =	shalt  }
0x42: {  	_ =	shalt  }
0x43: {  	_ =	shalt  }
0x44: {  	_ =	shalt  }
0x45: {  	_ =	shalt  }
0x46: {  	_ =	shalt  }
0x47: {  	_ =	shalt  }
0x48: {  	_ =	shalt  }
0x49: {  	_ =	shalt  }
0x4a: {  	_ =	shalt  }
0x4b: {  	_ =	shalt  }
0x4c: {  	_ =	shalt  }
0x4d: {  	_ =	shalt  }
0x4e: {  	_ =	shalt  }
0x4f: {  	_ =	shalt  }
0x50: {  	_ =	shalt  }
0x51: {  	_ =	shalt  }
0x52: {  	_ =	shalt  }
0x53: {  	_ =	shalt  }
0x54: {  	_ =	shalt  }
0x55: {  	_ =	shalt  }
0x56: {  	_ =	shalt  }
0x57: {  	_ =	shalt  }
0x58: {  	_ =	shalt  }
0x59: {  	_ =	shalt  }
0x5a: {  	_ =	shalt  }
0x5b: {  	_ =	shalt  }
0x5c: {  	_ =	shalt  }
0x5d: {  	_ =	shalt  }
0x5e: {  	_ =	shalt  }
0x5f: {  	_ =	shalt  }
0x60: {  	_ =	shalt  }
0x61: {  	_ =	shalt  }
0x62: {  	_ =	shalt  }
0x63: {  	_ =	shalt  }
0x64: {  	_ =	shalt  }
0x65: {  	_ =	shalt  }
0x66: {  	_ =	shalt  }
0x67: {  	_ =	shalt  }
0x68: {  	_ =	shalt  }
0x69: {  	_ =	shalt  }
0x6a: {  	_ =	shalt  }
0x6b: {  	_ =	shalt  }
0x6c: {  	_ =	shalt  }
0x6d: {  	_ =	shalt  }
0x6e: {  	_ =	shalt  }
0x6f: {  	_ =	shalt  }
0x70: {  	_ =	shalt  }
0x71: {  	_ =	shalt  }
0x72: {  	_ =	shalt  }
0x73: {  	_ =	shalt  }
0x74: {  	_ =	shalt  }
0x75: {  	_ =	shalt  }
0x76: {  	_ =	shalt  }
0x77: {  	_ =	shalt  }
0x78: {  	_ =	shalt  }
0x79: {  	_ =	shalt  }
0x7a: {  	_ =	shalt  }
0x7b: {  	_ =	shalt  }
0x7c: {  	_ =	shalt  }
0x7d: {  	_ =	shalt  }
0x7e: {  	_ =	shalt  }
0x7f: {  	_ =	shalt  }
0x80: {  	_ =	shalt  }
0x81: {  	_ =	shalt  }
0x82: {  	_ =	shalt  }
0x83: {  	_ =	shalt  }
0x84: {  	_ =	shalt  }
0x85: {  	_ =	shalt  }
0x86: {  	_ =	shalt  }
0x87: {  	_ =	shalt  }
.Lfunc_end0:
.L_simem_size_0:
called_computation.1_lowered:
.L_overlay_start_0:
0x88: {  	s2 =	sld [smem:$0x3FD9]  }
0x89: {  	s3 =	sld [smem:$0x3FFE];
	_ =	sdelay $0x1  }
0x8a: {  	s1 =	srdreg.scid  }
0x8b: {  	s0 =	sand.u32 $0x1, s1  }
0x8c: {  	s17 =	sshll.u32 s0, $0xA;
	s2 =	sadd.s32 s3, s2  }
0x8d: {  	s2 =	sadd.s32 s2, s17  }
0x8e: {  	[smem:$0x3FC6] =	sst s2  }
0x8f: {  	_ = 	snop  }
0x90: {  	(tm) =	ssettm $0x1  }
0x91: {  	s18 =	sld [smem:$0x3FFB];
	_ =	sdelay $0x3  }
0x92: {  	_ =	strace s18  }
0x93: {  	s2 =	sld [smem:$0x3FFC];
	_ =	sdelay $0x3  }
0x94: {  	_ =	strace s2  }
0x95: {  	s2 =	sld [smem:$0x3FFD];
	_ =	sdelay $0x3  }
0x96: {  	_ =	strace s2  }
0x97: {  	_ =	strace $0x8FFFFFFF  }
0x98: {  	s19 =	sld [smem:$0x3FDB];
	_ =	sdelay $0x1  }
0x99: {  	s20 =	simm.s32 $_scs_section_size  }
0x9a: {  	s4 =	simm.s32 $_size__tile_overlayer_lowered;
	s5 =	simm.s32 $_tile_overlayer_lowered  }
0x9b: {  	s6 =	simm.s32 $0x1BFF;
	s21 =	sshll.u32 s5, $0x1;
	s3 =	sadd.s32 s20, s19  }
0x9c: {  	s22 =	simm.s32 $0x0;
	s4 =	sshll.u32 s4, $0x1;
	s5 =	sadd.s32 s21, s3  }
0x9d: {  	[timem:s22], [sflag:s6] =	dma.local [hbm:s5], s4  }
0x9e: {  	_ =	swait.ge [sflag:s6], s4  }
0x9f: {  	s4 =	ssub.s32 $0x0, s4;
	[sflag:s6] =	ssyncset.done $0x0  }
0xa0: {  	[sflag:s6] =	ssyncadd.s32 s4;
	_ =	sdelay $0x1  }
0xa1: {  	s23 =	simm.s32 $0x1B8B  }
0xa2: {  	_ =	swait.ge [sflag:s23], $0x1  }
0xa3: {  	[sflag:s23] =	ssyncset.done $0x0  }
0xa4: {  	[sflag:s23] =	ssyncadd.s32 $0xFFFFFFFF  }
0xa5: {  	s4 =	sld [smem:$0x0]  }
0xa6: {  	s5 =	sand.u32 $0xFFFFFFFE, s1  }
0xa7: {  	p0 =	sne.s32 s1, s5  }
0xa8: {  	s5 =	sshll.u32 @p0 s5, $0xE  }
0xa9: {  	s5 =	sadd.s32 @p0 $0x11B8D, s5;
	s6 =	sshll.u32 @p0 s4, $0x11  }
0xaa: {  	s5 =	sor.u32 @p0 s6, s5  }
0xab: {  	[sflag:s5] =	ssyncadd.remote.s32 @p0 $0x1;
	_ =	sdelay $0x1  }
0xac: {  	s5 =	simm.s32 @p0 $0x1B8D  }
0xad: {  	_ =	swait.eq @p0 [sflag:s5], $0x1  }
0xae: {  	[sflag:s5] =	ssyncadd.s32 @p0 $0xFFFFFFFF  }
0xaf: {  	s6 =	sshll.u32 @!p0 s1, $0xE  }
0xb0: {  	s6 =	sor.u32 @!p0 $0x4000, s6;
	s5 =	simm.s32 @!p0 $0x1B8D  }
0xb1: {  	s4 =	sshll.u32 @!p0 s4, $0x11;
	s6 =	sadd.s32 @!p0 $0x11B8D, s6;
	_ =	swait.eq @!p0 [sflag:s5], $0x1  }
0xb2: {  	s4 =	sor.u32 @!p0 s4, s6;
	[sflag:s5] =	ssyncadd.s32 @!p0 $0xFFFFFFFF  }
0xb3: {  	s25 =	simm.s32 $0x1B8E;
	s24 =	sld [smem:$0x3FFE];
	[sflag:s4] =	ssyncadd.remote.s32 @!p0 $0x1  }
0xb4: {  	s26 =	simm.s32 $execute0_lowered;
	[smem:$0x3FD2] =	sst s25  }
0xb5: {  	s5 =	sshll.u32 s26, $0x1;
	_ =	strace $0x8000004C;
	[dreg:$0x1] =	wrdreg $0xFFFFFFFF  }
0xb6: {  	s28 =	simm.s32 $_size_execute0_lowered;
	s3 =	sadd.s32 s3, s5;
	[dreg:$0x0] =	wrdreg $0x0  }
0xb7: {  	s5 =	sshll.u32 s28, $0x1;
	[dreg:$0x2] =	wrdreg s3  }
0xb8: {  	[dreg:$0x3] =	wrdreg s5  }
0xb9: {  	[dreg:$0x4] =	wrdreg $0xC0  }
0xba: {  	_ =	task [dreg:s22], $0x5FFFF  }
0xbb: {  	[dreg:$0x1] =	wrdreg $0xFFFFFFFF  }
0xbc: {  	[dreg:$0x0] =	wrdreg $0x60  }
0xbd: {  	[dreg:$0x2] =	wrdreg s24  }
0xbe: {  	[dreg:$0x3] =	wrdreg $0xA  }
0xbf: {  	_ =	task.clear_ibuf [dreg:s22], $0x4FFFF;
	_ =	strace $0x9000004C  }
0xc0: {  	s29 =	simm.s32 $0xA;
	_ =	strace $0x8000004E  }
0xc1: {  	_ =	swait.ge [sflag:s29], $0x1  }
0xc2: {  	[sflag:s29] =	ssyncadd.s32 $0xFFFFFFFF  }
0xc3: {  	_ =	strace $0x9000004E  }
0xc4: {  	_ =	sfence  }
0xc5: {  	s30 =	sld [smem:$0x0];
	_ =	sdelay $0x2  }
0xc6: {  	s31 =	sshll.u32 s1, $0xD;
	s1 =	sshrl.u32 s1, $0x2  }
0xc7: {  	s4 =	sand.u32 $0x4000, s31;
	s1 =	sadd.s32 s1, s30  }
0xc8: {  	s0 =	sor.u32 s4, s0;
	s1 =	sshll.u32 s1, $0x11  }
0xc9: {  	s0 =	sor.u32 s1, s0  }
0xca: {  	s0 =	sadd.s32 $0x8F2B, s0  }
0xcb: {  	[sflag:s0] =	ssyncadd.remote.s32 $0x1  }
0xcc: {  	_ =	sfence.sel $0xFFFF  }
0xcd: {  	[dreg:$0x0] =	wrdreg $0xFFFFFFFF;
	(pc) =	sbr.abs _section_cstart, $3  }
0xce: {  	[dreg:$0x1] =	wrdreg $0xFFFFFFFF  }
0xcf: {  	_ =	task.clear_ibuf [dreg:s22], $0x2FFFF;
	_ =	strace $0x9FFFFFFF  }
0xd0: {  	(tm) =	ssettm $0x7FFFFFFF  }
0xd1: {  	_ =	shalt  }
tec
execute0_lowered:
.L_overlay_start_1:
0x0: {  	(tag) =	ssettag $0x1  }
0x1: {  	s8 =	rddreg [dreg:$0x0];
	s1 =	stileid.u32  }
0x2: {  	s2 =	srdreg.scid;
	s0 =	rddreg [dreg:$0x1]  }
0x3: {  	_ =	strace $0x8000004D;
	s5 =	simm.s32 $0x1;
	s9 =	simm.s32 $0x1  }
0x4: {  	s10 =	simm.s32 $0x3;
	s2 =	sand.u32 $0x1, s2;
	s3 =	sshll.u32 s1, $0x1  }
0x5: {  	s13 =	simm.s32 $0x0;
	s12 =	simm.s32 $0x0;
	s6 =	sor.u32 s3, s2  }
0x6: {  	[sflag:s5] =	ssyncpa.u1 $0x0;
	s2 =	sadd.s32 $0x4B000, s8;
	s4 =	smul.u32 $0x4E20, s6  }
0x7: {  	s3 =	sadd.s32 $0x7C000, s8;
	p0 =	slt.u32 s6, $0x9;
	s6 =	simm.s32 $0x9C400  }
.Ltmp0:
0x8: {  	s6 =	simm.s32 @!p0 $0x0;
	s7 =	ssub.s32 $0xC3500, s4;
	(pc) =	sbr.rel .LBB2_1-.Ltmp0, $4  }
0x9: {  	s9 =	simm.s32 @!p0 $0x0;
	p0 =	sne.s32 s7, s6;
	s7 =	simm.s32 $0x1  }
0xa: {  	s8 =	sadd.s32 $0xB4800, s8;
	s6 =	simm.s32 $0x2;
	s7 =	simm.s32 @!p0 $0x0  }
0xb: {  	s11 =	smov.u32 s4;
	[sflag:s6] =	ssyncpa.u1 $0x0;
	s7 =	sadd.s32 s9, s7  }
0xc: {  	vm0 =	vmmov $0xffff;
	[sflag:s10] =	ssyncpa.u1 $0x0;
	s10 =	simm.s32 $0x0;
	s9 =	sadd.s32 $0x1, s7  }
.LBB2_4:
0xd: {  	v2 =	vnsel vm1, $0x0, v2  }
0xe: {  	vm1 =	vgt.s32 v0, $0x0;
	v2 =	vmin.u32 v2, $0xC34FF  }
0xf: {  	v0 =	vnsel vm1, $0x0, v0  }
0x10: {  	v0 =	vmin.u32 v0, $0xC34FF  }
0x11: {  	[tilespmem:s18], [sflag:$0x1] =	stream.indirect_vreg.gather [hbm4b:s2+s10], $0x1, v1, vm0, $0x4038;
	[tilespmem:$0x13880] =	vst v63  }
0x12: {  	(ifvalue) =	ssetifvalue $0x7FFFFFFF  }
0x13: {  	[tilespmem:s15], [sflag:$0x1] =	stream.indirect_vreg.gather [hbm4b:s2+s10], $0x1, v2, vm0, $0x4038;
	[tilespmem:$0x13880] =	vst v63  }
0x14: {  	s29 =	sadd.s32 $0x10, s15;
	(ifvalue) =	ssetifvalue $0x7FFFFFFF  }
0x15: {  	[tilespmem:s29], [sflag:$0x1] =	stream.indirect_vreg.gather [hbm4b:s2+s10], $0x1, v0, vm0, $0x4038;
	[tilespmem:$0x13880] =	vst v63  }
0x16: {  	_ =	swait.ge [sflag:s5], $0x4E20  }
0x17: {  	s30 =	sshrl.u32 s13, $0x3;
	[sflag:s5] =	ssyncset.done $0x0  }
0x18: {  	s31 =	sand.u32 $0x7, s13;
	s15 =	sadd.s32 s8, s30;
	[sflag:s5] =	ssyncadd.s32 $0xFFFFB1E0  }
0x19: {  	[hbm4b:s15+s31] =	stream.linear.scatter [tilespmem:s14], [sflag:$0x3], $0x4E20, $0x38;
	[tilespmem:$0x13880] =	vst v63  }
.LBB2_5:
0x1a: {  	s15 =	sadd.s32 $0x9C400, s11  }
0x1b: {  	p1 =	sgt.s32 s15, $0xC34FF  }
0x1c: {  	s15 =	smov.u32 @p1 s4;
	p1 =	sne.s32 s12, s9  }
.Ltmp1:
0x1d: {  	p0 =	slt.u32 s12, $0x2;
	(pc) =	sbr.rel @!p1 .LBB2_6-.Ltmp1, $4  }
0x1e: {  	s14 =	simm.s32 @!p0 $0x3  }
0x1f: {  	_ =	swait.ge @!p0 [sflag:s14], $0x4E20  }
0x20: {  	s16 =	sadd.s32 $0x1, s12;
	s13 =	smov.u32 s11;
	[sflag:s14] =	ssyncset.done @!p0 $0x0  }
0x21: {  	s12 =	smov.u32 s16;
	s11 =	smov.u32 s15;
	[sflag:s14] =	ssyncadd.s32 @!p0 $0xFFFFB1E0  }
.LBB2_1:
0x22: {  	p0 =	sge.u32 s12, s7  }
0x23: {  	s14 =	sxor.u32 @!p0 $0x1, s12  }
0x24: {  	s14 =	smul.u32 @!p0 $0x13880, s14  }
0x25: {  	s31 =	sadd.s32 $0xFFFFFFFF, s12;
	s15 =	sshrl.u32 @!p0 s11, $0x3  }
0x26: {  	s16 =	sand.u32 @!p0 $0x7, s11;
	s15 =	sadd.s32 @!p0 s3, s15;
	s14 =	sshra.s32 @!p0 s14, $0x2  }
0x27: {  	[tilespmem:s14], [sflag:$0x2] =	stream.linear.gather @!p0 [hbm4b:s15+s16], $0x4E20, $0x38;
	[tilespmem:$0x13880] =	vst v63  }
0x28: {  	p0 =	sge.u32 s31, s7  }
.Ltmp2:
0x29: {  	_ = 	snop;
	(pc) =	sbr.rel @p0 .LBB2_5-.Ltmp2, $1  }
0x2a: {  	_ =	sdelay $0x3  }
0x2b: {  	s14 =	sand.u32 $0x1, s12  }
0x2c: {  	_ =	swait.ge [sflag:s6], $0x4E20;
	p0 =	seq.s32 s14, $0x1;
	s14 =	simm.s32 $0x4E20  }
0x2d: {  	[sflag:s6] =	ssyncset.done $0x0;
	s14 =	simm.s32 @!p0 $0x0  }
0x2e: {  	[sflag:s6] =	ssyncadd.s32 $0xFFFFB1E0;
	(ifvalue) =	ssetifvalue $0x7FFFFFFF;
	v0 =	vld.msk [tilespmem:s14+$0x0 ss:$0x1], $0xffff;
	_ =	sdelay $0x4  }
0x2f: {  	s15 =	sadd.s32 $0x10, s14;
	vm1 =	vgt.s32 v0, $0x0  }
0x30: {  	v2 =	vld.msk [tilespmem:s15+$0x0 ss:$0x1], $0xffff;
	v1 =	vnsel vm1, $0x0, v0  }
0x31: {  	v1 =	vmin.u32 v1, $0xC34FF;
	_ =	sdelay $0x2  }
0x32: {  	s17 =	simm.s32 $0x20;
	s14 =	sadd.s32 $0x9C40, s14;
	s16 =	sadd.s32 $0x10, s15  }
0x33: {  	s15 =	sadd.s32 $0x10, s14;
	s18 =	smov.u32 s14;
	v0 =	vld.msk [tilespmem:s16+$0x0 ss:$0x1], $0xffff;
	vm1 =	vgt.s32 v2, $0x0;
	(ifvalue) =	ssetifvalue $0x7FFFFFFF  }
.LBB2_3:
0x34: {  	[tilespmem:s18], [sflag:$0x1] =	stream.indirect_vreg.gather [hbm4b:s2+s10], $0x1, v1, vm0, $0x4038;
	[tilespmem:$0x13880] =	vst v63  }
0x35: {  	s17 =	sadd.s32 $0x10, s17  }
0x36: {  	v2 =	vnsel vm1, $0x0, v2;
	p0 =	slt.u32 s17, $0x4E10  }
.Ltmp3:
0x37: {  	s18 =	smov.u32 s15;
	v1 =	vmin.u32 v2, $0xC34FF;
	(pc) =	sbr.rel @p0 .LBB2_3-.Ltmp3, $3  }
0x38: {  	_ =	sdelay $0x1  }
0x39: {  	s16 =	sadd.s32 $0x10, s16  }
0x3a: {  	vm1 =	vgt.s32 v0, $0x0;
	s15 =	sadd.s32 $0x10, s15;
	v2 =	vmov v0;
	(ifvalue) =	ssetifvalue $0x7FFFFFFF;
	v0 =	vld.msk [tilespmem:s16+$0x0 ss:$0x1], $0xffff  }
.Ltmp4:
0x3b: {  	_ = 	snop;
	(pc) =	sbr.rel .LBB2_4-.Ltmp4, $1  }
0x3c: {  	_ =	sdelay $0x3  }
.LBB2_6:
0x3d: {  	_ =	sfence.sel $0x180000  }
0x3e: {  	s2 =	simm.s32 $0x2;
	[bflag:$0x0] =	sbarrier.arrive $0xFFFF  }
0x3f: {  	s30 =	simm.s32 $0x3;
	[sflag:s2] =	ssyncpa.u1 $0x1  }
0x40: {  	s31 =	simm.s32 $0x1;
	[sflag:s30] =	ssyncpa.u1 $0x1  }
0x41: {  	[sflag:s31] =	ssyncpa.u1 $0x1  }
0x42: {  	p0 =	sne.s32 s1, $0x0;
	_ =	strace $0x9000004D  }
0x43: {  	s0 =	sadd.s32 @!p0 $0x100000, s0;
	[bflag:$0x2] =	sbarrier.arrive $0xFFFF  }
0x44: {  	[sflag:s0] =	ssyncadd.tile.s32 @!p0 $0x1;
	_ =	shalt  }
.Lfunc_end2:
_tile_overlayer_lowered:
.L_overlay_start_2:
0x45: {  	(tag) =	ssettag $0x2  }
0x46: {  	s0 =	rddreg [dreg:$0x0];
	s2 =	stileid.u32  }
0x47: {  	s1 =	rddreg [dreg:$0x1];
	p0 =	sne.s32 s2, $0x0  }
0x48: {  	s3 =	rddreg [dreg:$0x2];
	[bflag:$0x3] =	sbarrier.arrive $0xFFFF;
	s2 =	simm.s32 @!p0 $0x1C01  }
0x49: {  	[timem:s3], [sflag:s2] =	dma.local @!p0 [hbm:s0], s1  }
0x4a: {  	s0 =	simm.s32 @!p0 $0x1  }
0x4b: {  	_ =	swait.ge @!p0 [sflag:s0], s1  }
0x4c: {  	s1 =	ssub.s32 @!p0 $0x0, s1;
	[sflag:s0] =	ssyncset.done @!p0 $0x0  }
0x4d: {  	[sflag:s0] =	ssyncadd.s32 @!p0 s1  }
0x4e: {  	[bflag:$0x3] =	sbarrier.arrive $0xFFFF  }
0x4f: {  	_ =	shalt  }

// kernel: gather_offload_async_start.2
scs
__scs_entry_jumppad:
0x0: {  	(pc) =	sbr.rel $0x88, $3  }
0x1: {  	(tag) =	ssettag $0x0;
	lr =	simm.s32 $0x1  }
0x2: {  	[smem:$0x3F9F] =	sst lr;
	_ =	strace $0xD0000000  }
0x3: {  	_ = 	snop  }
0x4: {  	_ = 	snop  }
0x5: {  	_ = 	snop  }
0x6: {  	_ = 	snop  }
0x7: {  	_ = 	snop  }
__scs_overlays_trampoline_lowered:
0x8: {  	[smem:$0x3FAE] =	sst s0  }
0x9: {  	[smem:$0x3FAF] =	sst s1  }
0xa: {  	[smem:$0x3FB0] =	sst s2  }
0xb: {  	[smem:$0x3FB1] =	sst s3  }
0xc: {  	[smem:$0x3FB2] =	sst s4  }
0xd: {  	[smem:$0x3FB3] =	sst s5  }
0xe: {  	[smem:$0x3FB4] =	sst s6  }
0xf: {  	[smem:$0x3FB5] =	sst s7  }
0x10: {  	[smem:$0x3FB6] =	sst s8  }
0x11: {  	[smem:$0x3FB7] =	sst s9;
	s0 =	simm.s32 @!p0 $0x0  }
0x12: {  	s1 =	sld [smem:$0x3F9D];
	s0 =	simm.s32 @p0 $0x1  }
0x13: {  	[smem:$0x3FB8] =	sst s0;
	s0 =	simm.s32 @!p1 $0x0  }
0x14: {  	s2 =	sld [smem:$0x3F9C];
	s0 =	simm.s32 @p1 $0x1  }
0x15: {  	[smem:$0x3FB9] =	sst s0;
	s0 =	simm.s32 @!p2 $0x0  }
0x16: {  	s3 =	sld [smem:$0x3FDB];
	s0 =	simm.s32 @p2 $0x1  }
0x17: {  	s4 =	simm.s32 $0x1BF5;
	[smem:$0x3FBB] =	sst s0  }
0x18: {  	s0 =	sld [smem:$0x3F9E];
	_ =	swait.ge [sflag:s4], $0x0  }
0x19: {  	s7 =	sld [smem:$0x3F9F]  }
0x1a: {  	s8 =	sadd.s32 $0xFFFFE003, lr  }
0x1b: {  	s9 =	sadd.s32 $0xFFFFFEF7, lr;
	s5 =	simm.s32 $0xFFFFFFFF;
	p2 =	slt.u32 s8, $0xFFFFF086  }
0x1c: {  	p1 =	slt.u32 s9, $0xF7A;
	s5 =	simm.s32 @!p2 $0x0  }
0x1d: {  	s5 =	simm.s32 @p1 $0x1;
	p0 =	seq.s32 s7, s2  }
0x1e: {  	s7 =	smul.u32 @!p0 $0xF7A, s2;
	p2 =	seq.s32 @!p0 s5, $0x0  }
0x1f: {  	s9 =	smul.u32 $0xF7A, s1;
	s8 =	simm.s32 @!p0 $0x1BF5;
	p2 =	por !p2, p0  }
0x20: {  	[sflag:s8] =	ssyncset.s32 @!p0 $0xFFFFF086;
	s6 =	sadd.s32 @!p0 s3, s7;
	s7 =	simm.s32 @!p0 $0x108  }
0x21: {  	s3 =	sadd.s32 s3, s9;
	s6 =	sadd.s32 @!p0 $0x88, s6;
	s7 =	simm.s32 @p2 $0x1082  }
0x22: {  	[simem:s7], [sflag:s8] =	dma.local @!p0 [hbm:s6], $0xF7A  }
0x23: {  	s9 =	sor.u32 $0xD0000000, s2;
	s6 =	simm.s32 $0x108;
	_ =	swait.ge @!p0 [sflag:s8], $0x0  }
0x24: {  	s3 =	sadd.s32 $0x88, s3;
	s6 =	simm.s32 @!p1 $0x1082;
	[sflag:s4] =	ssyncset.s32 $0xFFFFF086  }
0x25: {  	[simem:s6], [sflag:s4] =	dma.local [hbm:s3], $0xF7A  }
0x26: {  	[smem:$0x3F9F] =	sst s1;
	(tag) =	ssettag s2;
	_ =	strace s9  }
0x27: {  	s1 =	sld [smem:$0x3FAF]  }
0x28: {  	s2 =	sld [smem:$0x3FB0]  }
0x29: {  	s4 =	sld [smem:$0x3FB2]  }
0x2a: {  	p0 =	seq.s32 s5, $0x0;
	s5 =	sld [smem:$0x3FB3]  }
0x2b: {  	s6 =	sld [smem:$0x3FB4]  }
0x2c: {  	s7 =	sld [smem:$0x3FB5]  }
0x2d: {  	s3 =	simm.s32 $0x108;
	s8 =	sld [smem:$0x3FB6]  }
0x2e: {  	s3 =	simm.s32 @!p0 $0x1082;
	s9 =	sld [smem:$0x3FB7]  }
0x2f: {  	lr =	sadd.s32 s0, s3;
	s0 =	sld [smem:$0x3FAE]  }
0x30: {  	s3 =	sld [smem:$0x3FB1]  }
0x31: {  	[smem:$0x3FBA] =	sst s10  }
0x32: {  	s10 =	sld [smem:$0x3FB8];
	_ =	sdelay $0x3  }
0x33: {  	p0 =	seq.s32 s10, $0x1;
	s10 =	sld [smem:$0x3FBA];
	_ =	sdelay $0x3  }
0x34: {  	[smem:$0x3FBA] =	sst s10  }
0x35: {  	s10 =	sld [smem:$0x3FB9];
	_ =	sdelay $0x3  }
0x36: {  	p1 =	seq.s32 s10, $0x1;
	s10 =	sld [smem:$0x3FBA];
	_ =	sdelay $0x3  }
0x37: {  	[smem:$0x3FBA] =	sst s10  }
0x38: {  	s10 =	sld [smem:$0x3FBB]  }
0x39: {  	_ = 	snop;
	(pc) =	sbr.ind lr, $3  }
0x3a: {  	_ = 	snop  }
0x3b: {  	_ = 	snop  }
0x3c: {  	p2 =	seq.s32 s10, $0x1;
	s10 =	sld [smem:$0x3FBA]  }
0x3d: {  	_ =	shalt  }
0x3e: {  	_ =	shalt  }
0x3f: {  	_ =	shalt  }
0x40: {  	_ =	shalt  }
0x41: {  	_ =	shalt  }
0x42: {  	_ =	shalt  }
0x43: {  	_ =	shalt  }
0x44: {  	_ =	shalt  }
0x45: {  	_ =	shalt  }
0x46: {  	_ =	shalt  }
0x47: {  	_ =	shalt  }
0x48: {  	_ =	shalt  }
0x49: {  	_ =	shalt  }
0x4a: {  	_ =	shalt  }
0x4b: {  	_ =	shalt  }
0x4c: {  	_ =	shalt  }
0x4d: {  	_ =	shalt  }
0x4e: {  	_ =	shalt  }
0x4f: {  	_ =	shalt  }
0x50: {  	_ =	shalt  }
0x51: {  	_ =	shalt  }
0x52: {  	_ =	shalt  }
0x53: {  	_ =	shalt  }
0x54: {  	_ =	shalt  }
0x55: {  	_ =	shalt  }
0x56: {  	_ =	shalt  }
0x57: {  	_ =	shalt  }
0x58: {  	_ =	shalt  }
0x59: {  	_ =	shalt  }
0x5a: {  	_ =	shalt  }
0x5b: {  	_ =	shalt  }
0x5c: {  	_ =	shalt  }
0x5d: {  	_ =	shalt  }
0x5e: {  	_ =	shalt  }
0x5f: {  	_ =	shalt  }
0x60: {  	_ =	shalt  }
0x61: {  	_ =	shalt  }
0x62: {  	_ =	shalt  }
0x63: {  	_ =	shalt  }
0x64: {  	_ =	shalt  }
0x65: {  	_ =	shalt  }
0x66: {  	_ =	shalt  }
0x67: {  	_ =	shalt  }
0x68: {  	_ =	shalt  }
0x69: {  	_ =	shalt  }
0x6a: {  	_ =	shalt  }
0x6b: {  	_ =	shalt  }
0x6c: {  	_ =	shalt  }
0x6d: {  	_ =	shalt  }
0x6e: {  	_ =	shalt  }
0x6f: {  	_ =	shalt  }
0x70: {  	_ =	shalt  }
0x71: {  	_ =	shalt  }
0x72: {  	_ =	shalt  }
0x73: {  	_ =	shalt  }
0x74: {  	_ =	shalt  }
0x75: {  	_ =	shalt  }
0x76: {  	_ =	shalt  }
0x77: {  	_ =	shalt  }
0x78: {  	_ =	shalt  }
0x79: {  	_ =	shalt  }
0x7a: {  	_ =	shalt  }
0x7b: {  	_ =	shalt  }
0x7c: {  	_ =	shalt  }
0x7d: {  	_ =	shalt  }
0x7e: {  	_ =	shalt  }
0x7f: {  	_ =	shalt  }
0x80: {  	_ =	shalt  }
0x81: {  	_ =	shalt  }
0x82: {  	_ =	shalt  }
0x83: {  	_ =	shalt  }
0x84: {  	_ =	shalt  }
0x85: {  	_ =	shalt  }
0x86: {  	_ =	shalt  }
0x87: {  	_ =	shalt  }
.Lfunc_end0:
.L_simem_size_0:
called_computation.2_lowered:
.L_overlay_start_0:
0x88: {  	s2 =	sld [smem:$0x3FD9]  }
0x89: {  	s3 =	sld [smem:$0x3FFE];
	_ =	sdelay $0x1  }
0x8a: {  	s1 =	srdreg.scid  }
0x8b: {  	s0 =	sand.u32 $0x1, s1  }
0x8c: {  	s16 =	sshll.u32 s0, $0xA;
	s2 =	sadd.s32 s3, s2  }
0x8d: {  	s2 =	sadd.s32 s2, s16  }
0x8e: {  	[smem:$0x3FC6] =	sst s2  }
0x8f: {  	_ = 	snop  }
0x90: {  	(tm) =	ssettm $0x1  }
0x91: {  	s17 =	sld [smem:$0x3FFB];
	_ =	sdelay $0x3  }
0x92: {  	_ =	strace s17  }
0x93: {  	s2 =	sld [smem:$0x3FFC];
	_ =	sdelay $0x3  }
0x94: {  	_ =	strace s2  }
0x95: {  	s2 =	sld [smem:$0x3FFD];
	_ =	sdelay $0x3  }
0x96: {  	_ =	strace s2  }
0x97: {  	_ =	strace $0x8FFFFFFF  }
0x98: {  	s18 =	sld [smem:$0x3FDB];
	_ =	sdelay $0x1  }
0x99: {  	s19 =	simm.s32 $_scs_section_size  }
0x9a: {  	s4 =	simm.s32 $_size__tile_overlayer_lowered;
	s5 =	simm.s32 $_tile_overlayer_lowered  }
0x9b: {  	s22 =	simm.s32 $0x1BFF;
	s21 =	sshll.u32 s5, $0x1;
	s2 =	sadd.s32 s19, s18  }
0x9c: {  	s6 =	simm.s32 $0x0;
	s20 =	sshll.u32 s4, $0x1;
	s4 =	sadd.s32 s21, s2  }
0x9d: {  	[timem:s6], [sflag:s22] =	dma.local [hbm:s4], s20  }
0x9e: {  	_ =	swait.ge [sflag:s22], s20  }
0x9f: {  	s3 =	ssub.s32 $0x0, s20;
	[sflag:s22] =	ssyncset.done $0x0  }
0xa0: {  	[sflag:s22] =	ssyncadd.s32 s3;
	_ =	sdelay $0x1  }
0xa1: {  	s23 =	simm.s32 $0x1B8B  }
0xa2: {  	_ =	swait.ge [sflag:s23], $0x1  }
0xa3: {  	[sflag:s23] =	ssyncset.done $0x0  }
0xa4: {  	s25 =	simm.s32 $0x1B8E;
	s24 =	sld [smem:$0x3FFE];
	[sflag:s23] =	ssyncadd.s32 $0xFFFFFFFF  }
0xa5: {  	s26 =	simm.s32 $execute0_lowered;
	[smem:$0x3FD2] =	sst s25  }
0xa6: {  	s4 =	sshll.u32 s26, $0x1;
	_ =	strace $0x80000046;
	[dreg:$0x1] =	wrdreg $0xFFFFFFFF  }
0xa7: {  	s28 =	simm.s32 $_size_execute0_lowered;
	s2 =	sadd.s32 s2, s4;
	[dreg:$0x0] =	wrdreg $0x0  }
0xa8: {  	s4 =	sshll.u32 s28, $0x1;
	[dreg:$0x2] =	wrdreg s2  }
0xa9: {  	[dreg:$0x3] =	wrdreg s4  }
0xaa: {  	[dreg:$0x4] =	wrdreg $0xC0  }
0xab: {  	_ =	task [dreg:s6], $0x5FFFF  }
0xac: {  	[dreg:$0x1] =	wrdreg $0xFFFFFFFF  }
0xad: {  	[dreg:$0x0] =	wrdreg $0x60  }
0xae: {  	[dreg:$0x2] =	wrdreg s24  }
0xaf: {  	[dreg:$0x3] =	wrdreg $0x9  }
0xb0: {  	_ =	task.clear_ibuf [dreg:s6], $0x4FFFF;
	_ =	strace $0x90000046  }
0xb1: {  	s29 =	simm.s32 $0x9;
	_ =	strace $0x80000048  }
0xb2: {  	_ =	swait.ge [sflag:s29], $0x1  }
0xb3: {  	[sflag:s29] =	ssyncadd.s32 $0xFFFFFFFF  }
0xb4: {  	_ =	strace $0x90000048  }
0xb5: {  	_ =	sfence  }
0xb6: {  	s30 =	sld [smem:$0x0];
	_ =	sdelay $0x2  }
0xb7: {  	s31 =	sshll.u32 s1, $0xD;
	s1 =	sshrl.u32 s1, $0x2  }
0xb8: {  	s3 =	sand.u32 $0x4000, s31;
	s1 =	sadd.s32 s1, s30  }
0xb9: {  	s0 =	sor.u32 s3, s0;
	s1 =	sshll.u32 s1, $0x11  }
0xba: {  	s0 =	sor.u32 s1, s0  }
0xbb: {  	s0 =	sadd.s32 $0x8F2B, s0  }
0xbc: {  	[sflag:s0] =	ssyncadd.remote.s32 $0x1  }
0xbd: {  	_ =	sfence.sel $0xFFFF  }
0xbe: {  	[dreg:$0x0] =	wrdreg $0xFFFFFFFF;
	(pc) =	sbr.abs _section_cstart, $3  }
0xbf: {  	[dreg:$0x1] =	wrdreg $0xFFFFFFFF  }
0xc0: {  	_ =	task.clear_ibuf [dreg:s6], $0x2FFFF;
	_ =	strace $0x9FFFFFFF  }
0xc1: {  	(tm) =	ssettm $0x7FFFFFFF  }
tec
execute0_lowered:
.L_overlay_start_1:
0x0: {  	(tag) =	ssettag $0x1  }
0x1: {  	s8 =	rddreg [dreg:$0x0];
	s1 =	stileid.u32  }
0x2: {  	s2 =	srdreg.scid;
	s0 =	rddreg [dreg:$0x1]  }
0x3: {  	_ =	strace $0x80000047;
	s5 =	simm.s32 $0x1;
	s9 =	simm.s32 $0x1  }
0x4: {  	s10 =	simm.s32 $0x3;
	s2 =	sand.u32 $0x1, s2;
	s3 =	sshll.u32 s1, $0x1  }
0x5: {  	s13 =	simm.s32 $0x0;
	s12 =	simm.s32 $0x0;
	s6 =	sor.u32 s3, s2  }
0x6: {  	[sflag:s5] =	ssyncpa.u1 $0x0;
	s2 =	sadd.s32 $0x63800, s8;
	s4 =	smul.u32 $0x4E20, s6  }
0x7: {  	s3 =	sadd.s32 $0x7C000, s8;
	p0 =	slt.u32 s6, $0x9;
	s6 =	simm.s32 $0x9C400  }
.Ltmp0:
0x8: {  	s6 =	simm.s32 @!p0 $0x0;
	s7 =	ssub.s32 $0xC3500, s4;
	(pc) =	sbr.rel .LBB2_1-.Ltmp0, $4  }
0x9: {  	s9 =	simm.s32 @!p0 $0x0;
	p0 =	sne.s32 s7, s6;
	s7 =	simm.s32 $0x1  }
0xa: {  	s8 =	sadd.s32 $0x94800, s8;
	s6 =	simm.s32 $0x2;
	s7 =	simm.s32 @!p0 $0x0  }
0xb: {  	s11 =	smov.u32 s4;
	[sflag:s6] =	ssyncpa.u1 $0x0;
	s7 =	sadd.s32 s9, s7  }
0xc: {  	vm0 =	vmmov $0xffff;
	[sflag:s10] =	ssyncpa.u1 $0x0;
	s10 =	simm.s32 $0x0;
	s9 =	sadd.s32 $0x1, s7  }
.LBB2_4:
0xd: {  	v2 =	vnsel vm1, $0x0, v2  }
0xe: {  	vm1 =	vgt.s32 v0, $0x0;
	v2 =	vmin.u32 v2, $0xC34FF  }
0xf: {  	v0 =	vnsel vm1, $0x0, v0  }
0x10: {  	v0 =	vmin.u32 v0, $0xC34FF  }
0x11: {  	[tilespmem:s18], [sflag:$0x1] =	stream.indirect_vreg.gather [hbm4b:s2+s10], $0x1, v1, vm0, $0x4038;
	[tilespmem:$0x13880] =	vst v63  }
0x12: {  	(ifvalue) =	ssetifvalue $0x7FFFFFFF  }
0x13: {  	[tilespmem:s15], [sflag:$0x1] =	stream.indirect_vreg.gather [hbm4b:s2+s10], $0x1, v2, vm0, $0x4038;
	[tilespmem:$0x13880] =	vst v63  }
0x14: {  	s29 =	sadd.s32 $0x10, s15;
	(ifvalue) =	ssetifvalue $0x7FFFFFFF  }
0x15: {  	[tilespmem:s29], [sflag:$0x1] =	stream.indirect_vreg.gather [hbm4b:s2+s10], $0x1, v0, vm0, $0x4038;
	[tilespmem:$0x13880] =	vst v63  }
0x16: {  	_ =	swait.ge [sflag:s5], $0x4E20  }
0x17: {  	s30 =	sshrl.u32 s13, $0x3;
	[sflag:s5] =	ssyncset.done $0x0  }
0x18: {  	s31 =	sand.u32 $0x7, s13;
	s15 =	sadd.s32 s8, s30;
	[sflag:s5] =	ssyncadd.s32 $0xFFFFB1E0  }
0x19: {  	[hbm4b:s15+s31] =	stream.linear.scatter [tilespmem:s14], [sflag:$0x3], $0x4E20, $0x38;
	[tilespmem:$0x13880] =	vst v63  }
.LBB2_5:
0x1a: {  	s15 =	sadd.s32 $0x9C400, s11  }
0x1b: {  	p1 =	sgt.s32 s15, $0xC34FF  }
0x1c: {  	s15 =	smov.u32 @p1 s4;
	p1 =	sne.s32 s12, s9  }
.Ltmp1:
0x1d: {  	p0 =	slt.u32 s12, $0x2;
	(pc) =	sbr.rel @!p1 .LBB2_6-.Ltmp1, $4  }
0x1e: {  	s14 =	simm.s32 @!p0 $0x3  }
0x1f: {  	_ =	swait.ge @!p0 [sflag:s14], $0x4E20  }
0x20: {  	s16 =	sadd.s32 $0x1, s12;
	s13 =	smov.u32 s11;
	[sflag:s14] =	ssyncset.done @!p0 $0x0  }
0x21: {  	s12 =	smov.u32 s16;
	s11 =	smov.u32 s15;
	[sflag:s14] =	ssyncadd.s32 @!p0 $0xFFFFB1E0  }
.LBB2_1:
0x22: {  	p0 =	sge.u32 s12, s7  }
0x23: {  	s14 =	sxor.u32 @!p0 $0x1, s12  }
0x24: {  	s14 =	smul.u32 @!p0 $0x13880, s14  }
0x25: {  	s31 =	sadd.s32 $0xFFFFFFFF, s12;
	s15 =	sshrl.u32 @!p0 s11, $0x3  }
0x26: {  	s16 =	sand.u32 @!p0 $0x7, s11;
	s15 =	sadd.s32 @!p0 s3, s15;
	s14 =	sshra.s32 @!p0 s14, $0x2  }
0x27: {  	[tilespmem:s14], [sflag:$0x2] =	stream.linear.gather @!p0 [hbm4b:s15+s16], $0x4E20, $0x38;
	[tilespmem:$0x13880] =	vst v63  }
0x28: {  	p0 =	sge.u32 s31, s7  }
.Ltmp2:
0x29: {  	_ = 	snop;
	(pc) =	sbr.rel @p0 .LBB2_5-.Ltmp2, $1  }
0x2a: {  	_ =	sdelay $0x3  }
0x2b: {  	s14 =	sand.u32 $0x1, s12  }
0x2c: {  	_ =	swait.ge [sflag:s6], $0x4E20;
	p0 =	seq.s32 s14, $0x1;
	s14 =	simm.s32 $0x4E20  }
0x2d: {  	[sflag:s6] =	ssyncset.done $0x0;
	s14 =	simm.s32 @!p0 $0x0  }
0x2e: {  	[sflag:s6] =	ssyncadd.s32 $0xFFFFB1E0;
	(ifvalue) =	ssetifvalue $0x7FFFFFFF;
	v0 =	vld.msk [tilespmem:s14+$0x0 ss:$0x1], $0xffff;
	_ =	sdelay $0x4  }
0x2f: {  	s15 =	sadd.s32 $0x10, s14;
	vm1 =	vgt.s32 v0, $0x0  }
0x30: {  	v2 =	vld.msk [tilespmem:s15+$0x0 ss:$0x1], $0xffff;
	v1 =	vnsel vm1, $0x0, v0  }
0x31: {  	v1 =	vmin.u32 v1, $0xC34FF;
	_ =	sdelay $0x2  }
0x32: {  	s17 =	simm.s32 $0x20;
	s14 =	sadd.s32 $0x9C40, s14;
	s16 =	sadd.s32 $0x10, s15  }
0x33: {  	s15 =	sadd.s32 $0x10, s14;
	s18 =	smov.u32 s14;
	v0 =	vld.msk [tilespmem:s16+$0x0 ss:$0x1], $0xffff;
	vm1 =	vgt.s32 v2, $0x0;
	(ifvalue) =	ssetifvalue $0x7FFFFFFF  }
.LBB2_3:
0x34: {  	[tilespmem:s18], [sflag:$0x1] =	stream.indirect_vreg.gather [hbm4b:s2+s10], $0x1, v1, vm0, $0x4038;
	[tilespmem:$0x13880] =	vst v63  }
0x35: {  	s17 =	sadd.s32 $0x10, s17  }
0x36: {  	v2 =	vnsel vm1, $0x0, v2;
	p0 =	slt.u32 s17, $0x4E10  }
.Ltmp3:
0x37: {  	s18 =	smov.u32 s15;
	v1 =	vmin.u32 v2, $0xC34FF;
	(pc) =	sbr.rel @p0 .LBB2_3-.Ltmp3, $3  }
0x38: {  	_ =	sdelay $0x1  }
0x39: {  	s16 =	sadd.s32 $0x10, s16  }
0x3a: {  	vm1 =	vgt.s32 v0, $0x0;
	s15 =	sadd.s32 $0x10, s15;
	v2 =	vmov v0;
	(ifvalue) =	ssetifvalue $0x7FFFFFFF;
	v0 =	vld.msk [tilespmem:s16+$0x0 ss:$0x1], $0xffff  }
.Ltmp4:
0x3b: {  	_ = 	snop;
	(pc) =	sbr.rel .LBB2_4-.Ltmp4, $1  }
0x3c: {  	_ =	sdelay $0x3  }
.LBB2_6:
0x3d: {  	_ =	sfence.sel $0x180000  }
0x3e: {  	s2 =	simm.s32 $0x2;
	[bflag:$0x0] =	sbarrier.arrive $0xFFFF  }
0x3f: {  	s30 =	simm.s32 $0x3;
	[sflag:s2] =	ssyncpa.u1 $0x1  }
0x40: {  	s31 =	simm.s32 $0x1;
	[sflag:s30] =	ssyncpa.u1 $0x1  }
0x41: {  	[sflag:s31] =	ssyncpa.u1 $0x1  }
0x42: {  	p0 =	sne.s32 s1, $0x0;
	_ =	strace $0x90000047  }
0x43: {  	s0 =	sadd.s32 @!p0 $0x100000, s0;
	[bflag:$0x2] =	sbarrier.arrive $0xFFFF  }
0x44: {  	[sflag:s0] =	ssyncadd.tile.s32 @!p0 $0x1;
	_ =	shalt  }
.Lfunc_end2:
_tile_overlayer_lowered:
.L_overlay_start_2:
0x45: {  	(tag) =	ssettag $0x2  }
0x46: {  	s0 =	rddreg [dreg:$0x0];
	s2 =	stileid.u32  }
0x47: {  	s1 =	rddreg [dreg:$0x1];
	p0 =	sne.s32 s2, $0x0  }
0x48: {  	s3 =	rddreg [dreg:$0x2];
	[bflag:$0x3] =	sbarrier.arrive $0xFFFF;
	s2 =	simm.s32 @!p0 $0x1C01  }
0x49: {  	[timem:s3], [sflag:s2] =	dma.local @!p0 [hbm:s0], s1  }
0x4a: {  	s0 =	simm.s32 @!p0 $0x1  }
0x4b: {  	_ =	swait.ge @!p0 [sflag:s0], s1  }
0x4c: {  	s1 =	ssub.s32 @!p0 $0x0, s1;
	[sflag:s0] =	ssyncset.done @!p0 $0x0  }
0x4d: {  	[sflag:s0] =	ssyncadd.s32 @!p0 s1  }
0x4e: {  	[bflag:$0x3] =	sbarrier.arrive $0xFFFF  }
0x4f: {  	_ =	shalt  }

// kernel: gather_offload_async_start.3
scs
__scs_entry_jumppad:
0x0: {  	(pc) =	sbr.rel $0x88, $3  }
0x1: {  	(tag) =	ssettag $0x0;
	lr =	simm.s32 $0x1  }
0x2: {  	[smem:$0x3F9F] =	sst lr;
	_ =	strace $0xD0000000  }
0x3: {  	_ = 	snop  }
0x4: {  	_ = 	snop  }
0x5: {  	_ = 	snop  }
0x6: {  	_ = 	snop  }
0x7: {  	_ = 	snop  }
__scs_overlays_trampoline_lowered:
0x8: {  	[smem:$0x3FAE] =	sst s0  }
0x9: {  	[smem:$0x3FAF] =	sst s1  }
0xa: {  	[smem:$0x3FB0] =	sst s2  }
0xb: {  	[smem:$0x3FB1] =	sst s3  }
0xc: {  	[smem:$0x3FB2] =	sst s4  }
0xd: {  	[smem:$0x3FB3] =	sst s5  }
0xe: {  	[smem:$0x3FB4] =	sst s6  }
0xf: {  	[smem:$0x3FB5] =	sst s7  }
0x10: {  	[smem:$0x3FB6] =	sst s8  }
0x11: {  	[smem:$0x3FB7] =	sst s9;
	s0 =	simm.s32 @!p0 $0x0  }
0x12: {  	s1 =	sld [smem:$0x3F9D];
	s0 =	simm.s32 @p0 $0x1  }
0x13: {  	[smem:$0x3FB8] =	sst s0;
	s0 =	simm.s32 @!p1 $0x0  }
0x14: {  	s2 =	sld [smem:$0x3F9C];
	s0 =	simm.s32 @p1 $0x1  }
0x15: {  	[smem:$0x3FB9] =	sst s0;
	s0 =	simm.s32 @!p2 $0x0  }
0x16: {  	s3 =	sld [smem:$0x3FDB];
	s0 =	simm.s32 @p2 $0x1  }
0x17: {  	s4 =	simm.s32 $0x1BF5;
	[smem:$0x3FBB] =	sst s0  }
0x18: {  	s0 =	sld [smem:$0x3F9E];
	_ =	swait.ge [sflag:s4], $0x0  }
0x19: {  	s7 =	sld [smem:$0x3F9F]  }
0x1a: {  	s8 =	sadd.s32 $0xFFFFE003, lr  }
0x1b: {  	s9 =	sadd.s32 $0xFFFFFEF7, lr;
	s5 =	simm.s32 $0xFFFFFFFF;
	p2 =	slt.u32 s8, $0xFFFFF086  }
0x1c: {  	p1 =	slt.u32 s9, $0xF7A;
	s5 =	simm.s32 @!p2 $0x0  }
0x1d: {  	s5 =	simm.s32 @p1 $0x1;
	p0 =	seq.s32 s7, s2  }
0x1e: {  	s7 =	smul.u32 @!p0 $0xF7A, s2;
	p2 =	seq.s32 @!p0 s5, $0x0  }
0x1f: {  	s9 =	smul.u32 $0xF7A, s1;
	s8 =	simm.s32 @!p0 $0x1BF5;
	p2 =	por !p2, p0  }
0x20: {  	[sflag:s8] =	ssyncset.s32 @!p0 $0xFFFFF086;
	s6 =	sadd.s32 @!p0 s3, s7;
	s7 =	simm.s32 @!p0 $0x108  }
0x21: {  	s3 =	sadd.s32 s3, s9;
	s6 =	sadd.s32 @!p0 $0x88, s6;
	s7 =	simm.s32 @p2 $0x1082  }
0x22: {  	[simem:s7], [sflag:s8] =	dma.local @!p0 [hbm:s6], $0xF7A  }
0x23: {  	s9 =	sor.u32 $0xD0000000, s2;
	s6 =	simm.s32 $0x108;
	_ =	swait.ge @!p0 [sflag:s8], $0x0  }
0x24: {  	s3 =	sadd.s32 $0x88, s3;
	s6 =	simm.s32 @!p1 $0x1082;
	[sflag:s4] =	ssyncset.s32 $0xFFFFF086  }
0x25: {  	[simem:s6], [sflag:s4] =	dma.local [hbm:s3], $0xF7A  }
0x26: {  	[smem:$0x3F9F] =	sst s1;
	(tag) =	ssettag s2;
	_ =	strace s9  }
0x27: {  	s1 =	sld [smem:$0x3FAF]  }
0x28: {  	s2 =	sld [smem:$0x3FB0]  }
0x29: {  	s4 =	sld [smem:$0x3FB2]  }
0x2a: {  	p0 =	seq.s32 s5, $0x0;
	s5 =	sld [smem:$0x3FB3]  }
0x2b: {  	s6 =	sld [smem:$0x3FB4]  }
0x2c: {  	s7 =	sld [smem:$0x3FB5]  }
0x2d: {  	s3 =	simm.s32 $0x108;
	s8 =	sld [smem:$0x3FB6]  }
0x2e: {  	s3 =	simm.s32 @!p0 $0x1082;
	s9 =	sld [smem:$0x3FB7]  }
0x2f: {  	lr =	sadd.s32 s0, s3;
	s0 =	sld [smem:$0x3FAE]  }
0x30: {  	s3 =	sld [smem:$0x3FB1]  }
0x31: {  	[smem:$0x3FBA] =	sst s10  }
0x32: {  	s10 =	sld [smem:$0x3FB8];
	_ =	sdelay $0x3  }
0x33: {  	p0 =	seq.s32 s10, $0x1;
	s10 =	sld [smem:$0x3FBA];
	_ =	sdelay $0x3  }
0x34: {  	[smem:$0x3FBA] =	sst s10  }
0x35: {  	s10 =	sld [smem:$0x3FB9];
	_ =	sdelay $0x3  }
0x36: {  	p1 =	seq.s32 s10, $0x1;
	s10 =	sld [smem:$0x3FBA];
	_ =	sdelay $0x3  }
0x37: {  	[smem:$0x3FBA] =	sst s10  }
0x38: {  	s10 =	sld [smem:$0x3FBB]  }
0x39: {  	_ = 	snop;
	(pc) =	sbr.ind lr, $3  }
0x3a: {  	_ = 	snop  }
0x3b: {  	_ = 	snop  }
0x3c: {  	p2 =	seq.s32 s10, $0x1;
	s10 =	sld [smem:$0x3FBA]  }
0x3d: {  	_ =	shalt  }
0x3e: {  	_ =	shalt  }
0x3f: {  	_ =	shalt  }
0x40: {  	_ =	shalt  }
0x41: {  	_ =	shalt  }
0x42: {  	_ =	shalt  }
0x43: {  	_ =	shalt  }
0x44: {  	_ =	shalt  }
0x45: {  	_ =	shalt  }
0x46: {  	_ =	shalt  }
0x47: {  	_ =	shalt  }
0x48: {  	_ =	shalt  }
0x49: {  	_ =	shalt  }
0x4a: {  	_ =	shalt  }
0x4b: {  	_ =	shalt  }
0x4c: {  	_ =	shalt  }
0x4d: {  	_ =	shalt  }
0x4e: {  	_ =	shalt  }
0x4f: {  	_ =	shalt  }
0x50: {  	_ =	shalt  }
0x51: {  	_ =	shalt  }
0x52: {  	_ =	shalt  }
0x53: {  	_ =	shalt  }
0x54: {  	_ =	shalt  }
0x55: {  	_ =	shalt  }
0x56: {  	_ =	shalt  }
0x57: {  	_ =	shalt  }
0x58: {  	_ =	shalt  }
0x59: {  	_ =	shalt  }
0x5a: {  	_ =	shalt  }
0x5b: {  	_ =	shalt  }
0x5c: {  	_ =	shalt  }
0x5d: {  	_ =	shalt  }
0x5e: {  	_ =	shalt  }
0x5f: {  	_ =	shalt  }
0x60: {  	_ =	shalt  }
0x61: {  	_ =	shalt  }
0x62: {  	_ =	shalt  }
0x63: {  	_ =	shalt  }
0x64: {  	_ =	shalt  }
0x65: {  	_ =	shalt  }
0x66: {  	_ =	shalt  }
0x67: {  	_ =	shalt  }
0x68: {  	_ =	shalt  }
0x69: {  	_ =	shalt  }
0x6a: {  	_ =	shalt  }
0x6b: {  	_ =	shalt  }
0x6c: {  	_ =	shalt  }
0x6d: {  	_ =	shalt  }
0x6e: {  	_ =	shalt  }
0x6f: {  	_ =	shalt  }
0x70: {  	_ =	shalt  }
0x71: {  	_ =	shalt  }
0x72: {  	_ =	shalt  }
0x73: {  	_ =	shalt  }
0x74: {  	_ =	shalt  }
0x75: {  	_ =	shalt  }
0x76: {  	_ =	shalt  }
0x77: {  	_ =	shalt  }
0x78: {  	_ =	shalt  }
0x79: {  	_ =	shalt  }
0x7a: {  	_ =	shalt  }
0x7b: {  	_ =	shalt  }
0x7c: {  	_ =	shalt  }
0x7d: {  	_ =	shalt  }
0x7e: {  	_ =	shalt  }
0x7f: {  	_ =	shalt  }
0x80: {  	_ =	shalt  }
0x81: {  	_ =	shalt  }
0x82: {  	_ =	shalt  }
0x83: {  	_ =	shalt  }
0x84: {  	_ =	shalt  }
0x85: {  	_ =	shalt  }
0x86: {  	_ =	shalt  }
0x87: {  	_ =	shalt  }
.Lfunc_end0:
.L_simem_size_0:
called_computation.3_lowered:
.L_overlay_start_0:
0x88: {  	s2 =	sld [smem:$0x3FD9]  }
0x89: {  	s3 =	sld [smem:$0x3FFE];
	_ =	sdelay $0x1  }
0x8a: {  	s1 =	srdreg.scid  }
0x8b: {  	s0 =	sand.u32 $0x1, s1  }
0x8c: {  	s17 =	sshll.u32 s0, $0xA;
	s2 =	sadd.s32 s3, s2  }
0x8d: {  	s2 =	sadd.s32 s2, s17  }
0x8e: {  	[smem:$0x3FC6] =	sst s2  }
0x8f: {  	_ = 	snop  }
0x90: {  	(tm) =	ssettm $0x1  }
0x91: {  	s18 =	sld [smem:$0x3FFB];
	_ =	sdelay $0x3  }
0x92: {  	_ =	strace s18  }
0x93: {  	s2 =	sld [smem:$0x3FFC];
	_ =	sdelay $0x3  }
0x94: {  	_ =	strace s2  }
0x95: {  	s2 =	sld [smem:$0x3FFD];
	_ =	sdelay $0x3  }
0x96: {  	_ =	strace s2  }
0x97: {  	_ =	strace $0x8FFFFFFF  }
0x98: {  	s19 =	sld [smem:$0x3FDB];
	_ =	sdelay $0x1  }
0x99: {  	s20 =	simm.s32 $_scs_section_size  }
0x9a: {  	s4 =	simm.s32 $_size__tile_overlayer_lowered;
	s5 =	simm.s32 $_tile_overlayer_lowered  }
0x9b: {  	s6 =	simm.s32 $0x1BFF;
	s21 =	sshll.u32 s5, $0x1;
	s3 =	sadd.s32 s20, s19  }
0x9c: {  	s22 =	simm.s32 $0x0;
	s4 =	sshll.u32 s4, $0x1;
	s5 =	sadd.s32 s21, s3  }
0x9d: {  	[timem:s22], [sflag:s6] =	dma.local [hbm:s5], s4  }
0x9e: {  	_ =	swait.ge [sflag:s6], s4  }
0x9f: {  	s4 =	ssub.s32 $0x0, s4;
	[sflag:s6] =	ssyncset.done $0x0  }
0xa0: {  	[sflag:s6] =	ssyncadd.s32 s4;
	_ =	sdelay $0x1  }
0xa1: {  	s23 =	simm.s32 $0x1B8B  }
0xa2: {  	_ =	swait.ge [sflag:s23], $0x1  }
0xa3: {  	[sflag:s23] =	ssyncset.done $0x0  }
0xa4: {  	[sflag:s23] =	ssyncadd.s32 $0xFFFFFFFF  }
0xa5: {  	s4 =	sld [smem:$0x0]  }
0xa6: {  	s5 =	sand.u32 $0xFFFFFFFE, s1  }
0xa7: {  	p0 =	sne.s32 s1, s5  }
0xa8: {  	s5 =	sshll.u32 @p0 s5, $0xE  }
0xa9: {  	s5 =	sadd.s32 @p0 $0x11B8D, s5;
	s6 =	sshll.u32 @p0 s4, $0x11  }
0xaa: {  	s5 =	sor.u32 @p0 s6, s5  }
0xab: {  	[sflag:s5] =	ssyncadd.remote.s32 @p0 $0x1;
	_ =	sdelay $0x1  }
0xac: {  	s5 =	simm.s32 @p0 $0x1B8D  }
0xad: {  	_ =	swait.eq @p0 [sflag:s5], $0x1  }
0xae: {  	[sflag:s5] =	ssyncadd.s32 @p0 $0xFFFFFFFF  }
0xaf: {  	s6 =	sshll.u32 @!p0 s1, $0xE  }
0xb0: {  	s6 =	sor.u32 @!p0 $0x4000, s6;
	s5 =	simm.s32 @!p0 $0x1B8D  }
0xb1: {  	s4 =	sshll.u32 @!p0 s4, $0x11;
	s6 =	sadd.s32 @!p0 $0x11B8D, s6;
	_ =	swait.eq @!p0 [sflag:s5], $0x1  }
0xb2: {  	s4 =	sor.u32 @!p0 s4, s6;
	[sflag:s5] =	ssyncadd.s32 @!p0 $0xFFFFFFFF  }
0xb3: {  	s25 =	simm.s32 $0x1B8E;
	s24 =	sld [smem:$0x3FFE];
	[sflag:s4] =	ssyncadd.remote.s32 @!p0 $0x1  }
0xb4: {  	s26 =	simm.s32 $execute0_lowered;
	[smem:$0x3FD2] =	sst s25  }
0xb5: {  	s5 =	sshll.u32 s26, $0x1;
	_ =	strace $0x80000052;
	[dreg:$0x1] =	wrdreg $0xFFFFFFFF  }
0xb6: {  	s28 =	simm.s32 $_size_execute0_lowered;
	s3 =	sadd.s32 s3, s5;
	[dreg:$0x0] =	wrdreg $0x0  }
0xb7: {  	s5 =	sshll.u32 s28, $0x1;
	[dreg:$0x2] =	wrdreg s3  }
0xb8: {  	[dreg:$0x3] =	wrdreg s5  }
0xb9: {  	[dreg:$0x4] =	wrdreg $0xC0  }
0xba: {  	_ =	task [dreg:s22], $0x5FFFF  }
0xbb: {  	[dreg:$0x1] =	wrdreg $0xFFFFFFFF  }
0xbc: {  	[dreg:$0x0] =	wrdreg $0x60  }
0xbd: {  	[dreg:$0x2] =	wrdreg s24  }
0xbe: {  	[dreg:$0x3] =	wrdreg $0x9  }
0xbf: {  	_ =	task.clear_ibuf [dreg:s22], $0x4FFFF;
	_ =	strace $0x90000052  }
0xc0: {  	s29 =	simm.s32 $0x9;
	_ =	strace $0x80000054  }
0xc1: {  	_ =	swait.ge [sflag:s29], $0x1  }
0xc2: {  	[sflag:s29] =	ssyncadd.s32 $0xFFFFFFFF  }
0xc3: {  	_ =	strace $0x90000054  }
0xc4: {  	_ =	sfence  }
0xc5: {  	s30 =	sld [smem:$0x0];
	_ =	sdelay $0x2  }
0xc6: {  	s31 =	sshll.u32 s1, $0xD;
	s1 =	sshrl.u32 s1, $0x2  }
0xc7: {  	s4 =	sand.u32 $0x4000, s31;
	s1 =	sadd.s32 s1, s30  }
0xc8: {  	s0 =	sor.u32 s4, s0;
	s1 =	sshll.u32 s1, $0x11  }
0xc9: {  	s0 =	sor.u32 s1, s0  }
0xca: {  	s0 =	sadd.s32 $0x8F2B, s0  }
0xcb: {  	[sflag:s0] =	ssyncadd.remote.s32 $0x1  }
0xcc: {  	_ =	sfence.sel $0xFFFF  }
0xcd: {  	[dreg:$0x0] =	wrdreg $0xFFFFFFFF;
	(pc) =	sbr.abs _section_cstart, $3  }
0xce: {  	[dreg:$0x1] =	wrdreg $0xFFFFFFFF  }
0xcf: {  	_ =	task.clear_ibuf [dreg:s22], $0x2FFFF;
	_ =	strace $0x9FFFFFFF  }
0xd0: {  	(tm) =	ssettm $0x7FFFFFFF  }
0xd1: {  	_ =	shalt  }
tec
execute0_lowered:
.L_overlay_start_1:
0x0: {  	(tag) =	ssettag $0x1  }
0x1: {  	s0 =	srdreg.scid;
	s5 =	rddreg [dreg:$0x0]  }
0x2: {  	s1 =	stileid.u32;
	s6 =	simm.s32 $0x1;
	s9 =	simm.s32 $0x1  }
0x3: {  	s10 =	simm.s32 $0x3;
	s13 =	simm.s32 $0x0;
	s2 =	sshll.u32 s0, $0xE  }
0x4: {  	s12 =	simm.s32 $0x0;
	s3 =	sshll.u32 s1, $0xF;
	s2 =	sand.u32 $0x4000, s2  }
0x5: {  	s0 =	rddreg [dreg:$0x1];
	_ =	strace $0x80000053;
	s2 =	sor.u32 s3, s2  }
0x6: {  	s4 =	sadd.s32 $0x94800, s5;
	[sflag:s6] =	ssyncpa.u1 $0x0;
	s8 =	ssub.s32 $0x100000, s2  }
.Ltmp0:
0x7: {  	s3 =	sadd.s32 $0x63800, s5;
	s7 =	sand.u32 $0x7C000, s8;
	(pc) =	sbr.rel .LBB2_1-.Ltmp0, $4  }
0x8: {  	s5 =	sadd.s32 $0xCD000, s5;
	s11 =	smov.u32 s2;
	p0 =	sne.s32 s7, $0x0  }
0x9: {  	s8 =	sshrl.u32 s8, $0x13;
	s7 =	simm.s32 $0x2;
	s9 =	simm.s32 @!p0 $0x0  }
0xa: {  	[sflag:s7] =	ssyncpa.u1 $0x0;
	p0 =	por $0x0, $0x0;
	s8 =	sadd.s32 s9, s8  }
0xb: {  	vm0 =	vmmov $0xffff;
	[sflag:s10] =	ssyncpa.u1 $0x0;
	s10 =	simm.s32 $0x0;
	s9 =	sadd.s32 $0x1, s8  }
.LBB2_4:
0xc: {  	v2 =	vnsel vm1, $0x0, v2  }
0xd: {  	vm1 =	vgt.s32 v0, $0x0;
	v2 =	vmin.u32 v2, $0xC34FF  }
0xe: {  	v0 =	vnsel vm1, $0x0, v0  }
0xf: {  	v0 =	vmin.u32 v0, $0xC34FF  }
0x10: {  	[tilespmem:s15], [sflag:$0x1] =	stream.indirect_vreg.gather [hbm4b:s3+s10], $0x1, v1, vm0, $0x4038;
	[tilespmem:$0x10000] =	vst v63  }
0x11: {  	(ifvalue) =	ssetifvalue $0x7FFFFFFF  }
0x12: {  	[tilespmem:s16], [sflag:$0x1] =	stream.indirect_vreg.gather [hbm4b:s3+s10], $0x1, v2, vm0, $0x4038;
	[tilespmem:$0x10000] =	vst v63  }
0x13: {  	s29 =	sadd.s32 $0x10, s16;
	(ifvalue) =	ssetifvalue $0x7FFFFFFF  }
0x14: {  	[tilespmem:s29], [sflag:$0x1] =	stream.indirect_vreg.gather [hbm4b:s3+s10], $0x1, v0, vm0, $0x4038;
	[tilespmem:$0x10000] =	vst v63  }
0x15: {  	_ =	swait.ge [sflag:s6], $0x4000  }
0x16: {  	s30 =	sshrl.u32 s13, $0x3;
	[sflag:s6] =	ssyncset.done $0x0  }
0x17: {  	s31 =	sand.u32 $0x7, s13;
	s15 =	sadd.s32 s5, s30;
	[sflag:s6] =	ssyncadd.s32 $0xFFFFC000  }
0x18: {  	[hbm4b:s15+s31] =	stream.linear.scatter [tilespmem:s14], [sflag:$0x3], $0x4000, $0x38;
	[tilespmem:$0x10000] =	vst v63  }
.LBB2_5:
0x19: {  	s15 =	sadd.s32 $0x80000, s11  }
0x1a: {  	p2 =	sgt.s32 s15, $0xFFFFF  }
0x1b: {  	s15 =	smov.u32 @p2 s2;
	p2 =	sne.s32 s12, s9  }
.Ltmp1:
0x1c: {  	p1 =	slt.u32 s12, $0x2;
	(pc) =	sbr.rel @!p2 .LBB2_6-.Ltmp1, $4  }
0x1d: {  	s14 =	simm.s32 @!p1 $0x3  }
0x1e: {  	s16 =	sadd.s32 $0x1, s12;
	_ =	swait.ge @!p1 [sflag:s14], $0x4000  }
0x1f: {  	s13 =	smov.u32 s11;
	p0 =	por !p0, !p0;
	[sflag:s14] =	ssyncset.done @!p1 $0x0  }
0x20: {  	s12 =	smov.u32 s16;
	s11 =	smov.u32 s15;
	[sflag:s14] =	ssyncadd.s32 @!p1 $0xFFFFC000  }
.LBB2_1:
0x21: {  	p1 =	sge.u32 s12, s8  }
0x22: {  	s14 =	sxor.u32 @!p1 $0xFFFFFFFF, s12  }
0x23: {  	s31 =	sadd.s32 $0xFFFFFFFF, s12;
	s15 =	sshrl.u32 @!p1 s11, $0x3;
	s14 =	sshll.u32 @!p1 s14, $0xE  }
0x24: {  	s16 =	sand.u32 @!p1 $0x7, s11;
	s15 =	sadd.s32 @!p1 s4, s15;
	s14 =	sand.u32 @!p1 $0x4000, s14  }
0x25: {  	[tilespmem:s14], [sflag:$0x2] =	stream.linear.gather @!p1 [hbm4b:s15+s16], $0x4000, $0x38;
	[tilespmem:$0x10000] =	vst v63  }
0x26: {  	p1 =	sge.u32 s31, s8  }
.Ltmp2:
0x27: {  	_ = 	snop;
	(pc) =	sbr.rel @p1 .LBB2_5-.Ltmp2, $1  }
0x28: {  	_ =	sdelay $0x3  }
0x29: {  	s14 =	simm.s32 $0x1  }
0x2a: {  	_ =	swait.ge [sflag:s7], $0x4000;
	s14 =	simm.s32 @!p0 $0x0  }
0x2b: {  	[sflag:s7] =	ssyncset.done $0x0;
	s14 =	sshll.u32 s14, $0xE  }
0x2c: {  	[sflag:s7] =	ssyncadd.s32 $0xFFFFC000;
	(ifvalue) =	ssetifvalue $0x7FFFFFFF;
	v0 =	vld.msk [tilespmem:s14+$0x0 ss:$0x1], $0xffff;
	_ =	sdelay $0x4  }
0x2d: {  	s15 =	sadd.s32 $0x10, s14;
	vm1 =	vgt.s32 v0, $0x0  }
0x2e: {  	v2 =	vld.msk [tilespmem:s15+$0x0 ss:$0x1], $0xffff;
	v1 =	vnsel vm1, $0x0, v0  }
0x2f: {  	v1 =	vmin.u32 v1, $0xC34FF;
	_ =	sdelay $0x1  }
0x30: {  	s16 =	sshll.u32 s12, $0xE;
	s18 =	simm.s32 $0x20  }
0x31: {  	s16 =	sand.u32 $0x4000, s16;
	s17 =	sadd.s32 $0x10, s15;
	s15 =	sor.u32 $0x8000, s14  }
0x32: {  	s14 =	sor.u32 $0x8000, s16;
	s16 =	sadd.s32 $0x10, s15;
	v0 =	vld.msk [tilespmem:s17+$0x0 ss:$0x1], $0xffff;
	vm1 =	vgt.s32 v2, $0x0;
	(ifvalue) =	ssetifvalue $0x7FFFFFFF  }
.LBB2_3:
0x33: {  	[tilespmem:s15], [sflag:$0x1] =	stream.indirect_vreg.gather [hbm4b:s3+s10], $0x1, v1, vm0, $0x4038;
	[tilespmem:$0x10000] =	vst v63  }
0x34: {  	s18 =	sadd.s32 $0x10, s18  }
0x35: {  	v2 =	vnsel vm1, $0x0, v2;
	p1 =	slt.u32 s18, $0x3FF0  }
.Ltmp3:
0x36: {  	s15 =	smov.u32 s16;
	v1 =	vmin.u32 v2, $0xC34FF;
	(pc) =	sbr.rel @p1 .LBB2_3-.Ltmp3, $3  }
0x37: {  	_ =	sdelay $0x1  }
0x38: {  	s17 =	sadd.s32 $0x10, s17  }
0x39: {  	vm1 =	vgt.s32 v0, $0x0;
	s16 =	sadd.s32 $0x10, s16;
	v2 =	vmov v0;
	(ifvalue) =	ssetifvalue $0x7FFFFFFF;
	v0 =	vld.msk [tilespmem:s17+$0x0 ss:$0x1], $0xffff  }
.Ltmp4:
0x3a: {  	_ = 	snop;
	(pc) =	sbr.rel .LBB2_4-.Ltmp4, $1  }
0x3b: {  	_ =	sdelay $0x3  }
.LBB2_6:
0x3c: {  	_ =	sfence.sel $0x180000  }
0x3d: {  	s2 =	simm.s32 $0x2;
	[bflag:$0x0] =	sbarrier.arrive $0xFFFF  }
0x3e: {  	s30 =	simm.s32 $0x3;
	[sflag:s2] =	ssyncpa.u1 $0x1  }
0x3f: {  	s31 =	simm.s32 $0x1;
	[sflag:s30] =	ssyncpa.u1 $0x1  }
0x40: {  	[sflag:s31] =	ssyncpa.u1 $0x1  }
0x41: {  	p0 =	sne.s32 s1, $0x0;
	_ =	strace $0x90000053  }
0x42: {  	s0 =	sadd.s32 @!p0 $0x100000, s0;
	[bflag:$0x2] =	sbarrier.arrive $0xFFFF  }
0x43: {  	[sflag:s0] =	ssyncadd.tile.s32 @!p0 $0x1;
	_ =	shalt  }
.Lfunc_end2:
_tile_overlayer_lowered:
.L_overlay_start_2:
0x44: {  	(tag) =	ssettag $0x2  }
0x45: {  	s0 =	rddreg [dreg:$0x0];
	s2 =	stileid.u32  }
0x46: {  	s1 =	rddreg [dreg:$0x1];
	p0 =	sne.s32 s2, $0x0  }
0x47: {  	s3 =	rddreg [dreg:$0x2];
	[bflag:$0x3] =	sbarrier.arrive $0xFFFF;
	s2 =	simm.s32 @!p0 $0x1C01  }
0x48: {  	[timem:s3], [sflag:s2] =	dma.local @!p0 [hbm:s0], s1  }
0x49: {  	s0 =	simm.s32 @!p0 $0x1  }
0x4a: {  	_ =	swait.ge @!p0 [sflag:s0], s1  }
0x4b: {  	s1 =	ssub.s32 @!p0 $0x0, s1;
	[sflag:s0] =	ssyncset.done @!p0 $0x0  }
0x4c: {  	[sflag:s0] =	ssyncadd.s32 @!p0 s1  }
0x4d: {  	[bflag:$0x3] =	sbarrier.arrive $0xFFFF  }
0x4e: {  	_ =	shalt  }

// kernel: gather_offload_async_start.4
scs
__scs_entry_jumppad:
0x0: {  	(pc) =	sbr.rel $0x88, $3  }
0x1: {  	(tag) =	ssettag $0x0;
	lr =	simm.s32 $0x1  }
0x2: {  	[smem:$0x3F9F] =	sst lr;
	_ =	strace $0xD0000000  }
0x3: {  	_ = 	snop  }
0x4: {  	_ = 	snop  }
0x5: {  	_ = 	snop  }
0x6: {  	_ = 	snop  }
0x7: {  	_ = 	snop  }
__scs_overlays_trampoline_lowered:
0x8: {  	[smem:$0x3FAE] =	sst s0  }
0x9: {  	[smem:$0x3FAF] =	sst s1  }
0xa: {  	[smem:$0x3FB0] =	sst s2  }
0xb: {  	[smem:$0x3FB1] =	sst s3  }
0xc: {  	[smem:$0x3FB2] =	sst s4  }
0xd: {  	[smem:$0x3FB3] =	sst s5  }
0xe: {  	[smem:$0x3FB4] =	sst s6  }
0xf: {  	[smem:$0x3FB5] =	sst s7  }
0x10: {  	[smem:$0x3FB6] =	sst s8  }
0x11: {  	[smem:$0x3FB7] =	sst s9;
	s0 =	simm.s32 @!p0 $0x0  }
0x12: {  	s1 =	sld [smem:$0x3F9D];
	s0 =	simm.s32 @p0 $0x1  }
0x13: {  	[smem:$0x3FB8] =	sst s0;
	s0 =	simm.s32 @!p1 $0x0  }
0x14: {  	s2 =	sld [smem:$0x3F9C];
	s0 =	simm.s32 @p1 $0x1  }
0x15: {  	[smem:$0x3FB9] =	sst s0;
	s0 =	simm.s32 @!p2 $0x0  }
0x16: {  	s3 =	sld [smem:$0x3FDB];
	s0 =	simm.s32 @p2 $0x1  }
0x17: {  	s4 =	simm.s32 $0x1BF5;
	[smem:$0x3FBB] =	sst s0  }
0x18: {  	s0 =	sld [smem:$0x3F9E];
	_ =	swait.ge [sflag:s4], $0x0  }
0x19: {  	s7 =	sld [smem:$0x3F9F]  }
0x1a: {  	s8 =	sadd.s32 $0xFFFFE003, lr  }
0x1b: {  	s9 =	sadd.s32 $0xFFFFFEF7, lr;
	s5 =	simm.s32 $0xFFFFFFFF;
	p2 =	slt.u32 s8, $0xFFFFF086  }
0x1c: {  	p1 =	slt.u32 s9, $0xF7A;
	s5 =	simm.s32 @!p2 $0x0  }
0x1d: {  	s5 =	simm.s32 @p1 $0x1;
	p0 =	seq.s32 s7, s2  }
0x1e: {  	s7 =	smul.u32 @!p0 $0xF7A, s2;
	p2 =	seq.s32 @!p0 s5, $0x0  }
0x1f: {  	s9 =	smul.u32 $0xF7A, s1;
	s8 =	simm.s32 @!p0 $0x1BF5;
	p2 =	por !p2, p0  }
0x20: {  	[sflag:s8] =	ssyncset.s32 @!p0 $0xFFFFF086;
	s6 =	sadd.s32 @!p0 s3, s7;
	s7 =	simm.s32 @!p0 $0x108  }
0x21: {  	s3 =	sadd.s32 s3, s9;
	s6 =	sadd.s32 @!p0 $0x88, s6;
	s7 =	simm.s32 @p2 $0x1082  }
0x22: {  	[simem:s7], [sflag:s8] =	dma.local @!p0 [hbm:s6], $0xF7A  }
0x23: {  	s9 =	sor.u32 $0xD0000000, s2;
	s6 =	simm.s32 $0x108;
	_ =	swait.ge @!p0 [sflag:s8], $0x0  }
0x24: {  	s3 =	sadd.s32 $0x88, s3;
	s6 =	simm.s32 @!p1 $0x1082;
	[sflag:s4] =	ssyncset.s32 $0xFFFFF086  }
0x25: {  	[simem:s6], [sflag:s4] =	dma.local [hbm:s3], $0xF7A  }
0x26: {  	[smem:$0x3F9F] =	sst s1;
	(tag) =	ssettag s2;
	_ =	strace s9  }
0x27: {  	s1 =	sld [smem:$0x3FAF]  }
0x28: {  	s2 =	sld [smem:$0x3FB0]  }
0x29: {  	s4 =	sld [smem:$0x3FB2]  }
0x2a: {  	p0 =	seq.s32 s5, $0x0;
	s5 =	sld [smem:$0x3FB3]  }
0x2b: {  	s6 =	sld [smem:$0x3FB4]  }
0x2c: {  	s7 =	sld [smem:$0x3FB5]  }
0x2d: {  	s3 =	simm.s32 $0x108;
	s8 =	sld [smem:$0x3FB6]  }
0x2e: {  	s3 =	simm.s32 @!p0 $0x1082;
	s9 =	sld [smem:$0x3FB7]  }
0x2f: {  	lr =	sadd.s32 s0, s3;
	s0 =	sld [smem:$0x3FAE]  }
0x30: {  	s3 =	sld [smem:$0x3FB1]  }
0x31: {  	[smem:$0x3FBA] =	sst s10  }
0x32: {  	s10 =	sld [smem:$0x3FB8];
	_ =	sdelay $0x3  }
0x33: {  	p0 =	seq.s32 s10, $0x1;
	s10 =	sld [smem:$0x3FBA];
	_ =	sdelay $0x3  }
0x34: {  	[smem:$0x3FBA] =	sst s10  }
0x35: {  	s10 =	sld [smem:$0x3FB9];
	_ =	sdelay $0x3  }
0x36: {  	p1 =	seq.s32 s10, $0x1;
	s10 =	sld [smem:$0x3FBA];
	_ =	sdelay $0x3  }
0x37: {  	[smem:$0x3FBA] =	sst s10  }
0x38: {  	s10 =	sld [smem:$0x3FBB]  }
0x39: {  	_ = 	snop;
	(pc) =	sbr.ind lr, $3  }
0x3a: {  	_ = 	snop  }
0x3b: {  	_ = 	snop  }
0x3c: {  	p2 =	seq.s32 s10, $0x1;
	s10 =	sld [smem:$0x3FBA]  }
0x3d: {  	_ =	shalt  }
0x3e: {  	_ =	shalt  }
0x3f: {  	_ =	shalt  }
0x40: {  	_ =	shalt  }
0x41: {  	_ =	shalt  }
0x42: {  	_ =	shalt  }
0x43: {  	_ =	shalt  }
0x44: {  	_ =	shalt  }
0x45: {  	_ =	shalt  }
0x46: {  	_ =	shalt  }
0x47: {  	_ =	shalt  }
0x48: {  	_ =	shalt  }
0x49: {  	_ =	shalt  }
0x4a: {  	_ =	shalt  }
0x4b: {  	_ =	shalt  }
0x4c: {  	_ =	shalt  }
0x4d: {  	_ =	shalt  }
0x4e: {  	_ =	shalt  }
0x4f: {  	_ =	shalt  }
0x50: {  	_ =	shalt  }
0x51: {  	_ =	shalt  }
0x52: {  	_ =	shalt  }
0x53: {  	_ =	shalt  }
0x54: {  	_ =	shalt  }
0x55: {  	_ =	shalt  }
0x56: {  	_ =	shalt  }
0x57: {  	_ =	shalt  }
0x58: {  	_ =	shalt  }
0x59: {  	_ =	shalt  }
0x5a: {  	_ =	shalt  }
0x5b: {  	_ =	shalt  }
0x5c: {  	_ =	shalt  }
0x5d: {  	_ =	shalt  }
0x5e: {  	_ =	shalt  }
0x5f: {  	_ =	shalt  }
0x60: {  	_ =	shalt  }
0x61: {  	_ =	shalt  }
0x62: {  	_ =	shalt  }
0x63: {  	_ =	shalt  }
0x64: {  	_ =	shalt  }
0x65: {  	_ =	shalt  }
0x66: {  	_ =	shalt  }
0x67: {  	_ =	shalt  }
0x68: {  	_ =	shalt  }
0x69: {  	_ =	shalt  }
0x6a: {  	_ =	shalt  }
0x6b: {  	_ =	shalt  }
0x6c: {  	_ =	shalt  }
0x6d: {  	_ =	shalt  }
0x6e: {  	_ =	shalt  }
0x6f: {  	_ =	shalt  }
0x70: {  	_ =	shalt  }
0x71: {  	_ =	shalt  }
0x72: {  	_ =	shalt  }
0x73: {  	_ =	shalt  }
0x74: {  	_ =	shalt  }
0x75: {  	_ =	shalt  }
0x76: {  	_ =	shalt  }
0x77: {  	_ =	shalt  }
0x78: {  	_ =	shalt  }
0x79: {  	_ =	shalt  }
0x7a: {  	_ =	shalt  }
0x7b: {  	_ =	shalt  }
0x7c: {  	_ =	shalt  }
0x7d: {  	_ =	shalt  }
0x7e: {  	_ =	shalt  }
0x7f: {  	_ =	shalt  }
0x80: {  	_ =	shalt  }
0x81: {  	_ =	shalt  }
0x82: {  	_ =	shalt  }
0x83: {  	_ =	shalt  }
0x84: {  	_ =	shalt  }
0x85: {  	_ =	shalt  }
0x86: {  	_ =	shalt  }
0x87: {  	_ =	shalt  }
.Lfunc_end0:
.L_simem_size_0:
called_computation.4_lowered:
.L_overlay_start_0:
0x88: {  	s2 =	sld [smem:$0x3FD9]  }
0x89: {  	s3 =	sld [smem:$0x3FFE];
	_ =	sdelay $0x1  }
0x8a: {  	s1 =	srdreg.scid  }
0x8b: {  	s0 =	sand.u32 $0x1, s1  }
0x8c: {  	s16 =	sshll.u32 s0, $0xA;
	s2 =	sadd.s32 s3, s2  }
0x8d: {  	s2 =	sadd.s32 s2, s16  }
0x8e: {  	[smem:$0x3FC6] =	sst s2  }
0x8f: {  	_ = 	snop  }
0x90: {  	(tm) =	ssettm $0x1  }
0x91: {  	s17 =	sld [smem:$0x3FFB];
	_ =	sdelay $0x3  }
0x92: {  	_ =	strace s17  }
0x93: {  	s2 =	sld [smem:$0x3FFC];
	_ =	sdelay $0x3  }
0x94: {  	_ =	strace s2  }
0x95: {  	s2 =	sld [smem:$0x3FFD];
	_ =	sdelay $0x3  }
0x96: {  	_ =	strace s2  }
0x97: {  	_ =	strace $0x8FFFFFFF  }
0x98: {  	s18 =	sld [smem:$0x3FDB];
	_ =	sdelay $0x1  }
0x99: {  	s19 =	simm.s32 $_scs_section_size  }
0x9a: {  	s4 =	simm.s32 $_size__tile_overlayer_lowered;
	s5 =	simm.s32 $_tile_overlayer_lowered  }
0x9b: {  	s22 =	simm.s32 $0x1BFF;
	s21 =	sshll.u32 s5, $0x1;
	s2 =	sadd.s32 s19, s18  }
0x9c: {  	s6 =	simm.s32 $0x0;
	s20 =	sshll.u32 s4, $0x1;
	s4 =	sadd.s32 s21, s2  }
0x9d: {  	[timem:s6], [sflag:s22] =	dma.local [hbm:s4], s20  }
0x9e: {  	_ =	swait.ge [sflag:s22], s20  }
0x9f: {  	s3 =	ssub.s32 $0x0, s20;
	[sflag:s22] =	ssyncset.done $0x0  }
0xa0: {  	[sflag:s22] =	ssyncadd.s32 s3;
	_ =	sdelay $0x1  }
0xa1: {  	s23 =	simm.s32 $0x1B8B  }
0xa2: {  	_ =	swait.ge [sflag:s23], $0x1  }
0xa3: {  	[sflag:s23] =	ssyncset.done $0x0  }
0xa4: {  	s25 =	simm.s32 $0x1B8E;
	s24 =	sld [smem:$0x3FFE];
	[sflag:s23] =	ssyncadd.s32 $0xFFFFFFFF  }
0xa5: {  	s26 =	simm.s32 $execute0_lowered;
	[smem:$0x3FD2] =	sst s25  }
0xa6: {  	s4 =	sshll.u32 s26, $0x1;
	_ =	strace $0x8000004F;
	[dreg:$0x1] =	wrdreg $0xFFFFFFFF  }
0xa7: {  	s28 =	simm.s32 $_size_execute0_lowered;
	s2 =	sadd.s32 s2, s4;
	[dreg:$0x0] =	wrdreg $0x0  }
0xa8: {  	s4 =	sshll.u32 s28, $0x1;
	[dreg:$0x2] =	wrdreg s2  }
0xa9: {  	[dreg:$0x3] =	wrdreg s4  }
0xaa: {  	[dreg:$0x4] =	wrdreg $0xC0  }
0xab: {  	_ =	task [dreg:s6], $0x5FFFF  }
0xac: {  	[dreg:$0x1] =	wrdreg $0xFFFFFFFF  }
0xad: {  	[dreg:$0x0] =	wrdreg $0x60  }
0xae: {  	[dreg:$0x2] =	wrdreg s24  }
0xaf: {  	[dreg:$0x3] =	wrdreg $0xA  }
0xb0: {  	_ =	task.clear_ibuf [dreg:s6], $0x4FFFF;
	_ =	strace $0x9000004F  }
0xb1: {  	s29 =	simm.s32 $0xA;
	_ =	strace $0x80000051  }
0xb2: {  	_ =	swait.ge [sflag:s29], $0x1  }
0xb3: {  	[sflag:s29] =	ssyncadd.s32 $0xFFFFFFFF  }
0xb4: {  	_ =	strace $0x90000051  }
0xb5: {  	_ =	sfence  }
0xb6: {  	s30 =	sld [smem:$0x0];
	_ =	sdelay $0x2  }
0xb7: {  	s31 =	sshll.u32 s1, $0xD;
	s1 =	sshrl.u32 s1, $0x2  }
0xb8: {  	s3 =	sand.u32 $0x4000, s31;
	s1 =	sadd.s32 s1, s30  }
0xb9: {  	s0 =	sor.u32 s3, s0;
	s1 =	sshll.u32 s1, $0x11  }
0xba: {  	s0 =	sor.u32 s1, s0  }
0xbb: {  	s0 =	sadd.s32 $0x8F2B, s0  }
0xbc: {  	[sflag:s0] =	ssyncadd.remote.s32 $0x1  }
0xbd: {  	_ =	sfence.sel $0xFFFF  }
0xbe: {  	[dreg:$0x0] =	wrdreg $0xFFFFFFFF;
	(pc) =	sbr.abs _section_cstart, $3  }
0xbf: {  	[dreg:$0x1] =	wrdreg $0xFFFFFFFF  }
0xc0: {  	_ =	task.clear_ibuf [dreg:s6], $0x2FFFF;
	_ =	strace $0x9FFFFFFF  }
0xc1: {  	(tm) =	ssettm $0x7FFFFFFF  }
tec
execute0_lowered:
.L_overlay_start_1:
0x0: {  	(tag) =	ssettag $0x1  }
0x1: {  	s0 =	srdreg.scid;
	s5 =	rddreg [dreg:$0x0]  }
0x2: {  	s1 =	stileid.u32;
	s6 =	simm.s32 $0x1;
	s9 =	simm.s32 $0x1  }
0x3: {  	s10 =	simm.s32 $0x3;
	s13 =	simm.s32 $0x0;
	s2 =	sshll.u32 s0, $0xE  }
0x4: {  	s12 =	simm.s32 $0x0;
	s3 =	sshll.u32 s1, $0xF;
	s2 =	sand.u32 $0x4000, s2  }
0x5: {  	s0 =	rddreg [dreg:$0x1];
	_ =	strace $0x80000050;
	s2 =	sor.u32 s3, s2  }
0x6: {  	s4 =	sadd.s32 $0x94800, s5;
	[sflag:s6] =	ssyncpa.u1 $0x0;
	s8 =	ssub.s32 $0x100000, s2  }
.Ltmp0:
0x7: {  	s3 =	sadd.s32 $0xB4800, s5;
	s7 =	sand.u32 $0x7C000, s8;
	(pc) =	sbr.rel .LBB2_1-.Ltmp0, $4  }
0x8: {  	s5 =	sadd.s32 $0x32800, s5;
	s11 =	smov.u32 s2;
	p0 =	sne.s32 s7, $0x0  }
0x9: {  	s8 =	sshrl.u32 s8, $0x13;
	s7 =	simm.s32 $0x2;
	s9 =	simm.s32 @!p0 $0x0  }
0xa: {  	[sflag:s7] =	ssyncpa.u1 $0x0;
	p0 =	por $0x0, $0x0;
	s8 =	sadd.s32 s9, s8  }
0xb: {  	vm0 =	vmmov $0xffff;
	[sflag:s10] =	ssyncpa.u1 $0x0;
	s10 =	simm.s32 $0x0;
	s9 =	sadd.s32 $0x1, s8  }
.LBB2_4:
0xc: {  	v2 =	vnsel vm1, $0x0, v2  }
0xd: {  	vm1 =	vgt.s32 v0, $0x0;
	v2 =	vmin.u32 v2, $0xC34FF  }
0xe: {  	v0 =	vnsel vm1, $0x0, v0  }
0xf: {  	v0 =	vmin.u32 v0, $0xC34FF  }
0x10: {  	[tilespmem:s15], [sflag:$0x1] =	stream.indirect_vreg.gather [hbm4b:s3+s10], $0x1, v1, vm0, $0x4038;
	[tilespmem:$0x10000] =	vst v63  }
0x11: {  	(ifvalue) =	ssetifvalue $0x7FFFFFFF  }
0x12: {  	[tilespmem:s16], [sflag:$0x1] =	stream.indirect_vreg.gather [hbm4b:s3+s10], $0x1, v2, vm0, $0x4038;
	[tilespmem:$0x10000] =	vst v63  }
0x13: {  	s29 =	sadd.s32 $0x10, s16;
	(ifvalue) =	ssetifvalue $0x7FFFFFFF  }
0x14: {  	[tilespmem:s29], [sflag:$0x1] =	stream.indirect_vreg.gather [hbm4b:s3+s10], $0x1, v0, vm0, $0x4038;
	[tilespmem:$0x10000] =	vst v63  }
0x15: {  	_ =	swait.ge [sflag:s6], $0x4000  }
0x16: {  	s30 =	sshrl.u32 s13, $0x3;
	[sflag:s6] =	ssyncset.done $0x0  }
0x17: {  	s31 =	sand.u32 $0x7, s13;
	s15 =	sadd.s32 s5, s30;
	[sflag:s6] =	ssyncadd.s32 $0xFFFFC000  }
0x18: {  	[hbm4b:s15+s31] =	stream.linear.scatter [tilespmem:s14], [sflag:$0x3], $0x4000, $0x38;
	[tilespmem:$0x10000] =	vst v63  }
.LBB2_5:
0x19: {  	s15 =	sadd.s32 $0x80000, s11  }
0x1a: {  	p2 =	sgt.s32 s15, $0xFFFFF  }
0x1b: {  	s15 =	smov.u32 @p2 s2;
	p2 =	sne.s32 s12, s9  }
.Ltmp1:
0x1c: {  	p1 =	slt.u32 s12, $0x2;
	(pc) =	sbr.rel @!p2 .LBB2_6-.Ltmp1, $4  }
0x1d: {  	s14 =	simm.s32 @!p1 $0x3  }
0x1e: {  	s16 =	sadd.s32 $0x1, s12;
	_ =	swait.ge @!p1 [sflag:s14], $0x4000  }
0x1f: {  	s13 =	smov.u32 s11;
	p0 =	por !p0, !p0;
	[sflag:s14] =	ssyncset.done @!p1 $0x0  }
0x20: {  	s12 =	smov.u32 s16;
	s11 =	smov.u32 s15;
	[sflag:s14] =	ssyncadd.s32 @!p1 $0xFFFFC000  }
.LBB2_1:
0x21: {  	p1 =	sge.u32 s12, s8  }
0x22: {  	s14 =	sxor.u32 @!p1 $0xFFFFFFFF, s12  }
0x23: {  	s31 =	sadd.s32 $0xFFFFFFFF, s12;
	s15 =	sshrl.u32 @!p1 s11, $0x3;
	s14 =	sshll.u32 @!p1 s14, $0xE  }
0x24: {  	s16 =	sand.u32 @!p1 $0x7, s11;
	s15 =	sadd.s32 @!p1 s4, s15;
	s14 =	sand.u32 @!p1 $0x4000, s14  }
0x25: {  	[tilespmem:s14], [sflag:$0x2] =	stream.linear.gather @!p1 [hbm4b:s15+s16], $0x4000, $0x38;
	[tilespmem:$0x10000] =	vst v63  }
0x26: {  	p1 =	sge.u32 s31, s8  }
.Ltmp2:
0x27: {  	_ = 	snop;
	(pc) =	sbr.rel @p1 .LBB2_5-.Ltmp2, $1  }
0x28: {  	_ =	sdelay $0x3  }
0x29: {  	s14 =	simm.s32 $0x1  }
0x2a: {  	_ =	swait.ge [sflag:s7], $0x4000;
	s14 =	simm.s32 @!p0 $0x0  }
0x2b: {  	[sflag:s7] =	ssyncset.done $0x0;
	s14 =	sshll.u32 s14, $0xE  }
0x2c: {  	[sflag:s7] =	ssyncadd.s32 $0xFFFFC000;
	(ifvalue) =	ssetifvalue $0x7FFFFFFF;
	v0 =	vld.msk [tilespmem:s14+$0x0 ss:$0x1], $0xffff;
	_ =	sdelay $0x4  }
0x2d: {  	s15 =	sadd.s32 $0x10, s14;
	vm1 =	vgt.s32 v0, $0x0  }
0x2e: {  	v2 =	vld.msk [tilespmem:s15+$0x0 ss:$0x1], $0xffff;
	v1 =	vnsel vm1, $0x0, v0  }
0x2f: {  	v1 =	vmin.u32 v1, $0xC34FF;
	_ =	sdelay $0x1  }
0x30: {  	s16 =	sshll.u32 s12, $0xE;
	s18 =	simm.s32 $0x20  }
0x31: {  	s16 =	sand.u32 $0x4000, s16;
	s17 =	sadd.s32 $0x10, s15;
	s15 =	sor.u32 $0x8000, s14  }
0x32: {  	s14 =	sor.u32 $0x8000, s16;
	s16 =	sadd.s32 $0x10, s15;
	v0 =	vld.msk [tilespmem:s17+$0x0 ss:$0x1], $0xffff;
	vm1 =	vgt.s32 v2, $0x0;
	(ifvalue) =	ssetifvalue $0x7FFFFFFF  }
.LBB2_3:
0x33: {  	[tilespmem:s15], [sflag:$0x1] =	stream.indirect_vreg.gather [hbm4b:s3+s10], $0x1, v1, vm0, $0x4038;
	[tilespmem:$0x10000] =	vst v63  }
0x34: {  	s18 =	sadd.s32 $0x10, s18  }
0x35: {  	v2 =	vnsel vm1, $0x0, v2;
	p1 =	slt.u32 s18, $0x3FF0  }
.Ltmp3:
0x36: {  	s15 =	smov.u32 s16;
	v1 =	vmin.u32 v2, $0xC34FF;
	(pc) =	sbr.rel @p1 .LBB2_3-.Ltmp3, $3  }
0x37: {  	_ =	sdelay $0x1  }
0x38: {  	s17 =	sadd.s32 $0x10, s17  }
0x39: {  	vm1 =	vgt.s32 v0, $0x0;
	s16 =	sadd.s32 $0x10, s16;
	v2 =	vmov v0;
	(ifvalue) =	ssetifvalue $0x7FFFFFFF;
	v0 =	vld.msk [tilespmem:s17+$0x0 ss:$0x1], $0xffff  }
.Ltmp4:
0x3a: {  	_ = 	snop;
	(pc) =	sbr.rel .LBB2_4-.Ltmp4, $1  }
0x3b: {  	_ =	sdelay $0x3  }
.LBB2_6:
0x3c: {  	_ =	sfence.sel $0x180000  }
0x3d: {  	s2 =	simm.s32 $0x2;
	[bflag:$0x0] =	sbarrier.arrive $0xFFFF  }
0x3e: {  	s30 =	simm.s32 $0x3;
	[sflag:s2] =	ssyncpa.u1 $0x1  }
0x3f: {  	s31 =	simm.s32 $0x1;
	[sflag:s30] =	ssyncpa.u1 $0x1  }
0x40: {  	[sflag:s31] =	ssyncpa.u1 $0x1  }
0x41: {  	p0 =	sne.s32 s1, $0x0;
	_ =	strace $0x90000050  }
0x42: {  	s0 =	sadd.s32 @!p0 $0x100000, s0;
	[bflag:$0x2] =	sbarrier.arrive $0xFFFF  }
0x43: {  	[sflag:s0] =	ssyncadd.tile.s32 @!p0 $0x1;
	_ =	shalt  }
.Lfunc_end2:
_tile_overlayer_lowered:
.L_overlay_start_2:
0x44: {  	(tag) =	ssettag $0x2  }
0x45: {  	s0 =	rddreg [dreg:$0x0];
	s2 =	stileid.u32  }
0x46: {  	s1 =	rddreg [dreg:$0x1];
	p0 =	sne.s32 s2, $0x0  }
0x47: {  	s3 =	rddreg [dreg:$0x2];
	[bflag:$0x3] =	sbarrier.arrive $0xFFFF;
	s2 =	simm.s32 @!p0 $0x1C01  }
0x48: {  	[timem:s3], [sflag:s2] =	dma.local @!p0 [hbm:s0], s1  }
0x49: {  	s0 =	simm.s32 @!p0 $0x1  }
0x4a: {  	_ =	swait.ge @!p0 [sflag:s0], s1  }
0x4b: {  	s1 =	ssub.s32 @!p0 $0x0, s1;
	[sflag:s0] =	ssyncset.done @!p0 $0x0  }
0x4c: {  	[sflag:s0] =	ssyncadd.s32 @!p0 s1  }
0x4d: {  	[bflag:$0x3] =	sbarrier.arrive $0xFFFF  }
0x4e: {  	_ =	shalt  }

// kernel: gather_offload_async_start
scs
__scs_entry_jumppad:
0x0: {  	(pc) =	sbr.rel $0x88, $3  }
0x1: {  	(tag) =	ssettag $0x0;
	lr =	simm.s32 $0x1  }
0x2: {  	[smem:$0x3F9F] =	sst lr;
	_ =	strace $0xD0000000  }
0x3: {  	_ = 	snop  }
0x4: {  	_ = 	snop  }
0x5: {  	_ = 	snop  }
0x6: {  	_ = 	snop  }
0x7: {  	_ = 	snop  }
__scs_overlays_trampoline_lowered:
0x8: {  	[smem:$0x3FAE] =	sst s0  }
0x9: {  	[smem:$0x3FAF] =	sst s1  }
0xa: {  	[smem:$0x3FB0] =	sst s2  }
0xb: {  	[smem:$0x3FB1] =	sst s3  }
0xc: {  	[smem:$0x3FB2] =	sst s4  }
0xd: {  	[smem:$0x3FB3] =	sst s5  }
0xe: {  	[smem:$0x3FB4] =	sst s6  }
0xf: {  	[smem:$0x3FB5] =	sst s7  }
0x10: {  	[smem:$0x3FB6] =	sst s8  }
0x11: {  	[smem:$0x3FB7] =	sst s9;
	s0 =	simm.s32 @!p0 $0x0  }
0x12: {  	s1 =	sld [smem:$0x3F9D];
	s0 =	simm.s32 @p0 $0x1  }
0x13: {  	[smem:$0x3FB8] =	sst s0;
	s0 =	simm.s32 @!p1 $0x0  }
0x14: {  	s2 =	sld [smem:$0x3F9C];
	s0 =	simm.s32 @p1 $0x1  }
0x15: {  	[smem:$0x3FB9] =	sst s0;
	s0 =	simm.s32 @!p2 $0x0  }
0x16: {  	s3 =	sld [smem:$0x3FDB];
	s0 =	simm.s32 @p2 $0x1  }
0x17: {  	s4 =	simm.s32 $0x1BF5;
	[smem:$0x3FBB] =	sst s0  }
0x18: {  	s0 =	sld [smem:$0x3F9E];
	_ =	swait.ge [sflag:s4], $0x0  }
0x19: {  	s7 =	sld [smem:$0x3F9F]  }
0x1a: {  	s8 =	sadd.s32 $0xFFFFE003, lr  }
0x1b: {  	s9 =	sadd.s32 $0xFFFFFEF7, lr;
	s5 =	simm.s32 $0xFFFFFFFF;
	p2 =	slt.u32 s8, $0xFFFFF086  }
0x1c: {  	p1 =	slt.u32 s9, $0xF7A;
	s5 =	simm.s32 @!p2 $0x0  }
0x1d: {  	s5 =	simm.s32 @p1 $0x1;
	p0 =	seq.s32 s7, s2  }
0x1e: {  	s7 =	smul.u32 @!p0 $0xF7A, s2;
	p2 =	seq.s32 @!p0 s5, $0x0  }
0x1f: {  	s9 =	smul.u32 $0xF7A, s1;
	s8 =	simm.s32 @!p0 $0x1BF5;
	p2 =	por !p2, p0  }
0x20: {  	[sflag:s8] =	ssyncset.s32 @!p0 $0xFFFFF086;
	s6 =	sadd.s32 @!p0 s3, s7;
	s7 =	simm.s32 @!p0 $0x108  }
0x21: {  	s3 =	sadd.s32 s3, s9;
	s6 =	sadd.s32 @!p0 $0x88, s6;
	s7 =	simm.s32 @p2 $0x1082  }
0x22: {  	[simem:s7], [sflag:s8] =	dma.local @!p0 [hbm:s6], $0xF7A  }
0x23: {  	s9 =	sor.u32 $0xD0000000, s2;
	s6 =	simm.s32 $0x108;
	_ =	swait.ge @!p0 [sflag:s8], $0x0  }
0x24: {  	s3 =	sadd.s32 $0x88, s3;
	s6 =	simm.s32 @!p1 $0x1082;
	[sflag:s4] =	ssyncset.s32 $0xFFFFF086  }
0x25: {  	[simem:s6], [sflag:s4] =	dma.local [hbm:s3], $0xF7A  }
0x26: {  	[smem:$0x3F9F] =	sst s1;
	(tag) =	ssettag s2;
	_ =	strace s9  }
0x27: {  	s1 =	sld [smem:$0x3FAF]  }
0x28: {  	s2 =	sld [smem:$0x3FB0]  }
0x29: {  	s4 =	sld [smem:$0x3FB2]  }
0x2a: {  	p0 =	seq.s32 s5, $0x0;
	s5 =	sld [smem:$0x3FB3]  }
0x2b: {  	s6 =	sld [smem:$0x3FB4]  }
0x2c: {  	s7 =	sld [smem:$0x3FB5]  }
0x2d: {  	s3 =	simm.s32 $0x108;
	s8 =	sld [smem:$0x3FB6]  }
0x2e: {  	s3 =	simm.s32 @!p0 $0x1082;
	s9 =	sld [smem:$0x3FB7]  }
0x2f: {  	lr =	sadd.s32 s0, s3;
	s0 =	sld [smem:$0x3FAE]  }
0x30: {  	s3 =	sld [smem:$0x3FB1]  }
0x31: {  	[smem:$0x3FBA] =	sst s10  }
0x32: {  	s10 =	sld [smem:$0x3FB8];
	_ =	sdelay $0x3  }
0x33: {  	p0 =	seq.s32 s10, $0x1;
	s10 =	sld [smem:$0x3FBA];
	_ =	sdelay $0x3  }
0x34: {  	[smem:$0x3FBA] =	sst s10  }
0x35: {  	s10 =	sld [smem:$0x3FB9];
	_ =	sdelay $0x3  }
0x36: {  	p1 =	seq.s32 s10, $0x1;
	s10 =	sld [smem:$0x3FBA];
	_ =	sdelay $0x3  }
0x37: {  	[smem:$0x3FBA] =	sst s10  }
0x38: {  	s10 =	sld [smem:$0x3FBB]  }
0x39: {  	_ = 	snop;
	(pc) =	sbr.ind lr, $3  }
0x3a: {  	_ = 	snop  }
0x3b: {  	_ = 	snop  }
0x3c: {  	p2 =	seq.s32 s10, $0x1;
	s10 =	sld [smem:$0x3FBA]  }
0x3d: {  	_ =	shalt  }
0x3e: {  	_ =	shalt  }
0x3f: {  	_ =	shalt  }
0x40: {  	_ =	shalt  }
0x41: {  	_ =	shalt  }
0x42: {  	_ =	shalt  }
0x43: {  	_ =	shalt  }
0x44: {  	_ =	shalt  }
0x45: {  	_ =	shalt  }
0x46: {  	_ =	shalt  }
0x47: {  	_ =	shalt  }
0x48: {  	_ =	shalt  }
0x49: {  	_ =	shalt  }
0x4a: {  	_ =	shalt  }
0x4b: {  	_ =	shalt  }
0x4c: {  	_ =	shalt  }
0x4d: {  	_ =	shalt  }
0x4e: {  	_ =	shalt  }
0x4f: {  	_ =	shalt  }
0x50: {  	_ =	shalt  }
0x51: {  	_ =	shalt  }
0x52: {  	_ =	shalt  }
0x53: {  	_ =	shalt  }
0x54: {  	_ =	shalt  }
0x55: {  	_ =	shalt  }
0x56: {  	_ =	shalt  }
0x57: {  	_ =	shalt  }
0x58: {  	_ =	shalt  }
0x59: {  	_ =	shalt  }
0x5a: {  	_ =	shalt  }
0x5b: {  	_ =	shalt  }
0x5c: {  	_ =	shalt  }
0x5d: {  	_ =	shalt  }
0x5e: {  	_ =	shalt  }
0x5f: {  	_ =	shalt  }
0x60: {  	_ =	shalt  }
0x61: {  	_ =	shalt  }
0x62: {  	_ =	shalt  }
0x63: {  	_ =	shalt  }
0x64: {  	_ =	shalt  }
0x65: {  	_ =	shalt  }
0x66: {  	_ =	shalt  }
0x67: {  	_ =	shalt  }
0x68: {  	_ =	shalt  }
0x69: {  	_ =	shalt  }
0x6a: {  	_ =	shalt  }
0x6b: {  	_ =	shalt  }
0x6c: {  	_ =	shalt  }
0x6d: {  	_ =	shalt  }
0x6e: {  	_ =	shalt  }
0x6f: {  	_ =	shalt  }
0x70: {  	_ =	shalt  }
0x71: {  	_ =	shalt  }
0x72: {  	_ =	shalt  }
0x73: {  	_ =	shalt  }
0x74: {  	_ =	shalt  }
0x75: {  	_ =	shalt  }
0x76: {  	_ =	shalt  }
0x77: {  	_ =	shalt  }
0x78: {  	_ =	shalt  }
0x79: {  	_ =	shalt  }
0x7a: {  	_ =	shalt  }
0x7b: {  	_ =	shalt  }
0x7c: {  	_ =	shalt  }
0x7d: {  	_ =	shalt  }
0x7e: {  	_ =	shalt  }
0x7f: {  	_ =	shalt  }
0x80: {  	_ =	shalt  }
0x81: {  	_ =	shalt  }
0x82: {  	_ =	shalt  }
0x83: {  	_ =	shalt  }
0x84: {  	_ =	shalt  }
0x85: {  	_ =	shalt  }
0x86: {  	_ =	shalt  }
0x87: {  	_ =	shalt  }
.Lfunc_end0:
.L_simem_size_0:
called_computation_lowered:
.L_overlay_start_0:
0x88: {  	s2 =	sld [smem:$0x3FD9]  }
0x89: {  	s3 =	sld [smem:$0x3FFE];
	_ =	sdelay $0x1  }
0x8a: {  	s1 =	srdreg.scid  }
0x8b: {  	s0 =	sand.u32 $0x1, s1  }
0x8c: {  	s16 =	sshll.u32 s0, $0xA;
	s2 =	sadd.s32 s3, s2  }
0x8d: {  	s2 =	sadd.s32 s2, s16  }
0x8e: {  	[smem:$0x3FC6] =	sst s2  }
0x8f: {  	_ = 	snop  }
0x90: {  	(tm) =	ssettm $0x1  }
0x91: {  	s17 =	sld [smem:$0x3FFB];
	_ =	sdelay $0x3  }
0x92: {  	_ =	strace s17  }
0x93: {  	s2 =	sld [smem:$0x3FFC];
	_ =	sdelay $0x3  }
0x94: {  	_ =	strace s2  }
0x95: {  	s2 =	sld [smem:$0x3FFD];
	_ =	sdelay $0x3  }
0x96: {  	_ =	strace s2  }
0x97: {  	_ =	strace $0x8FFFFFFF  }
0x98: {  	s18 =	sld [smem:$0x3FDB];
	_ =	sdelay $0x1  }
0x99: {  	s19 =	simm.s32 $_scs_section_size  }
0x9a: {  	s4 =	simm.s32 $_size__tile_overlayer_lowered;
	s5 =	simm.s32 $_tile_overlayer_lowered  }
0x9b: {  	s22 =	simm.s32 $0x1BFF;
	s21 =	sshll.u32 s5, $0x1;
	s2 =	sadd.s32 s19, s18  }
0x9c: {  	s6 =	simm.s32 $0x0;
	s20 =	sshll.u32 s4, $0x1;
	s4 =	sadd.s32 s21, s2  }
0x9d: {  	[timem:s6], [sflag:s22] =	dma.local [hbm:s4], s20  }
0x9e: {  	_ =	swait.ge [sflag:s22], s20  }
0x9f: {  	s3 =	ssub.s32 $0x0, s20;
	[sflag:s22] =	ssyncset.done $0x0  }
0xa0: {  	[sflag:s22] =	ssyncadd.s32 s3;
	_ =	sdelay $0x1  }
0xa1: {  	s23 =	simm.s32 $0x1B8B  }
0xa2: {  	_ =	swait.ge [sflag:s23], $0x1  }
0xa3: {  	[sflag:s23] =	ssyncset.done $0x0  }
0xa4: {  	s25 =	simm.s32 $0x1B8E;
	s24 =	sld [smem:$0x3FFE];
	[sflag:s23] =	ssyncadd.s32 $0xFFFFFFFF  }
0xa5: {  	s26 =	simm.s32 $execute0_lowered;
	[smem:$0x3FD2] =	sst s25  }
0xa6: {  	s4 =	sshll.u32 s26, $0x1;
	_ =	strace $0x80000049;
	[dreg:$0x1] =	wrdreg $0xFFFFFFFF  }
0xa7: {  	s28 =	simm.s32 $_size_execute0_lowered;
	s2 =	sadd.s32 s2, s4;
	[dreg:$0x0] =	wrdreg $0x0  }
0xa8: {  	s4 =	sshll.u32 s28, $0x1;
	[dreg:$0x2] =	wrdreg s2  }
0xa9: {  	[dreg:$0x3] =	wrdreg s4  }
0xaa: {  	[dreg:$0x4] =	wrdreg $0xC0  }
0xab: {  	_ =	task [dreg:s6], $0x5FFFF  }
0xac: {  	[dreg:$0x1] =	wrdreg $0xFFFFFFFF  }
0xad: {  	[dreg:$0x0] =	wrdreg $0x60  }
0xae: {  	[dreg:$0x2] =	wrdreg s24  }
0xaf: {  	[dreg:$0x3] =	wrdreg $0x9  }
0xb0: {  	_ =	task.clear_ibuf [dreg:s6], $0x4FFFF;
	_ =	strace $0x90000049  }
0xb1: {  	s29 =	simm.s32 $0x9;
	_ =	strace $0x8000004B  }
0xb2: {  	_ =	swait.ge [sflag:s29], $0x1  }
0xb3: {  	[sflag:s29] =	ssyncadd.s32 $0xFFFFFFFF  }
0xb4: {  	_ =	strace $0x9000004B  }
0xb5: {  	_ =	sfence  }
0xb6: {  	s30 =	sld [smem:$0x0];
	_ =	sdelay $0x2  }
0xb7: {  	s31 =	sshll.u32 s1, $0xD;
	s1 =	sshrl.u32 s1, $0x2  }
0xb8: {  	s3 =	sand.u32 $0x4000, s31;
	s1 =	sadd.s32 s1, s30  }
0xb9: {  	s0 =	sor.u32 s3, s0;
	s1 =	sshll.u32 s1, $0x11  }
0xba: {  	s0 =	sor.u32 s1, s0  }
0xbb: {  	s0 =	sadd.s32 $0x8F2B, s0  }
0xbc: {  	[sflag:s0] =	ssyncadd.remote.s32 $0x1  }
0xbd: {  	_ =	sfence.sel $0xFFFF  }
0xbe: {  	[dreg:$0x0] =	wrdreg $0xFFFFFFFF;
	(pc) =	sbr.abs _section_cstart, $3  }
0xbf: {  	[dreg:$0x1] =	wrdreg $0xFFFFFFFF  }
0xc0: {  	_ =	task.clear_ibuf [dreg:s6], $0x2FFFF;
	_ =	strace $0x9FFFFFFF  }
0xc1: {  	(tm) =	ssettm $0x7FFFFFFF  }
tec
execute0_lowered:
.L_overlay_start_1:
0x0: {  	(tag) =	ssettag $0x1  }
0x1: {  	s8 =	rddreg [dreg:$0x0];
	s1 =	stileid.u32  }
0x2: {  	s2 =	srdreg.scid;
	s0 =	rddreg [dreg:$0x1]  }
0x3: {  	_ =	strace $0x8000004A;
	s5 =	simm.s32 $0x1;
	s9 =	simm.s32 $0x1  }
0x4: {  	s10 =	simm.s32 $0x3;
	s2 =	sand.u32 $0x1, s2;
	s3 =	sshll.u32 s1, $0x1  }
0x5: {  	s13 =	simm.s32 $0x0;
	s12 =	simm.s32 $0x0;
	s6 =	sor.u32 s3, s2  }
0x6: {  	[sflag:s5] =	ssyncpa.u1 $0x0;
	s2 =	sadd.s32 $0x32800, s8;
	s4 =	smul.u32 $0x4E20, s6  }
0x7: {  	s3 =	sadd.s32 $0x7C000, s8;
	p0 =	slt.u32 s6, $0x9;
	s6 =	simm.s32 $0x9C400  }
.Ltmp0:
0x8: {  	s6 =	simm.s32 @!p0 $0x0;
	s7 =	ssub.s32 $0xC3500, s4;
	(pc) =	sbr.rel .LBB2_1-.Ltmp0, $4  }
0x9: {  	s9 =	simm.s32 @!p0 $0x0;
	p0 =	sne.s32 s7, s6;
	s7 =	simm.s32 $0x1  }
0xa: {  	s8 =	sadd.s32 $0x63800, s8;
	s6 =	simm.s32 $0x2;
	s7 =	simm.s32 @!p0 $0x0  }
0xb: {  	s11 =	smov.u32 s4;
	[sflag:s6] =	ssyncpa.u1 $0x0;
	s7 =	sadd.s32 s9, s7  }
0xc: {  	vm0 =	vmmov $0xffff;
	[sflag:s10] =	ssyncpa.u1 $0x0;
	s10 =	simm.s32 $0x0;
	s9 =	sadd.s32 $0x1, s7  }
.LBB2_4:
0xd: {  	v2 =	vnsel vm1, $0x0, v2  }
0xe: {  	vm1 =	vgt.s32 v0, $0x0;
	v2 =	vmin.u32 v2, $0xC34FF  }
0xf: {  	v0 =	vnsel vm1, $0x0, v0  }
0x10: {  	v0 =	vmin.u32 v0, $0xC34FF  }
0x11: {  	[tilespmem:s18], [sflag:$0x1] =	stream.indirect_vreg.gather [hbm4b:s2+s10], $0x1, v1, vm0, $0x4038;
	[tilespmem:$0x13880] =	vst v63  }
0x12: {  	(ifvalue) =	ssetifvalue $0x7FFFFFFF  }
0x13: {  	[tilespmem:s15], [sflag:$0x1] =	stream.indirect_vreg.gather [hbm4b:s2+s10], $0x1, v2, vm0, $0x4038;
	[tilespmem:$0x13880] =	vst v63  }
0x14: {  	s29 =	sadd.s32 $0x10, s15;
	(ifvalue) =	ssetifvalue $0x7FFFFFFF  }
0x15: {  	[tilespmem:s29], [sflag:$0x1] =	stream.indirect_vreg.gather [hbm4b:s2+s10], $0x1, v0, vm0, $0x4038;
	[tilespmem:$0x13880] =	vst v63  }
0x16: {  	_ =	swait.ge [sflag:s5], $0x4E20  }
0x17: {  	s30 =	sshrl.u32 s13, $0x3;
	[sflag:s5] =	ssyncset.done $0x0  }
0x18: {  	s31 =	sand.u32 $0x7, s13;
	s15 =	sadd.s32 s8, s30;
	[sflag:s5] =	ssyncadd.s32 $0xFFFFB1E0  }
0x19: {  	[hbm4b:s15+s31] =	stream.linear.scatter [tilespmem:s14], [sflag:$0x3], $0x4E20, $0x38;
	[tilespmem:$0x13880] =	vst v63  }
.LBB2_5:
0x1a: {  	s15 =	sadd.s32 $0x9C400, s11  }
0x1b: {  	p1 =	sgt.s32 s15, $0xC34FF  }
0x1c: {  	s15 =	smov.u32 @p1 s4;
	p1 =	sne.s32 s12, s9  }
.Ltmp1:
0x1d: {  	p0 =	slt.u32 s12, $0x2;
	(pc) =	sbr.rel @!p1 .LBB2_6-.Ltmp1, $4  }
0x1e: {  	s14 =	simm.s32 @!p0 $0x3  }
0x1f: {  	_ =	swait.ge @!p0 [sflag:s14], $0x4E20  }
0x20: {  	s16 =	sadd.s32 $0x1, s12;
	s13 =	smov.u32 s11;
	[sflag:s14] =	ssyncset.done @!p0 $0x0  }
0x21: {  	s12 =	smov.u32 s16;
	s11 =	smov.u32 s15;
	[sflag:s14] =	ssyncadd.s32 @!p0 $0xFFFFB1E0  }
.LBB2_1:
0x22: {  	p0 =	sge.u32 s12, s7  }
0x23: {  	s14 =	sxor.u32 @!p0 $0x1, s12  }
0x24: {  	s14 =	smul.u32 @!p0 $0x13880, s14  }
0x25: {  	s31 =	sadd.s32 $0xFFFFFFFF, s12;
	s15 =	sshrl.u32 @!p0 s11, $0x3  }
0x26: {  	s16 =	sand.u32 @!p0 $0x7, s11;
	s15 =	sadd.s32 @!p0 s3, s15;
	s14 =	sshra.s32 @!p0 s14, $0x2  }
0x27: {  	[tilespmem:s14], [sflag:$0x2] =	stream.linear.gather @!p0 [hbm4b:s15+s16], $0x4E20, $0x38;
	[tilespmem:$0x13880] =	vst v63  }
0x28: {  	p0 =	sge.u32 s31, s7  }
.Ltmp2:
0x29: {  	_ = 	snop;
	(pc) =	sbr.rel @p0 .LBB2_5-.Ltmp2, $1  }
0x2a: {  	_ =	sdelay $0x3  }
0x2b: {  	s14 =	sand.u32 $0x1, s12  }
0x2c: {  	_ =	swait.ge [sflag:s6], $0x4E20;
	p0 =	seq.s32 s14, $0x1;
	s14 =	simm.s32 $0x4E20  }
0x2d: {  	[sflag:s6] =	ssyncset.done $0x0;
	s14 =	simm.s32 @!p0 $0x0  }
0x2e: {  	[sflag:s6] =	ssyncadd.s32 $0xFFFFB1E0;
	(ifvalue) =	ssetifvalue $0x7FFFFFFF;
	v0 =	vld.msk [tilespmem:s14+$0x0 ss:$0x1], $0xffff;
	_ =	sdelay $0x4  }
0x2f: {  	s15 =	sadd.s32 $0x10, s14;
	vm1 =	vgt.s32 v0, $0x0  }
0x30: {  	v2 =	vld.msk [tilespmem:s15+$0x0 ss:$0x1], $0xffff;
	v1 =	vnsel vm1, $0x0, v0  }
0x31: {  	v1 =	vmin.u32 v1, $0xC34FF;
	_ =	sdelay $0x2  }
0x32: {  	s17 =	simm.s32 $0x20;
	s14 =	sadd.s32 $0x9C40, s14;
	s16 =	sadd.s32 $0x10, s15  }
0x33: {  	s15 =	sadd.s32 $0x10, s14;
	s18 =	smov.u32 s14;
	v0 =	vld.msk [tilespmem:s16+$0x0 ss:$0x1], $0xffff;
	vm1 =	vgt.s32 v2, $0x0;
	(ifvalue) =	ssetifvalue $0x7FFFFFFF  }
.LBB2_3:
0x34: {  	[tilespmem:s18], [sflag:$0x1] =	stream.indirect_vreg.gather [hbm4b:s2+s10], $0x1, v1, vm0, $0x4038;
	[tilespmem:$0x13880] =	vst v63  }
0x35: {  	s17 =	sadd.s32 $0x10, s17  }
0x36: {  	v2 =	vnsel vm1, $0x0, v2;
	p0 =	slt.u32 s17, $0x4E10  }
.Ltmp3:
0x37: {  	s18 =	smov.u32 s15;
	v1 =	vmin.u32 v2, $0xC34FF;
	(pc) =	sbr.rel @p0 .LBB2_3-.Ltmp3, $3  }
0x38: {  	_ =	sdelay $0x1  }
0x39: {  	s16 =	sadd.s32 $0x10, s16  }
0x3a: {  	vm1 =	vgt.s32 v0, $0x0;
	s15 =	sadd.s32 $0x10, s15;
	v2 =	vmov v0;
	(ifvalue) =	ssetifvalue $0x7FFFFFFF;
	v0 =	vld.msk [tilespmem:s16+$0x0 ss:$0x1], $0xffff  }
.Ltmp4:
0x3b: {  	_ = 	snop;
	(pc) =	sbr.rel .LBB2_4-.Ltmp4, $1  }
0x3c: {  	_ =	sdelay $0x3  }
.LBB2_6:
0x3d: {  	_ =	sfence.sel $0x180000  }
0x3e: {  	s2 =	simm.s32 $0x2;
	[bflag:$0x0] =	sbarrier.arrive $0xFFFF  }
0x3f: {  	s30 =	simm.s32 $0x3;
	[sflag:s2] =	ssyncpa.u1 $0x1  }
0x40: {  	s31 =	simm.s32 $0x1;
	[sflag:s30] =	ssyncpa.u1 $0x1  }
0x41: {  	[sflag:s31] =	ssyncpa.u1 $0x1  }
0x42: {  	p0 =	sne.s32 s1, $0x0;
	_ =	strace $0x9000004A  }
0x43: {  	s0 =	sadd.s32 @!p0 $0x100000, s0;
	[bflag:$0x2] =	sbarrier.arrive $0xFFFF  }
0x44: {  	[sflag:s0] =	ssyncadd.tile.s32 @!p0 $0x1;
	_ =	shalt  }
.Lfunc_end2:
_tile_overlayer_lowered:
.L_overlay_start_2:
0x45: {  	(tag) =	ssettag $0x2  }
0x46: {  	s0 =	rddreg [dreg:$0x0];
	s2 =	stileid.u32  }
0x47: {  	s1 =	rddreg [dreg:$0x1];
	p0 =	sne.s32 s2, $0x0  }
0x48: {  	s3 =	rddreg [dreg:$0x2];
	[bflag:$0x3] =	sbarrier.arrive $0xFFFF;
	s2 =	simm.s32 @!p0 $0x1C01  }
0x49: {  	[timem:s3], [sflag:s2] =	dma.local @!p0 [hbm:s0], s1  }
0x4a: {  	s0 =	simm.s32 @!p0 $0x1  }
0x4b: {  	_ =	swait.ge @!p0 [sflag:s0], s1  }
0x4c: {  	s1 =	ssub.s32 @!p0 $0x0, s1;
	[sflag:s0] =	ssyncset.done @!p0 $0x0  }
0x4d: {  	[sflag:s0] =	ssyncadd.s32 @!p0 s1  }
0x4e: {  	[bflag:$0x3] =	sbarrier.arrive $0xFFFF  }
0x4f: {  	_ =	shalt  }

// kernel: kernel.4.cloned.1.call-start
scs
__scs_entry_jumppad:
0x0: {  	(pc) =	sbr.rel $0x88, $3  }
0x1: {  	(tag) =	ssettag $0x0;
	lr =	simm.s32 $0x1  }
0x2: {  	[smem:$0x3F9F] =	sst lr;
	_ =	strace $0xD0000000  }
0x3: {  	_ = 	snop  }
0x4: {  	_ = 	snop  }
0x5: {  	_ = 	snop  }
0x6: {  	_ = 	snop  }
0x7: {  	_ = 	snop  }
__scs_overlays_trampoline_lowered:
0x8: {  	[smem:$0x3FAE] =	sst s0  }
0x9: {  	[smem:$0x3FAF] =	sst s1  }
0xa: {  	[smem:$0x3FB0] =	sst s2  }
0xb: {  	[smem:$0x3FB1] =	sst s3  }
0xc: {  	[smem:$0x3FB2] =	sst s4  }
0xd: {  	[smem:$0x3FB3] =	sst s5  }
0xe: {  	[smem:$0x3FB4] =	sst s6  }
0xf: {  	[smem:$0x3FB5] =	sst s7  }
0x10: {  	[smem:$0x3FB6] =	sst s8  }
0x11: {  	[smem:$0x3FB7] =	sst s9;
	s0 =	simm.s32 @!p0 $0x0  }
0x12: {  	s1 =	sld [smem:$0x3F9D];
	s0 =	simm.s32 @p0 $0x1  }
0x13: {  	[smem:$0x3FB8] =	sst s0;
	s0 =	simm.s32 @!p1 $0x0  }
0x14: {  	s2 =	sld [smem:$0x3F9C];
	s0 =	simm.s32 @p1 $0x1  }
0x15: {  	[smem:$0x3FB9] =	sst s0;
	s0 =	simm.s32 @!p2 $0x0  }
0x16: {  	s3 =	sld [smem:$0x3FDB];
	s0 =	simm.s32 @p2 $0x1  }
0x17: {  	s4 =	simm.s32 $0x1BF5;
	[smem:$0x3FBB] =	sst s0  }
0x18: {  	s0 =	sld [smem:$0x3F9E];
	_ =	swait.ge [sflag:s4], $0x0  }
0x19: {  	s7 =	sld [smem:$0x3F9F]  }
0x1a: {  	s8 =	sadd.s32 $0xFFFFE003, lr  }
0x1b: {  	s9 =	sadd.s32 $0xFFFFFEF7, lr;
	s5 =	simm.s32 $0xFFFFFFFF;
	p2 =	slt.u32 s8, $0xFFFFF086  }
0x1c: {  	p1 =	slt.u32 s9, $0xF7A;
	s5 =	simm.s32 @!p2 $0x0  }
0x1d: {  	s5 =	simm.s32 @p1 $0x1;
	p0 =	seq.s32 s7, s2  }
0x1e: {  	s7 =	smul.u32 @!p0 $0xF7A, s2;
	p2 =	seq.s32 @!p0 s5, $0x0  }
0x1f: {  	s9 =	smul.u32 $0xF7A, s1;
	s8 =	simm.s32 @!p0 $0x1BF5;
	p2 =	por !p2, p0  }
0x20: {  	[sflag:s8] =	ssyncset.s32 @!p0 $0xFFFFF086;
	s6 =	sadd.s32 @!p0 s3, s7;
	s7 =	simm.s32 @!p0 $0x108  }
0x21: {  	s3 =	sadd.s32 s3, s9;
	s6 =	sadd.s32 @!p0 $0x88, s6;
	s7 =	simm.s32 @p2 $0x1082  }
0x22: {  	[simem:s7], [sflag:s8] =	dma.local @!p0 [hbm:s6], $0xF7A  }
0x23: {  	s9 =	sor.u32 $0xD0000000, s2;
	s6 =	simm.s32 $0x108;
	_ =	swait.ge @!p0 [sflag:s8], $0x0  }
0x24: {  	s3 =	sadd.s32 $0x88, s3;
	s6 =	simm.s32 @!p1 $0x1082;
	[sflag:s4] =	ssyncset.s32 $0xFFFFF086  }
0x25: {  	[simem:s6], [sflag:s4] =	dma.local [hbm:s3], $0xF7A  }
0x26: {  	[smem:$0x3F9F] =	sst s1;
	(tag) =	ssettag s2;
	_ =	strace s9  }
0x27: {  	s1 =	sld [smem:$0x3FAF]  }
0x28: {  	s2 =	sld [smem:$0x3FB0]  }
0x29: {  	s4 =	sld [smem:$0x3FB2]  }
0x2a: {  	p0 =	seq.s32 s5, $0x0;
	s5 =	sld [smem:$0x3FB3]  }
0x2b: {  	s6 =	sld [smem:$0x3FB4]  }
0x2c: {  	s7 =	sld [smem:$0x3FB5]  }
0x2d: {  	s3 =	simm.s32 $0x108;
	s8 =	sld [smem:$0x3FB6]  }
0x2e: {  	s3 =	simm.s32 @!p0 $0x1082;
	s9 =	sld [smem:$0x3FB7]  }
0x2f: {  	lr =	sadd.s32 s0, s3;
	s0 =	sld [smem:$0x3FAE]  }
0x30: {  	s3 =	sld [smem:$0x3FB1]  }
0x31: {  	[smem:$0x3FBA] =	sst s10  }
0x32: {  	s10 =	sld [smem:$0x3FB8];
	_ =	sdelay $0x3  }
0x33: {  	p0 =	seq.s32 s10, $0x1;
	s10 =	sld [smem:$0x3FBA];
	_ =	sdelay $0x3  }
0x34: {  	[smem:$0x3FBA] =	sst s10  }
0x35: {  	s10 =	sld [smem:$0x3FB9];
	_ =	sdelay $0x3  }
0x36: {  	p1 =	seq.s32 s10, $0x1;
	s10 =	sld [smem:$0x3FBA];
	_ =	sdelay $0x3  }
0x37: {  	[smem:$0x3FBA] =	sst s10  }
0x38: {  	s10 =	sld [smem:$0x3FBB]  }
0x39: {  	_ = 	snop;
	(pc) =	sbr.ind lr, $3  }
0x3a: {  	_ = 	snop  }
0x3b: {  	_ = 	snop  }
0x3c: {  	p2 =	seq.s32 s10, $0x1;
	s10 =	sld [smem:$0x3FBA]  }
0x3d: {  	_ =	shalt  }
0x3e: {  	_ =	shalt  }
0x3f: {  	_ =	shalt  }
0x40: {  	_ =	shalt  }
0x41: {  	_ =	shalt  }
0x42: {  	_ =	shalt  }
0x43: {  	_ =	shalt  }
0x44: {  	_ =	shalt  }
0x45: {  	_ =	shalt  }
0x46: {  	_ =	shalt  }
0x47: {  	_ =	shalt  }
0x48: {  	_ =	shalt  }
0x49: {  	_ =	shalt  }
0x4a: {  	_ =	shalt  }
0x4b: {  	_ =	shalt  }
0x4c: {  	_ =	shalt  }
0x4d: {  	_ =	shalt  }
0x4e: {  	_ =	shalt  }
0x4f: {  	_ =	shalt  }
0x50: {  	_ =	shalt  }
0x51: {  	_ =	shalt  }
0x52: {  	_ =	shalt  }
0x53: {  	_ =	shalt  }
0x54: {  	_ =	shalt  }
0x55: {  	_ =	shalt  }
0x56: {  	_ =	shalt  }
0x57: {  	_ =	shalt  }
0x58: {  	_ =	shalt  }
0x59: {  	_ =	shalt  }
0x5a: {  	_ =	shalt  }
0x5b: {  	_ =	shalt  }
0x5c: {  	_ =	shalt  }
0x5d: {  	_ =	shalt  }
0x5e: {  	_ =	shalt  }
0x5f: {  	_ =	shalt  }
0x60: {  	_ =	shalt  }
0x61: {  	_ =	shalt  }
0x62: {  	_ =	shalt  }
0x63: {  	_ =	shalt  }
0x64: {  	_ =	shalt  }
0x65: {  	_ =	shalt  }
0x66: {  	_ =	shalt  }
0x67: {  	_ =	shalt  }
0x68: {  	_ =	shalt  }
0x69: {  	_ =	shalt  }
0x6a: {  	_ =	shalt  }
0x6b: {  	_ =	shalt  }
0x6c: {  	_ =	shalt  }
0x6d: {  	_ =	shalt  }
0x6e: {  	_ =	shalt  }
0x6f: {  	_ =	shalt  }
0x70: {  	_ =	shalt  }
0x71: {  	_ =	shalt  }
0x72: {  	_ =	shalt  }
0x73: {  	_ =	shalt  }
0x74: {  	_ =	shalt  }
0x75: {  	_ =	shalt  }
0x76: {  	_ =	shalt  }
0x77: {  	_ =	shalt  }
0x78: {  	_ =	shalt  }
0x79: {  	_ =	shalt  }
0x7a: {  	_ =	shalt  }
0x7b: {  	_ =	shalt  }
0x7c: {  	_ =	shalt  }
0x7d: {  	_ =	shalt  }
0x7e: {  	_ =	shalt  }
0x7f: {  	_ =	shalt  }
0x80: {  	_ =	shalt  }
0x81: {  	_ =	shalt  }
0x82: {  	_ =	shalt  }
0x83: {  	_ =	shalt  }
0x84: {  	_ =	shalt  }
0x85: {  	_ =	shalt  }
0x86: {  	_ =	shalt  }
0x87: {  	_ =	shalt  }
.Lfunc_end0:
.L_simem_size_0:
called_computation.5_lowered:
.L_overlay_start_0:
0x88: {  	s2 =	sld [smem:$0x3FD9]  }
0x89: {  	s3 =	sld [smem:$0x3FFE];
	_ =	sdelay $0x1  }
0x8a: {  	s1 =	srdreg.scid  }
0x8b: {  	s0 =	sand.u32 $0x1, s1  }
0x8c: {  	s16 =	sshll.u32 s0, $0xA;
	s2 =	sadd.s32 s3, s2  }
0x8d: {  	s2 =	sadd.s32 s2, s16  }
0x8e: {  	[smem:$0x3FC6] =	sst s2  }
0x8f: {  	_ = 	snop  }
0x90: {  	(tm) =	ssettm $0x1  }
0x91: {  	s17 =	sld [smem:$0x3FFB];
	_ =	sdelay $0x3  }
0x92: {  	_ =	strace s17  }
0x93: {  	s2 =	sld [smem:$0x3FFC];
	_ =	sdelay $0x3  }
0x94: {  	_ =	strace s2  }
0x95: {  	s2 =	sld [smem:$0x3FFD];
	_ =	sdelay $0x3  }
0x96: {  	_ =	strace s2  }
0x97: {  	_ =	strace $0x8FFFFFFF  }
0x98: {  	s18 =	sld [smem:$0x3FDB];
	_ =	sdelay $0x1  }
0x99: {  	s19 =	simm.s32 $_scs_section_size  }
0x9a: {  	s4 =	simm.s32 $_size__tile_overlayer_lowered;
	s5 =	simm.s32 $_tile_overlayer_lowered  }
0x9b: {  	s22 =	simm.s32 $0x1BFF;
	s21 =	sshll.u32 s5, $0x1;
	s2 =	sadd.s32 s19, s18  }
0x9c: {  	s6 =	simm.s32 $0x0;
	s20 =	sshll.u32 s4, $0x1;
	s4 =	sadd.s32 s21, s2  }
0x9d: {  	[timem:s6], [sflag:s22] =	dma.local [hbm:s4], s20  }
0x9e: {  	_ =	swait.ge [sflag:s22], s20  }
0x9f: {  	s3 =	ssub.s32 $0x0, s20;
	[sflag:s22] =	ssyncset.done $0x0  }
0xa0: {  	[sflag:s22] =	ssyncadd.s32 s3;
	_ =	sdelay $0x1  }
0xa1: {  	s23 =	simm.s32 $0x1B8B  }
0xa2: {  	_ =	swait.ge [sflag:s23], $0x1  }
0xa3: {  	[sflag:s23] =	ssyncset.done $0x0  }
0xa4: {  	s25 =	simm.s32 $0x1B8E;
	s24 =	sld [smem:$0x3FFE];
	[sflag:s23] =	ssyncadd.s32 $0xFFFFFFFF  }
0xa5: {  	s26 =	simm.s32 $execute0_lowered;
	[smem:$0x3FD2] =	sst s25  }
0xa6: {  	s4 =	sshll.u32 s26, $0x1;
	_ =	strace $0x80000055;
	[dreg:$0x1] =	wrdreg $0xFFFFFFFF  }
0xa7: {  	s28 =	simm.s32 $_size_execute0_lowered;
	s2 =	sadd.s32 s2, s4;
	[dreg:$0x0] =	wrdreg $0x0  }
0xa8: {  	s4 =	sshll.u32 s28, $0x1;
	[dreg:$0x2] =	wrdreg s2  }
0xa9: {  	[dreg:$0x3] =	wrdreg s4  }
0xaa: {  	[dreg:$0x4] =	wrdreg $0xC0  }
0xab: {  	_ =	task [dreg:s6], $0x5FFFF  }
0xac: {  	[dreg:$0x1] =	wrdreg $0xFFFFFFFF  }
0xad: {  	[dreg:$0x0] =	wrdreg $0x60  }
0xae: {  	[dreg:$0x2] =	wrdreg s24  }
0xaf: {  	[dreg:$0x3] =	wrdreg $0x9  }
0xb0: {  	_ =	task.clear_ibuf [dreg:s6], $0x4FFFF;
	_ =	strace $0x90000055  }
0xb1: {  	s29 =	simm.s32 $0x9;
	_ =	strace $0x80000057  }
0xb2: {  	_ =	swait.ge [sflag:s29], $0x1  }
0xb3: {  	[sflag:s29] =	ssyncadd.s32 $0xFFFFFFFF  }
0xb4: {  	_ =	strace $0x90000057  }
0xb5: {  	_ =	sfence  }
0xb6: {  	s30 =	sld [smem:$0x0];
	_ =	sdelay $0x2  }
0xb7: {  	s31 =	sshll.u32 s1, $0xD;
	s1 =	sshrl.u32 s1, $0x2  }
0xb8: {  	s3 =	sand.u32 $0x4000, s31;
	s1 =	sadd.s32 s1, s30  }
0xb9: {  	s0 =	sor.u32 s3, s0;
	s1 =	sshll.u32 s1, $0x11  }
0xba: {  	s0 =	sor.u32 s1, s0  }
0xbb: {  	s0 =	sadd.s32 $0x8F2B, s0  }
0xbc: {  	[sflag:s0] =	ssyncadd.remote.s32 $0x1  }
0xbd: {  	_ =	sfence.sel $0xFFFF  }
0xbe: {  	[dreg:$0x0] =	wrdreg $0xFFFFFFFF;
	(pc) =	sbr.abs _section_cstart, $3  }
0xbf: {  	[dreg:$0x1] =	wrdreg $0xFFFFFFFF  }
0xc0: {  	_ =	task.clear_ibuf [dreg:s6], $0x2FFFF;
	_ =	strace $0x9FFFFFFF  }
0xc1: {  	(tm) =	ssettm $0x7FFFFFFF  }
tec
execute0_lowered:
.L_overlay_start_1:
0x0: {  	(tag) =	ssettag $0x1  }
0x1: {  	s0 =	rddreg [dreg:$0x0];
	s1 =	srdreg.scid  }
0x2: {  	s4 =	simm.s32 $0x0;
	s3 =	stileid.u32;
	s9 =	simm.s32 $0x2  }
0x3: {  	s10 =	simm.s32 $0x400;
	s11 =	simm.s32 $0x80;
	s12 =	simm.s32 $0x800  }
0x4: {  	s13 =	simm.s32 $0x1800;
	s14 =	simm.s32 $0x100;
	s15 =	simm.s32 $0x2800  }
0x5: {  	s16 =	simm.s32 $0x180;
	s17 =	simm.s32 $0x3800;
	s18 =	simm.s32 $0x200  }
0x6: {  	s19 =	simm.s32 $0x4800;
	s20 =	simm.s32 $0x280;
	s21 =	simm.s32 $0x5800  }
0x7: {  	s22 =	simm.s32 $0x300;
	s23 =	simm.s32 $0x6800;
	s1 =	sand.u32 $0x1, s1  }
0x8: {  	s24 =	simm.s32 $0x380;
	s25 =	simm.s32 $0x7800;
	s2 =	sshll.u32 s1, $0x4  }
0x9: {  	s26 =	simm.s32 $0x1;
	s29 =	simm.s32 $0x0;
	s2 =	sor.u32 s3, s2  }
0xa: {  	s30 =	simm.s32 $0x0;
	[smem:$0x7FF] =	sst s4;
	s6 =	smul.u32 $0x1880, s2  }
0xb: {  	s4 =	sadd.s32 $0x32800, s0;
	s5 =	sadd.s32 $0x52800, s0;
	s1 =	ssub.s32 $0x2, s1  }
0xc: {  	s3 =	sadd.s32 $0x1A00, s0;
	s31 =	sshrl.u32 s1, $0x1;
	s0 =	sadd.s32 s6, s0  }
0xd: {  	_ =	strace $0x80000056;
	s1 =	ssub.s32 s1, s31;
	s0 =	sadd.s32 $0x72800, s0  }
0xe: {  	v0 =	vimm.f32 $0.0e+00;
	s8 =	smax.u32 s1, $0x1;
	s6 =	sshll.u32 s2, $0xC;
	[dreg:$0x2] =	wrdreg s0  }
.LBB2_1:
0xf: {  	s0 =	simm.s32 $0x80;
	s1 =	simm.s32 $0x0  }
.LBB2_2:
0x10: {  	p0 =	sne.s32 s0, $0x31380;
	[tilespmem:s1+$0x8800] =	vst v0;
	s2 =	smov.u32 s0;
	s0 =	sadd.s32 $0x80, s0  }
.Ltmp0:
0x11: {  	[tilespmem:s1+$0x8810] =	vst v0;
	(pc) =	sbr.rel @p0 .LBB2_2-.Ltmp0, $2  }
0x12: {  	_ =	sdelay $0x2  }
0x13: {  	s1 =	sshra.s32 s2, $0x2  }
0x14: {  	[tilespmem:s1+$0x8800] =	vst v0  }
0x15: {  	[tilespmem:s1+$0x8810] =	vst v0;
	s31 =	simm.s32 $0x0  }
.LBB2_4:
0x16: {  	s0 =	sshll.u32 s31, $0x7  }
0x17: {  	s0 =	sadd.s32 s6, s0  }
0x18: {  	s1 =	sadd.s32 s4, s0  }
0x19: {  	[tilespmem:s30], [sflag:$0x2] =	stream.linear.gather [hbm4b:s1+s30], $0x400, $0x38;
	[tilespmem:$0x14D00] =	vst v63  }
0x1a: {  	_ =	swait.ge [sflag:s9], $0x400  }
0x1b: {  	[sflag:s9] =	ssyncset.done $0x0  }
0x1c: {  	s0 =	sadd.s32 s5, s0;
	[sflag:s9] =	ssyncadd.s32 $0xFFFFFC00  }
0x1d: {  	[tilespmem:s10], [sflag:$0x2] =	stream.linear.gather [hbm4b:s0+s30], $0x400, $0x38;
	[tilespmem:$0x14D00] =	vst v63  }
0x1e: {  	_ =	swait.ge [sflag:s9], $0x400  }
0x1f: {  	[sflag:s9] =	ssyncset.done $0x0  }
0x20: {  	[sflag:s9] =	ssyncadd.s32 $0xFFFFFC00  }
0x21: {  	[tilespmem:s12], [sflag:$0x1] =	stream.indirect.gather [hbm4b:s3+s11], $0x20, s30, s11, $0xb8;
	[tilespmem:$0x14D00] =	vst v63  }
0x22: {  	_ = 	snop  }
0x23: {  	[tilespmem:s13], [sflag:$0x1] =	stream.indirect.gather [hbm4b:s3+s11], $0x20, s11, s11, $0xb8;
	[tilespmem:$0x14D00] =	vst v63  }
0x24: {  	_ = 	snop  }
0x25: {  	[tilespmem:s15], [sflag:$0x1] =	stream.indirect.gather [hbm4b:s3+s11], $0x20, s14, s11, $0xb8;
	[tilespmem:$0x14D00] =	vst v63  }
0x26: {  	_ = 	snop  }
0x27: {  	[tilespmem:s17], [sflag:$0x1] =	stream.indirect.gather [hbm4b:s3+s11], $0x20, s16, s11, $0xb8;
	[tilespmem:$0x14D00] =	vst v63  }
0x28: {  	_ = 	snop  }
0x29: {  	[tilespmem:s19], [sflag:$0x1] =	stream.indirect.gather [hbm4b:s3+s11], $0x20, s18, s11, $0xb8;
	[tilespmem:$0x14D00] =	vst v63  }
0x2a: {  	_ = 	snop  }
0x2b: {  	[tilespmem:s21], [sflag:$0x1] =	stream.indirect.gather [hbm4b:s3+s11], $0x20, s20, s11, $0xb8;
	[tilespmem:$0x14D00] =	vst v63  }
0x2c: {  	_ = 	snop  }
0x2d: {  	[tilespmem:s23], [sflag:$0x1] =	stream.indirect.gather [hbm4b:s3+s11], $0x20, s22, s11, $0xb8;
	[tilespmem:$0x14D00] =	vst v63  }
0x2e: {  	_ = 	snop  }
0x2f: {  	[tilespmem:s25], [sflag:$0x1] =	stream.indirect.gather [hbm4b:s3+s11], $0x20, s24, s11, $0xb8;
	[tilespmem:$0x14D00] =	vst v63  }
0x30: {  	_ =	swait.ge [sflag:s26], $0x1000  }
0x31: {  	[sflag:s26] =	ssyncset.done $0x0  }
0x32: {  	[sflag:s26] =	ssyncadd.s32 $0xFFFFF000  }
0x33: {  	_ =	swait.ge [sflag:s26], $0x1000  }
0x34: {  	[sflag:s26] =	ssyncset.done $0x0  }
0x35: {  	[sflag:s26] =	ssyncadd.s32 $0xFFFFF000  }
0x36: {  	_ =	swait.ge [sflag:s26], $0x1000  }
0x37: {  	[sflag:s26] =	ssyncset.done $0x0  }
0x38: {  	[sflag:s26] =	ssyncadd.s32 $0xFFFFF000  }
0x39: {  	_ =	swait.ge [sflag:s26], $0x1000  }
0x3a: {  	[sflag:s26] =	ssyncset.done $0x0  }
0x3b: {  	[sflag:s26] =	ssyncadd.s32 $0xFFFFF000  }
0x3c: {  	_ =	swait.ge [sflag:s26], $0x1000  }
0x3d: {  	[sflag:s26] =	ssyncset.done $0x0  }
0x3e: {  	[sflag:s26] =	ssyncadd.s32 $0xFFFFF000  }
0x3f: {  	_ =	swait.ge [sflag:s26], $0x1000  }
0x40: {  	[sflag:s26] =	ssyncset.done $0x0  }
0x41: {  	[sflag:s26] =	ssyncadd.s32 $0xFFFFF000  }
0x42: {  	_ =	swait.ge [sflag:s26], $0x1000  }
0x43: {  	[sflag:s26] =	ssyncset.done $0x0  }
0x44: {  	[sflag:s26] =	ssyncadd.s32 $0xFFFFF000  }
0x45: {  	_ =	swait.ge [sflag:s26], $0x1000  }
0x46: {  	[sflag:s26] =	ssyncset.done $0x0  }
0x47: {  	s2 =	simm.s32 $0x0;
	[sflag:s26] =	ssyncadd.s32 $0xFFFFF000  }
0x48: {  	v1 =	vld [tilespmem:s2+$0x400];
	_ =	sdelay $0x4  }
0x49: {  	v1 =	vshll.u32 v1, $0x7  }
0x4a: {  	v1 =	vshra.s32 v1, $0x2  }
0x4b: {  	(v2sf) =	vpush v1, $0x0;
	_ =	sdelay $0xd  }
0x4c: {  	s0 =	simm.s32 $0x900  }
0x4d: {  	v2 =	vld [tilespmem:s0+$0xFFFFFF00];
	s7 =	spop (v2sf)  }
0x4e: {  	(v2sf) =	vpush v1, $0x1;
	v3 =	vld [tilespmem:s7+$0x8800];
	_ =	sdelay $0x4  }
0x4f: {  	v2 =	vadd.f32 v2, v3;
	_ =	sdelay $0x1  }
0x50: {  	[tilespmem:s7+$0x8800] =	vst v2;
	v2 =	vld [tilespmem:s7+$0x8810]  }
0x51: {  	v3 =	vld [tilespmem:s0+$0xFFFFFF10];
	_ =	sdelay $0x4  }
0x52: {  	v2 =	vadd.f32 v3, v2;
	_ =	sdelay $0x1  }
0x53: {  	s28 =	spop (v2sf);
	[tilespmem:s7+$0x8810] =	vst v2  }
0x54: {  	v2 =	vld [tilespmem:s28+$0x8800]  }
0x55: {  	(v2sf) =	vpush v1, $0x2;
	v3 =	vld [tilespmem:s0+$0xFFFFFF20];
	_ =	sdelay $0x4  }
0x56: {  	v2 =	vadd.f32 v3, v2;
	_ =	sdelay $0x1  }
0x57: {  	[tilespmem:s28+$0x8800] =	vst v2;
	v2 =	vld [tilespmem:s28+$0x8810]  }
0x58: {  	v3 =	vld [tilespmem:s0+$0xFFFFFF30];
	_ =	sdelay $0x4  }
0x59: {  	v2 =	vadd.f32 v3, v2;
	_ =	sdelay $0x1  }
0x5a: {  	s2 =	spop (v2sf);
	[tilespmem:s28+$0x8810] =	vst v2  }
0x5b: {  	v2 =	vld [tilespmem:s2+$0x8800]  }
0x5c: {  	(v2sf) =	vpush v1, $0x3;
	v3 =	vld [tilespmem:s0+$0xFFFFFF40];
	_ =	sdelay $0x4  }
0x5d: {  	v2 =	vadd.f32 v3, v2;
	_ =	sdelay $0x1  }
0x5e: {  	v3 =	vld [tilespmem:s2+$0x8810];
	[tilespmem:s2+$0x8800] =	vst v2  }
0x5f: {  	v2 =	vld [tilespmem:s0+$0xFFFFFF50];
	_ =	sdelay $0x4  }
0x60: {  	v2 =	vadd.f32 v2, v3;
	_ =	sdelay $0x1  }
0x61: {  	s7 =	spop (v2sf);
	[tilespmem:s2+$0x8810] =	vst v2  }
0x62: {  	v2 =	vld [tilespmem:s7+$0x8800]  }
0x63: {  	(v2sf) =	vpush v1, $0x4;
	v3 =	vld [tilespmem:s0+$0xFFFFFF60];
	_ =	sdelay $0x4  }
0x64: {  	v2 =	vadd.f32 v3, v2;
	_ =	sdelay $0x1  }
0x65: {  	[tilespmem:s7+$0x8800] =	vst v2;
	v2 =	vld [tilespmem:s7+$0x8810]  }
0x66: {  	v3 =	vld [tilespmem:s0+$0xFFFFFF70];
	_ =	sdelay $0x4  }
0x67: {  	v2 =	vadd.f32 v3, v2;
	_ =	sdelay $0x1  }
0x68: {  	s28 =	spop (v2sf);
	[tilespmem:s7+$0x8810] =	vst v2  }
0x69: {  	v2 =	vld [tilespmem:s28+$0x8800]  }
0x6a: {  	(v2sf) =	vpush v1, $0x5;
	v3 =	vld [tilespmem:s0+$0xFFFFFF80];
	_ =	sdelay $0x4  }
0x6b: {  	v2 =	vadd.f32 v3, v2;
	_ =	sdelay $0x1  }
0x6c: {  	[tilespmem:s28+$0x8800] =	vst v2;
	v2 =	vld [tilespmem:s28+$0x8810]  }
0x6d: {  	v3 =	vld [tilespmem:s0+$0xFFFFFF90];
	_ =	sdelay $0x4  }
0x6e: {  	v2 =	vadd.f32 v3, v2;
	_ =	sdelay $0x1  }
0x6f: {  	s2 =	spop (v2sf);
	[tilespmem:s28+$0x8810] =	vst v2  }
0x70: {  	v2 =	vld [tilespmem:s2+$0x8800]  }
0x71: {  	(v2sf) =	vpush v1, $0x6;
	v3 =	vld [tilespmem:s0+$0xFFFFFFA0];
	_ =	sdelay $0x4  }
0x72: {  	v2 =	vadd.f32 v3, v2;
	_ =	sdelay $0x1  }
0x73: {  	[tilespmem:s2+$0x8800] =	vst v2;
	v2 =	vld [tilespmem:s2+$0x8810]  }
0x74: {  	v3 =	vld [tilespmem:s0+$0xFFFFFFB0];
	_ =	sdelay $0x4  }
0x75: {  	v2 =	vadd.f32 v3, v2;
	_ =	sdelay $0x1  }
0x76: {  	s7 =	spop (v2sf);
	[tilespmem:s2+$0x8810] =	vst v2  }
0x77: {  	v2 =	vld [tilespmem:s7+$0x8800]  }
0x78: {  	(v2sf) =	vpush v1, $0x7;
	v3 =	vld [tilespmem:s0+$0xFFFFFFC0];
	_ =	sdelay $0x4  }
0x79: {  	v2 =	vadd.f32 v3, v2;
	_ =	sdelay $0x1  }
0x7a: {  	[tilespmem:s7+$0x8800] =	vst v2;
	v2 =	vld [tilespmem:s7+$0x8810]  }
0x7b: {  	v3 =	vld [tilespmem:s0+$0xFFFFFFD0];
	_ =	sdelay $0x4  }
0x7c: {  	v2 =	vadd.f32 v3, v2;
	_ =	sdelay $0x1  }
0x7d: {  	s28 =	spop (v2sf);
	[tilespmem:s7+$0x8810] =	vst v2  }
0x7e: {  	v2 =	vld [tilespmem:s28+$0x8800]  }
0x7f: {  	(v2sf) =	vpush v1, $0x8;
	v3 =	vld [tilespmem:s0+$0xFFFFFFE0];
	_ =	sdelay $0x4  }
0x80: {  	v2 =	vadd.f32 v3, v2;
	_ =	sdelay $0x1  }
0x81: {  	[tilespmem:s28+$0x8800] =	vst v2;
	v2 =	vld [tilespmem:s28+$0x8810]  }
0x82: {  	v3 =	vld [tilespmem:s0+$0xFFFFFFF0];
	_ =	sdelay $0x4  }
0x83: {  	v2 =	vadd.f32 v3, v2;
	_ =	sdelay $0x1  }
0x84: {  	s2 =	spop (v2sf);
	[tilespmem:s28+$0x8810] =	vst v2  }
0x85: {  	v2 =	vld [tilespmem:s2+$0x8800]  }
0x86: {  	(v2sf) =	vpush v1, $0x9;
	v3 =	vld [tilespmem:s0+$0x0];
	_ =	sdelay $0x4  }
0x87: {  	v2 =	vadd.f32 v3, v2;
	_ =	sdelay $0x1  }
0x88: {  	[tilespmem:s2+$0x8800] =	vst v2;
	v2 =	vld [tilespmem:s2+$0x8810]  }
0x89: {  	v3 =	vld [tilespmem:s0+$0x10];
	_ =	sdelay $0x4  }
0x8a: {  	v2 =	vadd.f32 v3, v2;
	_ =	sdelay $0x1  }
0x8b: {  	s7 =	spop (v2sf);
	[tilespmem:s2+$0x8810] =	vst v2  }
0x8c: {  	v2 =	vld [tilespmem:s7+$0x8800]  }
0x8d: {  	(v2sf) =	vpush v1, $0xA;
	v3 =	vld [tilespmem:s0+$0x20];
	_ =	sdelay $0x4  }
0x8e: {  	v2 =	vadd.f32 v3, v2;
	_ =	sdelay $0x1  }
0x8f: {  	v3 =	vld [tilespmem:s7+$0x8810];
	[tilespmem:s7+$0x8800] =	vst v2  }
0x90: {  	v2 =	vld [tilespmem:s0+$0x30];
	_ =	sdelay $0x4  }
0x91: {  	v2 =	vadd.f32 v2, v3;
	_ =	sdelay $0x1  }
0x92: {  	s28 =	spop (v2sf);
	[tilespmem:s7+$0x8810] =	vst v2  }
0x93: {  	v2 =	vld [tilespmem:s28+$0x8800]  }
0x94: {  	(v2sf) =	vpush v1, $0xB;
	v3 =	vld [tilespmem:s0+$0x40];
	_ =	sdelay $0x4  }
0x95: {  	v2 =	vadd.f32 v3, v2;
	_ =	sdelay $0x1  }
0x96: {  	v3 =	vld [tilespmem:s28+$0x8810];
	[tilespmem:s28+$0x8800] =	vst v2  }
0x97: {  	v2 =	vld [tilespmem:s0+$0x50];
	_ =	sdelay $0x4  }
0x98: {  	v2 =	vadd.f32 v2, v3;
	_ =	sdelay $0x1  }
0x99: {  	s2 =	spop (v2sf);
	[tilespmem:s28+$0x8810] =	vst v2  }
0x9a: {  	v2 =	vld [tilespmem:s2+$0x8800]  }
0x9b: {  	(v2sf) =	vpush v1, $0xC;
	v3 =	vld [tilespmem:s0+$0x60];
	_ =	sdelay $0x4  }
0x9c: {  	v2 =	vadd.f32 v3, v2;
	_ =	sdelay $0x1  }
0x9d: {  	v3 =	vld [tilespmem:s2+$0x8810];
	[tilespmem:s2+$0x8800] =	vst v2  }
0x9e: {  	v2 =	vld [tilespmem:s0+$0x70];
	_ =	sdelay $0x4  }
0x9f: {  	v2 =	vadd.f32 v2, v3;
	_ =	sdelay $0x1  }
0xa0: {  	s7 =	spop (v2sf);
	[tilespmem:s2+$0x8810] =	vst v2  }
0xa1: {  	v2 =	vld [tilespmem:s7+$0x8800]  }
0xa2: {  	(v2sf) =	vpush v1, $0xD;
	v3 =	vld [tilespmem:s0+$0x80];
	_ =	sdelay $0x4  }
0xa3: {  	v2 =	vadd.f32 v3, v2;
	_ =	sdelay $0x1  }
0xa4: {  	v3 =	vld [tilespmem:s7+$0x8810];
	[tilespmem:s7+$0x8800] =	vst v2  }
0xa5: {  	v2 =	vld [tilespmem:s0+$0x90];
	_ =	sdelay $0x4  }
0xa6: {  	v2 =	vadd.f32 v2, v3;
	_ =	sdelay $0x1  }
0xa7: {  	s28 =	spop (v2sf);
	[tilespmem:s7+$0x8810] =	vst v2  }
0xa8: {  	v2 =	vld [tilespmem:s28+$0x8800]  }
0xa9: {  	(v2sf) =	vpush v1, $0xE;
	v3 =	vld [tilespmem:s0+$0xA0];
	_ =	sdelay $0x4  }
0xaa: {  	v2 =	vadd.f32 v3, v2;
	_ =	sdelay $0x1  }
0xab: {  	v3 =	vld [tilespmem:s28+$0x8810];
	[tilespmem:s28+$0x8800] =	vst v2  }
0xac: {  	v2 =	vld [tilespmem:s0+$0xB0];
	_ =	sdelay $0x4  }
0xad: {  	v2 =	vadd.f32 v2, v3;
	_ =	sdelay $0x1  }
0xae: {  	s2 =	spop (v2sf);
	[tilespmem:s28+$0x8810] =	vst v2  }
0xaf: {  	v2 =	vld [tilespmem:s2+$0x8800]  }
0xb0: {  	v3 =	vld [tilespmem:s0+$0xC0]  }
0xb1: {  	(v2sf) =	vpush v1, $0xF;
	_ =	sdelay $0x3  }
0xb2: {  	v2 =	vadd.f32 v3, v2;
	_ =	sdelay $0x1  }
0xb3: {  	v3 =	vld [tilespmem:s2+$0x8810];
	[tilespmem:s2+$0x8800] =	vst v2  }
0xb4: {  	v2 =	vld [tilespmem:s0+$0xD0];
	_ =	sdelay $0x4  }
0xb5: {  	v2 =	vadd.f32 v2, v3;
	_ =	sdelay $0x1  }
0xb6: {  	s1 =	simm.s32 $0x40;
	[tilespmem:s2+$0x8810] =	vst v2;
	s2 =	simm.s32 $0x900  }
.LBB2_5:
0xb7: {  	p0 =	sne.s32 s1, $0xFC0;
	v1 =	vld [tilespmem:s0+$0xE0];
	s2 =	sadd.s32 $0x200, s2;
	s28 =	spop (v2sf)  }
0xb8: {  	s7 =	smov.u32 s1;
	s1 =	sadd.s32 $0x40, s1;
	v2 =	vld [tilespmem:s28+$0x8800];
	_ =	sdelay $0x4  }
0xb9: {  	v1 =	vadd.f32 v1, v2;
	_ =	sdelay $0x1  }
0xba: {  	[tilespmem:s28+$0x8800] =	vst v1;
	v1 =	vld [tilespmem:s28+$0x8810]  }
0xbb: {  	v2 =	vld [tilespmem:s0+$0xF0];
	s0 =	smov.u32 s2;
	_ =	sdelay $0x4  }
0xbc: {  	v1 =	vadd.f32 v2, v1  }
0xbd: {  	s7 =	sshra.s32 s7, $0x2  }
0xbe: {  	[tilespmem:s28+$0x8810] =	vst v1  }
0xbf: {  	v1 =	vld [tilespmem:s7+$0x400];
	_ =	sdelay $0x4  }
0xc0: {  	v1 =	vshll.u32 v1, $0x7  }
0xc1: {  	v1 =	vshra.s32 v1, $0x2  }
0xc2: {  	(v2sf) =	vpush v1, $0x0;
	_ =	sdelay $0xe  }
0xc3: {  	v2 =	vld [tilespmem:s2+$0xFFFFFF00];
	s7 =	spop (v2sf)  }
0xc4: {  	v3 =	vld [tilespmem:s7+$0x8800];
	(v2sf) =	vpush v1, $0x1;
	_ =	sdelay $0x4  }
0xc5: {  	v2 =	vadd.f32 v2, v3;
	_ =	sdelay $0x1  }
0xc6: {  	[tilespmem:s7+$0x8800] =	vst v2;
	v2 =	vld [tilespmem:s7+$0x8810]  }
0xc7: {  	v3 =	vld [tilespmem:s2+$0xFFFFFF10];
	_ =	sdelay $0x4  }
0xc8: {  	v2 =	vadd.f32 v3, v2;
	_ =	sdelay $0x1  }
0xc9: {  	[tilespmem:s7+$0x8810] =	vst v2;
	s7 =	spop (v2sf)  }
0xca: {  	v2 =	vld [tilespmem:s7+$0x8800]  }
0xcb: {  	v3 =	vld [tilespmem:s2+$0xFFFFFF20];
	(v2sf) =	vpush v1, $0x2;
	_ =	sdelay $0x4  }
0xcc: {  	v2 =	vadd.f32 v3, v2;
	_ =	sdelay $0x1  }
0xcd: {  	[tilespmem:s7+$0x8800] =	vst v2;
	v2 =	vld [tilespmem:s7+$0x8810]  }
0xce: {  	v3 =	vld [tilespmem:s2+$0xFFFFFF30];
	_ =	sdelay $0x4  }
0xcf: {  	v2 =	vadd.f32 v3, v2;
	_ =	sdelay $0x1  }
0xd0: {  	[tilespmem:s7+$0x8810] =	vst v2;
	s7 =	spop (v2sf)  }
0xd1: {  	v2 =	vld [tilespmem:s7+$0x8800]  }
0xd2: {  	v3 =	vld [tilespmem:s2+$0xFFFFFF40];
	(v2sf) =	vpush v1, $0x3  }
0xd3: {  	v4 =	vld [tilespmem:s7+$0x8810];
	_ =	sdelay $0x3  }
0xd4: {  	v2 =	vadd.f32 v3, v2;
	_ =	sdelay $0x1  }
0xd5: {  	[tilespmem:s7+$0x8800] =	vst v2  }
0xd6: {  	v2 =	vld [tilespmem:s2+$0xFFFFFF50];
	_ =	sdelay $0x4  }
0xd7: {  	v2 =	vadd.f32 v2, v4;
	_ =	sdelay $0x1  }
0xd8: {  	[tilespmem:s7+$0x8810] =	vst v2;
	s7 =	spop (v2sf)  }
0xd9: {  	v2 =	vld [tilespmem:s7+$0x8800]  }
0xda: {  	v3 =	vld [tilespmem:s2+$0xFFFFFF60];
	(v2sf) =	vpush v1, $0x4;
	_ =	sdelay $0x4  }
0xdb: {  	v2 =	vadd.f32 v3, v2;
	_ =	sdelay $0x1  }
0xdc: {  	[tilespmem:s7+$0x8800] =	vst v2;
	v2 =	vld [tilespmem:s7+$0x8810]  }
0xdd: {  	v3 =	vld [tilespmem:s2+$0xFFFFFF70];
	_ =	sdelay $0x4  }
0xde: {  	v2 =	vadd.f32 v3, v2;
	_ =	sdelay $0x1  }
0xdf: {  	[tilespmem:s7+$0x8810] =	vst v2;
	s7 =	spop (v2sf)  }
0xe0: {  	v2 =	vld [tilespmem:s7+$0x8800]  }
0xe1: {  	v3 =	vld [tilespmem:s2+$0xFFFFFF80];
	(v2sf) =	vpush v1, $0x5;
	_ =	sdelay $0x4  }
0xe2: {  	v2 =	vadd.f32 v3, v2;
	_ =	sdelay $0x1  }
0xe3: {  	[tilespmem:s7+$0x8800] =	vst v2;
	v2 =	vld [tilespmem:s7+$0x8810]  }
0xe4: {  	v3 =	vld [tilespmem:s2+$0xFFFFFF90];
	_ =	sdelay $0x4  }
0xe5: {  	v2 =	vadd.f32 v3, v2;
	_ =	sdelay $0x1  }
0xe6: {  	[tilespmem:s7+$0x8810] =	vst v2;
	s7 =	spop (v2sf)  }
0xe7: {  	v2 =	vld [tilespmem:s7+$0x8800]  }
0xe8: {  	v3 =	vld [tilespmem:s2+$0xFFFFFFA0];
	(v2sf) =	vpush v1, $0x6;
	_ =	sdelay $0x4  }
0xe9: {  	v2 =	vadd.f32 v3, v2;
	_ =	sdelay $0x1  }
0xea: {  	[tilespmem:s7+$0x8800] =	vst v2;
	v2 =	vld [tilespmem:s7+$0x8810]  }
0xeb: {  	v3 =	vld [tilespmem:s2+$0xFFFFFFB0];
	_ =	sdelay $0x4  }
0xec: {  	v2 =	vadd.f32 v3, v2;
	_ =	sdelay $0x1  }
0xed: {  	[tilespmem:s7+$0x8810] =	vst v2;
	s7 =	spop (v2sf)  }
0xee: {  	v2 =	vld [tilespmem:s7+$0x8800]  }
0xef: {  	v3 =	vld [tilespmem:s2+$0xFFFFFFC0];
	(v2sf) =	vpush v1, $0x7;
	_ =	sdelay $0x4  }
0xf0: {  	v2 =	vadd.f32 v3, v2;
	_ =	sdelay $0x1  }
0xf1: {  	[tilespmem:s7+$0x8800] =	vst v2;
	v2 =	vld [tilespmem:s7+$0x8810]  }
0xf2: {  	v3 =	vld [tilespmem:s2+$0xFFFFFFD0];
	_ =	sdelay $0x4  }
0xf3: {  	v2 =	vadd.f32 v3, v2;
	_ =	sdelay $0x1  }
0xf4: {  	[tilespmem:s7+$0x8810] =	vst v2;
	s7 =	spop (v2sf)  }
0xf5: {  	v2 =	vld [tilespmem:s7+$0x8800]  }
0xf6: {  	v3 =	vld [tilespmem:s2+$0xFFFFFFE0];
	(v2sf) =	vpush v1, $0x8;
	_ =	sdelay $0x4  }
0xf7: {  	v2 =	vadd.f32 v3, v2;
	_ =	sdelay $0x1  }
0xf8: {  	[tilespmem:s7+$0x8800] =	vst v2;
	v2 =	vld [tilespmem:s7+$0x8810]  }
0xf9: {  	v3 =	vld [tilespmem:s2+$0xFFFFFFF0];
	_ =	sdelay $0x4  }
0xfa: {  	v2 =	vadd.f32 v3, v2;
	_ =	sdelay $0x1  }
0xfb: {  	[tilespmem:s7+$0x8810] =	vst v2;
	s7 =	spop (v2sf)  }
0xfc: {  	v2 =	vld [tilespmem:s7+$0x8800]  }
0xfd: {  	v3 =	vld [tilespmem:s2+$0x0];
	(v2sf) =	vpush v1, $0x9;
	_ =	sdelay $0x4  }
0xfe: {  	v2 =	vadd.f32 v3, v2;
	_ =	sdelay $0x1  }
0xff: {  	[tilespmem:s7+$0x8800] =	vst v2;
	v2 =	vld [tilespmem:s7+$0x8810]  }
0x100: {  	v3 =	vld [tilespmem:s2+$0x10];
	_ =	sdelay $0x4  }
0x101: {  	v2 =	vadd.f32 v3, v2;
	_ =	sdelay $0x1  }
0x102: {  	[tilespmem:s7+$0x8810] =	vst v2;
	s7 =	spop (v2sf)  }
0x103: {  	v2 =	vld [tilespmem:s7+$0x8800]  }
0x104: {  	v3 =	vld [tilespmem:s2+$0x20];
	(v2sf) =	vpush v1, $0xA  }
0x105: {  	v4 =	vld [tilespmem:s7+$0x8810];
	_ =	sdelay $0x3  }
0x106: {  	v2 =	vadd.f32 v3, v2;
	_ =	sdelay $0x1  }
0x107: {  	[tilespmem:s7+$0x8800] =	vst v2  }
0x108: {  	v2 =	vld [tilespmem:s2+$0x30];
	_ =	sdelay $0x4  }
0x109: {  	v2 =	vadd.f32 v2, v4;
	_ =	sdelay $0x1  }
0x10a: {  	[tilespmem:s7+$0x8810] =	vst v2;
	s7 =	spop (v2sf)  }
0x10b: {  	v2 =	vld [tilespmem:s7+$0x8800]  }
0x10c: {  	v3 =	vld [tilespmem:s2+$0x40];
	(v2sf) =	vpush v1, $0xB  }
0x10d: {  	v4 =	vld [tilespmem:s7+$0x8810];
	_ =	sdelay $0x3  }
0x10e: {  	v2 =	vadd.f32 v3, v2;
	_ =	sdelay $0x1  }
0x10f: {  	[tilespmem:s7+$0x8800] =	vst v2  }
0x110: {  	v2 =	vld [tilespmem:s2+$0x50];
	_ =	sdelay $0x4  }
0x111: {  	v2 =	vadd.f32 v2, v4;
	_ =	sdelay $0x1  }
0x112: {  	[tilespmem:s7+$0x8810] =	vst v2;
	s7 =	spop (v2sf)  }
0x113: {  	v2 =	vld [tilespmem:s7+$0x8800]  }
0x114: {  	v3 =	vld [tilespmem:s2+$0x60];
	(v2sf) =	vpush v1, $0xC  }
0x115: {  	v4 =	vld [tilespmem:s7+$0x8810];
	_ =	sdelay $0x3  }
0x116: {  	v2 =	vadd.f32 v3, v2;
	_ =	sdelay $0x1  }
0x117: {  	[tilespmem:s7+$0x8800] =	vst v2  }
0x118: {  	v2 =	vld [tilespmem:s2+$0x70];
	_ =	sdelay $0x4  }
0x119: {  	v2 =	vadd.f32 v2, v4;
	_ =	sdelay $0x1  }
0x11a: {  	[tilespmem:s7+$0x8810] =	vst v2;
	s7 =	spop (v2sf)  }
0x11b: {  	v2 =	vld [tilespmem:s7+$0x8800]  }
0x11c: {  	v3 =	vld [tilespmem:s2+$0x80];
	(v2sf) =	vpush v1, $0xD  }
0x11d: {  	v4 =	vld [tilespmem:s7+$0x8810];
	_ =	sdelay $0x3  }
0x11e: {  	v2 =	vadd.f32 v3, v2;
	_ =	sdelay $0x1  }
0x11f: {  	[tilespmem:s7+$0x8800] =	vst v2  }
0x120: {  	v2 =	vld [tilespmem:s2+$0x90];
	_ =	sdelay $0x4  }
0x121: {  	v2 =	vadd.f32 v2, v4;
	_ =	sdelay $0x1  }
0x122: {  	[tilespmem:s7+$0x8810] =	vst v2;
	s7 =	spop (v2sf)  }
0x123: {  	v2 =	vld [tilespmem:s7+$0x8800]  }
0x124: {  	v3 =	vld [tilespmem:s2+$0xA0];
	(v2sf) =	vpush v1, $0xE  }
0x125: {  	v4 =	vld [tilespmem:s7+$0x8810];
	_ =	sdelay $0x3  }
0x126: {  	v2 =	vadd.f32 v3, v2;
	_ =	sdelay $0x1  }
0x127: {  	[tilespmem:s7+$0x8800] =	vst v2  }
0x128: {  	v2 =	vld [tilespmem:s2+$0xB0];
	_ =	sdelay $0x4  }
0x129: {  	v2 =	vadd.f32 v2, v4;
	_ =	sdelay $0x1  }
0x12a: {  	[tilespmem:s7+$0x8810] =	vst v2;
	s7 =	spop (v2sf)  }
0x12b: {  	v2 =	vld [tilespmem:s7+$0x8800]  }
0x12c: {  	v3 =	vld [tilespmem:s2+$0xC0]  }
0x12d: {  	v4 =	vld [tilespmem:s7+$0x8810];
	(v2sf) =	vpush v1, $0xF;
	_ =	sdelay $0x3  }
0x12e: {  	v1 =	vadd.f32 v3, v2;
	_ =	sdelay $0x1  }
0x12f: {  	[tilespmem:s7+$0x8800] =	vst v1  }
0x130: {  	v1 =	vld [tilespmem:s2+$0xD0];
	_ =	sdelay $0x2  }
.Ltmp1:
0x131: {  	(pc) =	sbr.rel @p0 .LBB2_5-.Ltmp1, $3  }
0x132: {  	_ = 	snop  }
0x133: {  	v1 =	vadd.f32 v1, v4;
	_ =	sdelay $0x1  }
0x134: {  	[tilespmem:s7+$0x8810] =	vst v1  }
0x135: {  	v1 =	vld [tilespmem:s0+$0xE0];
	s1 =	spop (v2sf)  }
0x136: {  	v2 =	vld [tilespmem:s1+$0x8800];
	_ =	sdelay $0x4  }
0x137: {  	v1 =	vadd.f32 v1, v2;
	_ =	sdelay $0x1  }
0x138: {  	[tilespmem:s1+$0x8800] =	vst v1;
	v1 =	vld [tilespmem:s1+$0x8810]  }
0x139: {  	v2 =	vld [tilespmem:s0+$0xF0]  }
0x13a: {  	s31 =	sadd.s32 $0x1, s31  }
0x13b: {  	p0 =	sne.s32 s31, $0x20  }
.Ltmp2:
0x13c: {  	_ = 	snop;
	(pc) =	sbr.rel @p0 .LBB2_4-.Ltmp2, $3  }
0x13d: {  	_ = 	snop  }
0x13e: {  	v1 =	vadd.f32 v2, v1;
	_ =	sdelay $0x1  }
0x13f: {  	[tilespmem:s1+$0x8810] =	vst v1  }
0x140: {  	s29 =	sadd.s32 $0x1, s29  }
0x141: {  	s0 =	simm.s32 $0x0;
	p0 =	sne.s32 s29, s8  }
.Ltmp3:
0x142: {  	s1 =	rddreg [dreg:$0x2];
	s2 =	simm.s32 $0x8800;
	(pc) =	sbr.rel @p0 .LBB2_1-.Ltmp3, $4  }
0x143: {  	[hbm4b:s1+s0] =	stream.linear.scatter [tilespmem:s2], [sflag:$0x2], $0xC400, $0x38;
	[tilespmem:$0x14D00] =	vst v63  }
0x144: {  	_ =	swait.ge [sflag:s9], $0xC400  }
0x145: {  	[sflag:s9] =	ssyncset.done $0x0  }
0x146: {  	[sflag:s9] =	ssyncadd.s32 $0xFFFF3C00  }
0x147: {  	_ =	sfence.sel $0x180000  }
0x148: {  	[bflag:$0x0] =	sbarrier.arrive $0xFFFF  }
0x149: {  	_ =	strace $0x90000056  }
0x14a: {  	s0 =	stileid.u32;
	[bflag:$0x2] =	sbarrier.arrive $0xFFFF  }
0x14b: {  	p0 =	sne.s32 s0, $0x0;
	s0 =	rddreg [dreg:$0x1]  }
0x14c: {  	s0 =	sadd.s32 @!p0 $0x100000, s0  }
0x14d: {  	[sflag:s0] =	ssyncadd.tile.s32 @!p0 $0x1;
	_ =	shalt  }
.Lfunc_end2:
_tile_overlayer_lowered:
.L_overlay_start_2:
0x14e: {  	(tag) =	ssettag $0x2  }
0x14f: {  	s0 =	rddreg [dreg:$0x0];
	s2 =	stileid.u32  }
0x150: {  	s1 =	rddreg [dreg:$0x1];
	p0 =	sne.s32 s2, $0x0  }
0x151: {  	s3 =	rddreg [dreg:$0x2];
	[bflag:$0x3] =	sbarrier.arrive $0xFFFF;
	s2 =	simm.s32 @!p0 $0x1C02  }
0x152: {  	[timem:s3], [sflag:s2] =	dma.local @!p0 [hbm:s0], s1  }
0x153: {  	s0 =	simm.s32 @!p0 $0x2  }
0x154: {  	_ =	swait.ge @!p0 [sflag:s0], s1  }
0x155: {  	s1 =	ssub.s32 @!p0 $0x0, s1;
	[sflag:s0] =	ssyncset.done @!p0 $0x0  }
0x156: {  	[sflag:s0] =	ssyncadd.s32 @!p0 s1  }
0x157: {  	[bflag:$0x3] =	sbarrier.arrive $0xFFFF  }
0x158: {  	_ =	shalt  }

</sc_bundles>
